<compile_context>
chip_gen: v7x
topology: tpu7x:2x2x1
jax: 0.10.2.dev20260603
libtpu: 0.0.44.dev20260713+nightly
codegen_flags: <defaults>
</compile_context>

<pallas_src>
import functools

import jax
import jax.numpy as jnp
from jax import lax
from jax.experimental import pallas as pl
from jax.experimental.pallas import tpu as pltpu
from jax.experimental.pallas import tpu_sc as plsc

N = 10000
E = 160000
IN = 256
H = 512
OUT = 128
G = 64
EPS = 1e-5
_BNS = (1.0 + EPS) ** -0.5

_CW = 128
_CB = 128
_NSUB = 16
_EPAD = 1280 * _CB
_KPT = _EPAD // _CB // _NSUB // 2
_AROWS = 10240
_RB = _AROWS // _NSUB
_SB = 16
_WLAST = N - (_NSUB - 1) * _RB
_R = 1000
_NB = N // _R



def _zero_acc(sid, acc, zh):
    pltpu.sync_copy(zh, acc.at[pl.ds(sid * _RB, _RB)])


def _writeback(sid, acc, out):
    @pl.when(sid < _NSUB - 1)
    def _():
        pltpu.sync_copy(acc.at[pl.ds(sid * _RB, _RB)],
                        out.at[pl.ds(sid * _RB, _RB)])

    @pl.when(sid == _NSUB - 1)
    def _():
        r0 = (_NSUB - 1) * _RB
        pltpu.sync_copy(acc.at[pl.ds(r0, _WLAST)], out.at[pl.ds(r0, _WLAST)])


def _edge_pass(table, acc, srcv, dstv, rows, gsems, ssems):
    def fire_gather(k, b):
        pltpu.async_copy(table.at[srcv.at[k]], rows.at[b], gsems[b])

    def wait_gather(k, b):
        pltpu.make_async_copy(table.at[srcv.at[k]], rows.at[b],
                              gsems[b]).wait()

    def fire_scatter(k, b):
        pltpu.async_copy(rows.at[b], acc.at[dstv.at[k]], ssems[b], add=True)

    def wait_scatter(k, b):
        pltpu.make_async_copy(rows.at[b], acc.at[dstv.at[k]],
                              ssems[b]).wait()

    fire_gather(0, 0)
    fire_gather(1, 1)

    def body(q, carry):
        for b in range(2):
            k = q * 2 + b
            wait_gather(k, b)
            fire_scatter(k, b)
            wait_scatter(k, b)

            @pl.when(k + 2 < _KPT)
            def _(k=k, b=b):
                fire_gather(k + 2, b)
        return carry

    lax.fori_loop(0, _KPT // 2, body, 0)


def _sc_segsum(tables, srcP, dstP, zeros_in, ones128, with_counts):
    npass = len(tables)
    ntot = 2 * npass + (2 if with_counts else 0)
    mesh = plsc.VectorSubcoreMesh(core_axis_name="c", subcore_axis_name="s")
    out_type = [jax.ShapeDtypeStruct((N, _CW), jnp.float32)] * ntot
    scratch = [
        pltpu.VMEM((_KPT, _CB), jnp.int32),
        pltpu.VMEM((_KPT, _CB), jnp.int32),
        pltpu.VMEM((2, _CB, _CW), jnp.float32),
        pltpu.VMEM_SHARED((_AROWS, _CW), jnp.float32),
        pltpu.SemaphoreType.DMA,
        pltpu.SemaphoreType.DMA,
        pltpu.SemaphoreType.DMA,
        pltpu.SemaphoreType.DMA,
    ]

    @functools.partial(pl.kernel, out_type=out_type, mesh=mesh,
                       scratch_types=scratch)
    def k(*refs):
        tabs = refs[:npass]
        sh, dh, zh, onesh = refs[npass:npass + 4]
        s_outs = refs[npass + 4:npass + 4 + ntot]
        (srcv, dstv, rows, acc,
         g0s, g1s, s0s, s1s) = refs[npass + 4 + ntot:]
        gsems = (g0s, g1s)
        ssems = (s0s, s1s)

        cid = lax.axis_index("c")
        sid = lax.axis_index("s")
        coff = (cid * _NSUB + sid) * _KPT
        pltpu.sync_copy(sh.at[pl.ds(coff, _KPT)], srcv)
        pltpu.sync_copy(dh.at[pl.ds(coff, _KPT)], dstv)

        def wb(outs):
            @pl.when(cid == 0)
            def _():
                _writeback(sid, acc, outs[0])

            @pl.when(cid == 1)
            def _():
                _writeback(sid, acc, outs[1])

        for p in range(npass):
            _zero_acc(sid, acc, zh)
            plsc.subcore_barrier()
            _edge_pass(tabs[p], acc, srcv, dstv, rows, gsems, ssems)
            plsc.subcore_barrier()
            wb(s_outs[2 * p:2 * p + 2])
            plsc.subcore_barrier()

        if with_counts:
            _zero_acc(sid, acc, zh)
            pltpu.sync_copy(onesh, rows.at[0])
            plsc.subcore_barrier()
            ones_src = rows.at[0]

            def cfire(kk, b):
                pltpu.async_copy(ones_src, acc.at[dstv.at[kk]], ssems[b],
                                 add=True)

            def cwait(kk, b):
                pltpu.make_async_copy(ones_src, acc.at[dstv.at[kk]],
                                      ssems[b]).wait()

            cfire(0, 0)
            cfire(1, 1)

            def cbody(q, carry):
                for b in range(2):
                    kk = q * 2 + b
                    cwait(kk, b)

                    @pl.when(kk + 2 < _KPT)
                    def _(kk=kk, b=b):
                        cfire(kk + 2, b)
                return carry

            lax.fori_loop(0, _KPT // 2, cbody, 0)
            plsc.subcore_barrier()
            wb(s_outs[2 * npass:2 * npass + 2])

    args = list(tables) + [srcP, dstP, zeros_in, ones128]
    res = k(*args)
    return tuple(res) if isinstance(res, (list, tuple)) else (res,)


_PROBE_STAGE = 3


def _sc_probe(table, srcP, dloP, zeros_in):
    mesh = plsc.VectorSubcoreMesh(core_axis_name="c", subcore_axis_name="s")
    scratch = [
        pltpu.VMEM((_CB,), jnp.int32),
        pltpu.VMEM((_CB,), jnp.int32),
        pltpu.VMEM((_CB, _CW), jnp.float32),
        pltpu.VMEM((_SB, _CW), jnp.float32),
        pltpu.VMEM((_SB, _CW), jnp.float32),
        pltpu.VMEM_SHARED((_AROWS, _CW), jnp.float32),
        pltpu.SemaphoreType.DMA,
    ]

    @functools.partial(
        pl.kernel,
        out_type=jax.ShapeDtypeStruct((N, _CW), jnp.float32),
        mesh=mesh, scratch_types=scratch)
    def k(tab, sh, dlo, zh, s_out, srcv, dstv, rows, zbuf, wbuf, acc, sem):
        cid = lax.axis_index("c")
        sid = lax.axis_index("s")
        base = cid * _HN
        pltpu.sync_copy(zh, zbuf)
        _zero_acc(sid, acc, zbuf)
        plsc.subcore_barrier()

        if _PROBE_STAGE >= 2:
            def body(kk, carry):
                off = (sid + kk * _NSUB) * _CB
                pltpu.sync_copy(sh.at[pl.ds(off, _CB)], srcv)
                pltpu.sync_copy(dlo.at[pl.ds(off, _CB)], dstv)
                pltpu.async_copy(tab.at[srcv], rows, sem).wait()
                if _PROBE_STAGE >= 3:
                    pltpu.sync_copy(rows, acc.at[dstv], add=True)
                return carry

            lax.fori_loop(0, _KPT, body, 0)
        plsc.subcore_barrier()
        _writeback(sid, acc, wbuf, s_out, base)

    return k(table, srcP, dloP, zeros_in)



def _tc_layer0(s0p, cntp, x, Wl0T, Wr0T, bl0, g0, b0):
    def body(a0, b0_, a1, b1_, ca, cb, x_ref, wl_ref, wr_ref, bl_ref,
             g_ref, b_ref, ofull, *ochunks):
        inv = 1.0 / jnp.maximum(ca[...] + cb[...], 1.0)
        s0 = jnp.concatenate([a0[...] + b0_[...], a1[...] + b1_[...]],
                             axis=1)
        zl = jnp.dot(s0, wl_ref[...], preferred_element_type=jnp.float32)
        zr = jnp.dot(x_ref[...], wr_ref[...],
                     preferred_element_type=jnp.float32)
        z = jnp.concatenate(
            [zl[:, c * 128:(c + 1) * 128] * inv for c in range(H // 128)],
            axis=1)
        z = ((z + zr + bl_ref[...]) * (g_ref[...] * _BNS)) + b_ref[...]
        h = jnp.maximum(z, 0.0)
        ofull[...] = h
        for j, o in enumerate(ochunks):
            o[...] = h[:, j * _CW:(j + 1) * _CW]

    return pl.pallas_call(
        body,
        grid=(_NB,),
        in_specs=[pl.BlockSpec((_R, 128), lambda i: (i, 0))] * 6 + [
            pl.BlockSpec((_R, IN), lambda i: (i, 0)),
            pl.BlockSpec((IN, H), lambda i: (0, 0)),
            pl.BlockSpec((IN, H), lambda i: (0, 0)),
            pl.BlockSpec((1, H), lambda i: (0, 0)),
            pl.BlockSpec((1, H), lambda i: (0, 0)),
            pl.BlockSpec((1, H), lambda i: (0, 0)),
        ],
        out_specs=[pl.BlockSpec((_R, H), lambda i: (i, 0))] +
                  [pl.BlockSpec((_R, _CW), lambda i: (i, 0))] * (H // _CW),
        out_shape=[jax.ShapeDtypeStruct((N, H), jnp.float32)] +
                  [jax.ShapeDtypeStruct((N, _CW), jnp.float32)] * (H // _CW),
    )(s0p[0], s0p[1], s0p[2], s0p[3], cntp[0], cntp[1],
      x, Wl0T, Wr0T, bl0, g0, b0)


def _tc_layer1(s1p, hfull, cntp, batch3, Wl1T, Wr1T, bl1, g1, b1,
               WlinT, blin):
    def body(p0, q0, p1, q1, p2, q2, p3, q3, h_ref, ca, cb, bt_ref,
             wl_ref, wr_ref, bl_ref, g_ref, b_ref, wo_ref, bo_ref,
             out_ref, pacc, pcacc):
        i = pl.program_id(0)
        inv = 1.0 / jnp.maximum(ca[...] + cb[...], 1.0)
        s1 = jnp.concatenate([p0[...] + q0[...], p1[...] + q1[...],
                              p2[...] + q2[...], p3[...] + q3[...]], axis=1)
        zl = jnp.dot(s1, wl_ref[...], preferred_element_type=jnp.float32)
        zr = jnp.dot(h_ref[...], wr_ref[...],
                     preferred_element_type=jnp.float32)
        z = jnp.concatenate(
            [zl[:, c * 128:(c + 1) * 128] * inv for c in range(H // 128)],
            axis=1)
        z = ((z + zr + bl_ref[...]) * (g_ref[...] * _BNS)) + b_ref[...]
        h = jnp.maximum(z, 0.0)

        bt = bt_ref[0]
        rows_iota = lax.broadcasted_iota(jnp.int32, (G, _R), 0)
        oh = (rows_iota == bt).astype(jnp.float32)
        ps = jnp.dot(oh, h, preferred_element_type=jnp.float32)
        pc = jnp.sum(oh, axis=1, keepdims=True)

        @pl.when(i == 0)
        def _():
            pacc[...] = jnp.zeros_like(pacc)
            pcacc[...] = jnp.zeros_like(pcacc)

        pacc[...] += ps
        pcacc[...] += jnp.broadcast_to(pc, (G, 128))

        @pl.when(i == _NB - 1)
        def _():
            invp = 1.0 / jnp.maximum(pcacc[...], 1.0)
            o = bo_ref[...]
            for c in range(H // 128):
                o += jnp.dot(pacc[:, c * 128:(c + 1) * 128] * invp,
                             wo_ref[c * 128:(c + 1) * 128, :],
                             preferred_element_type=jnp.float32)
            out_ref[...] = o

    return pl.pallas_call(
        body,
        grid=(_NB,),
        in_specs=[pl.BlockSpec((_R, 128), lambda i: (i, 0))] * 8 + [
            pl.BlockSpec((_R, H), lambda i: (i, 0)),
            pl.BlockSpec((_R, 128), lambda i: (i, 0)),
            pl.BlockSpec((_R, 128), lambda i: (i, 0)),
            pl.BlockSpec((1, 1, _R), lambda i: (i, 0, 0)),
            pl.BlockSpec((H, H), lambda i: (0, 0)),
            pl.BlockSpec((H, H), lambda i: (0, 0)),
            pl.BlockSpec((1, H), lambda i: (0, 0)),
            pl.BlockSpec((1, H), lambda i: (0, 0)),
            pl.BlockSpec((1, H), lambda i: (0, 0)),
            pl.BlockSpec((H, OUT), lambda i: (0, 0)),
            pl.BlockSpec((1, OUT), lambda i: (0, 0)),
        ],
        out_specs=pl.BlockSpec((G, OUT), lambda i: (0, 0)),
        out_shape=jax.ShapeDtypeStruct((G, OUT), jnp.float32),
        scratch_shapes=[pltpu.VMEM((G, H), jnp.float32),
                        pltpu.VMEM((G, 128), jnp.float32)],
    )(s1p[0], s1p[1], s1p[2], s1p[3], s1p[4], s1p[5], s1p[6], s1p[7],
      hfull, cntp[0], cntp[1], batch3, Wl1T, Wr1T, bl1, g1, b1, WlinT, blin)



def kernel(x, edge_index, batch, Wl0, bl0, Wr0, Wl1, bl1, Wr1,
           g0, b0, g1, b1, Wlin, blin):
    src = edge_index[0]
    dst = edge_index[1]
    srcP = jnp.concatenate([src, jnp.zeros((_EPAD - E,), jnp.int32)])
    srcP = srcP.reshape(_EPAD // _CB, _CB)
    dstP = jnp.concatenate([dst, jnp.full((_EPAD - E,), N, jnp.int32)])
    dstP = dstP.reshape(_EPAD // _CB, _CB)
    xc = [x[:, j * _CW:(j + 1) * _CW] for j in range(IN // _CW)]
    zeros_in = jnp.zeros((_RB, _CW), jnp.float32)
    ones128 = jnp.ones((_CB, _CW), jnp.float32)

    res0 = _sc_segsum(xc, srcP, dstP, zeros_in, ones128, True)
    h = _tc_layer0(res0[:4], res0[4:6], x, Wl0.T, Wr0.T,
                   bl0[None, :], g0[None, :], b0[None, :])
    hfull, hc = h[0], h[1:]
    res1 = _sc_segsum(list(hc), srcP, dstP, zeros_in, ones128, False)
    out = _tc_layer1(res1, hfull, res0[4:6], batch.reshape(_NB, 1, _R),
                     Wl1.T, Wr1.T, bl1[None, :], g1[None, :], b1[None, :],
                     Wlin.T, blin[None, :])
    return out

# --- scband reference (transcript-rebuilt; emitter-appended) ---
"""Pipeline reference for scband-gnn-58669253263736 (READ-ONLY COPY).

The authoritative reference and input builder live on the scoring server;
editing this copy changes nothing except your own understanding.
"""

import jax, jax.numpy as jnp
import numpy as np

N = 10000
E = 160000
IN = 256
H = 512
OUT = 128
G = 64
EPS = 1e-5


def setup_inputs(seed: int = 0) -> dict:
    key = jax.random.key(seed)
    ks = jax.random.split(key, 16)
    x = jax.random.normal(ks[0], (N, IN), jnp.float32)
    edge_index = jax.random.randint(ks[1], (2, E), 0, N, jnp.int32)
    batch = jnp.sort(jax.random.randint(ks[2], (N,), 0, G, jnp.int32))
    s_in = 1.0 / np.sqrt(IN)
    s_h = 1.0 / np.sqrt(H)
    Wl0 = jax.random.normal(ks[3], (H, IN), jnp.float32) * s_in
    bl0 = jnp.zeros((H,), jnp.float32)
    Wr0 = jax.random.normal(ks[4], (H, IN), jnp.float32) * s_in
    Wl1 = jax.random.normal(ks[5], (H, H), jnp.float32) * s_h
    bl1 = jnp.zeros((H,), jnp.float32)
    Wr1 = jax.random.normal(ks[6], (H, H), jnp.float32) * s_h
    g0 = jnp.ones((H,), jnp.float32)
    b0 = jnp.zeros((H,), jnp.float32)
    g1 = jnp.ones((H,), jnp.float32)
    b1 = jnp.zeros((H,), jnp.float32)
    Wlin = jax.random.normal(ks[7], (OUT, H), jnp.float32) * s_h
    blin = jnp.zeros((OUT,), jnp.float32)
    return {"x": x, "edge_index": edge_index, "batch": batch,
            "Wl0": Wl0, "bl0": bl0, "Wr0": Wr0,
            "Wl1": Wl1, "bl1": bl1, "Wr1": Wr1,
            "g0": g0, "b0": b0, "g1": g1, "b1": b1,
            "Wlin": Wlin, "blin": blin}


def _sage_conv(h, src, dst, Wl, bl, Wr):
    # PyG SAGEConv: out = lin_l(mean_{j in N(i)} x_j) + lin_r(x_i)
    msg = h[src]
    s = jax.ops.segment_sum(msg, dst, num_segments=N)
    cnt = jax.ops.segment_sum(jnp.ones((dst.shape[0],), h.dtype), dst, num_segments=N)
    mean = s / jnp.clip(cnt, 1.0)[:, None]
    return mean @ Wl.T + bl + h @ Wr.T


def _bn_eval(h, g, b):
    # BatchNorm1d in eval mode with running_mean=0, running_var=1
    return (h / jnp.sqrt(1.0 + EPS)) * g + b


def reference(x, edge_index, batch, Wl0, bl0, Wr0, Wl1, bl1, Wr1, g0, b0, g1, b1, Wlin, blin):
    src = edge_index[0]
    dst = edge_index[1]
    h = _sage_conv(x, src, dst, Wl0, bl0, Wr0)
    h = jax.nn.relu(_bn_eval(h, g0, b0))
    h = _sage_conv(h, src, dst, Wl1, bl1, Wr1)
    h = jax.nn.relu(_bn_eval(h, g1, b1))
    # global_mean_pool
    psum = jax.ops.segment_sum(h, batch, num_segments=G)
    pcnt = jax.ops.segment_sum(jnp.ones((N,), h.dtype), batch, num_segments=G)
    pooled = psum / jnp.clip(pcnt, 1.0)[:, None]
    return pooled @ Wlin.T + blin

if __name__ == "__main__":
    import jax
    _d = setup_inputs()
    print(jax.jit(kernel)(*tuple(_d.values())))

</pallas_src>

<mosaic_0001>
#map = affine_map<(d0, d1) -> (0, 0)>
module attributes {stable_mosaic.version = 14 : i64} {
  func.func @k(%arg0: i32, %arg1: i32, %arg2: memref<10000x128xf32, #tpu.memory_space<hbm>>, %arg3: memref<10000x128xf32, #tpu.memory_space<hbm>>, %arg4: memref<10000x128xf32, #tpu.memory_space<hbm>>, %arg5: memref<10000x128xf32, #tpu.memory_space<hbm>>, %arg6: memref<1280x128xi32, #tpu.memory_space<hbm>>, %arg7: memref<1280x128xi32, #tpu.memory_space<hbm>>, %arg8: memref<640x128xf32, #tpu.memory_space<hbm>>, %arg9: memref<128x128xf32, #tpu.memory_space<hbm>>, %arg10: memref<10000x128xf32, #tpu.memory_space<hbm>>, %arg11: memref<10000x128xf32, #tpu.memory_space<hbm>>, %arg12: memref<10000x128xf32, #tpu.memory_space<hbm>>, %arg13: memref<10000x128xf32, #tpu.memory_space<hbm>>, %arg14: memref<10000x128xf32, #tpu.memory_space<hbm>>, %arg15: memref<10000x128xf32, #tpu.memory_space<hbm>>, %arg16: memref<10000x128xf32, #tpu.memory_space<hbm>>, %arg17: memref<10000x128xf32, #tpu.memory_space<hbm>>, %arg18: memref<40x128xi32, #tpu.memory_space<vmem>>, %arg19: memref<40x128xi32, #tpu.memory_space<vmem>>, %arg20: memref<2x128x128xf32, #tpu.memory_space<vmem>>, %arg21: memref<10240x128xf32, #tpu.memory_space<vmem_shared>>, %arg22: memref<!tpu.dma_semaphore, #tpu.memory_space<semaphore_mem>>, %arg23: memref<!tpu.dma_semaphore, #tpu.memory_space<semaphore_mem>>, %arg24: memref<!tpu.dma_semaphore, #tpu.memory_space<semaphore_mem>>, %arg25: memref<!tpu.dma_semaphore, #tpu.memory_space<semaphore_mem>>) attributes {dimension_semantics = [#tpu.dimension_semantics<core_parallel>, #tpu.dimension_semantics<subcore_parallel>], iteration_bounds = array<i64: 2, 16>, scalar_prefetch = 0 : i64, scratch_operands = 8 : i64, tpu.core_type = #tpu.core_type<sc_vector_subcore>, window_params = [{transform_indices = #map}, {transform_indices = #map}, {transform_indices = #map}, {transform_indices = #map}, {transform_indices = #map}, {transform_indices = #map}, {transform_indices = #map}, {transform_indices = #map}, {transform_indices = #map}, {transform_indices = #map}, {transform_indices = #map}, {transform_indices = #map}, {transform_indices = #map}, {transform_indices = #map}, {transform_indices = #map}, {transform_indices = #map}]} {
    %mul3A = arith.constant 16 : i32
    %mul3A_0 = arith.muli %arg0, %mul3A : i32
    %add3A = arith.addi %mul3A_0, %arg1 : i32
    %mul3A_1 = arith.constant 40 : i32
    %mul3A_2 = arith.muli %add3A, %mul3A_1 : i32
    "tpu.region"() ({
      %run_scoped3A = tpu.sem_alloc : memref<!tpu.dma_semaphore, #tpu.memory_space<semaphore_mem>>
      %dma_start3A_177 = arith.constant 0 : i32
      %dma_start3A_178 = tpu.memref_slice %arg6[%mul3A_2, %dma_start3A_177] : memref<1280x128xi32, #tpu.memory_space<hbm>> -> memref<40x128xi32, #tpu.memory_space<hbm>>
      %dma_start3A_179 = arith.constant 0 : i32
      %dma_start3A_180 = tpu.memref_slice %arg6[%mul3A_2, %dma_start3A_179] : memref<1280x128xi32, #tpu.memory_space<hbm>> -> memref<40x128xi32, #tpu.memory_space<hbm>>
      tpu.enqueue_dma source(%dma_start3A_180 : memref<40x128xi32, #tpu.memory_space<hbm>>) target(%arg18 : memref<40x128xi32, #tpu.memory_space<vmem>>) target_semaphore(%run_scoped3A : memref<!tpu.dma_semaphore, #tpu.memory_space<semaphore_mem>>)
      %dma_wait3A = arith.constant 0 : i32
      %dma_wait3A_181 = tpu.memref_slice %arg6[%mul3A_2, %dma_wait3A] : memref<1280x128xi32, #tpu.memory_space<hbm>> -> memref<40x128xi32, #tpu.memory_space<hbm>>
      %dma_wait3A_182 = arith.constant 0 : i32
      %dma_wait3A_183 = tpu.memref_slice %arg6[%mul3A_2, %dma_wait3A_182] : memref<1280x128xi32, #tpu.memory_space<hbm>> -> memref<40x128xi32, #tpu.memory_space<hbm>>
      tpu.wait_dma2 semaphore(%run_scoped3A : memref<!tpu.dma_semaphore, #tpu.memory_space<semaphore_mem>>) src(%dma_wait3A_183 : memref<40x128xi32, #tpu.memory_space<hbm>>) dst(%arg18 : memref<40x128xi32, #tpu.memory_space<vmem>>)
      tpu.yield
    }) : () -> ()
    "tpu.region"() ({
      %run_scoped3A = tpu.sem_alloc : memref<!tpu.dma_semaphore, #tpu.memory_space<semaphore_mem>>
      %dma_start3A_177 = arith.constant 0 : i32
      %dma_start3A_178 = tpu.memref_slice %arg7[%mul3A_2, %dma_start3A_177] : memref<1280x128xi32, #tpu.memory_space<hbm>> -> memref<40x128xi32, #tpu.memory_space<hbm>>
      %dma_start3A_179 = arith.constant 0 : i32
      %dma_start3A_180 = tpu.memref_slice %arg7[%mul3A_2, %dma_start3A_179] : memref<1280x128xi32, #tpu.memory_space<hbm>> -> memref<40x128xi32, #tpu.memory_space<hbm>>
      tpu.enqueue_dma source(%dma_start3A_180 : memref<40x128xi32, #tpu.memory_space<hbm>>) target(%arg19 : memref<40x128xi32, #tpu.memory_space<vmem>>) target_semaphore(%run_scoped3A : memref<!tpu.dma_semaphore, #tpu.memory_space<semaphore_mem>>)
      %dma_wait3A = arith.constant 0 : i32
      %dma_wait3A_181 = tpu.memref_slice %arg7[%mul3A_2, %dma_wait3A] : memref<1280x128xi32, #tpu.memory_space<hbm>> -> memref<40x128xi32, #tpu.memory_space<hbm>>
      %dma_wait3A_182 = arith.constant 0 : i32
      %dma_wait3A_183 = tpu.memref_slice %arg7[%mul3A_2, %dma_wait3A_182] : memref<1280x128xi32, #tpu.memory_space<hbm>> -> memref<40x128xi32, #tpu.memory_space<hbm>>
      tpu.wait_dma2 semaphore(%run_scoped3A : memref<!tpu.dma_semaphore, #tpu.memory_space<semaphore_mem>>) src(%dma_wait3A_183 : memref<40x128xi32, #tpu.memory_space<hbm>>) dst(%arg19 : memref<40x128xi32, #tpu.memory_space<vmem>>)
      tpu.yield
    }) : () -> ()
    %mul3A_3 = arith.constant 640 : i32
    %mul3A_4 = arith.muli %arg1, %mul3A_3 : i32
    "tpu.region"() ({
      %run_scoped3A = tpu.sem_alloc : memref<!tpu.dma_semaphore, #tpu.memory_space<semaphore_mem>>
      %dma_start3A_177 = arith.constant 0 : i32
      %dma_start3A_178 = tpu.memref_slice %arg21[%mul3A_4, %dma_start3A_177] : memref<10240x128xf32, #tpu.memory_space<vmem_shared>> -> memref<640x128xf32, #tpu.memory_space<vmem_shared>>
      tpu.enqueue_dma source(%arg8 : memref<640x128xf32, #tpu.memory_space<hbm>>) target(%dma_start3A_178 : memref<640x128xf32, #tpu.memory_space<vmem_shared>>) target_semaphore(%run_scoped3A : memref<!tpu.dma_semaphore, #tpu.memory_space<semaphore_mem>>)
      %dma_wait3A = arith.constant 0 : i32
      %dma_wait3A_179 = tpu.memref_slice %arg21[%mul3A_4, %dma_wait3A] : memref<10240x128xf32, #tpu.memory_space<vmem_shared>> -> memref<640x128xf32, #tpu.memory_space<vmem_shared>>
      tpu.wait_dma2 semaphore(%run_scoped3A : memref<!tpu.dma_semaphore, #tpu.memory_space<semaphore_mem>>) src(%arg8 : memref<640x128xf32, #tpu.memory_space<hbm>>) dst(%dma_wait3A_179 : memref<640x128xf32, #tpu.memory_space<vmem_shared>>)
      tpu.yield
    }) : () -> ()
    %barrier3A = arith.constant 0 : index
    tpu.barrier barrier_id(%barrier3A)
    %dma_start3A = arith.constant 0 : i32
    %dma_start3A_5 = arith.constant 0 : i32
    %dma_start3A_6 = arith.constant 0 : i32
    %dma_start3A_7 = arith.constant 0 : i32
    %dma_start3A_8 = tpu.memref_slice %arg20[%dma_start3A_5, %dma_start3A_6, %dma_start3A_7] : memref<2x128x128xf32, #tpu.memory_space<vmem>> -> memref<1x128x128xf32, #tpu.memory_space<vmem>>
    %dma_start3A_9 = tpu.memref_squeeze %dma_start3A_8 : memref<1x128x128xf32, #tpu.memory_space<vmem>> -> memref<128x128xf32, #tpu.memory_space<vmem>>
    %dma_start3A_10 = arith.constant 0 : i32
    %dma_start3A_11 = tpu.memref_slice %arg18[%dma_start3A, %dma_start3A_10] : memref<40x128xi32, #tpu.memory_space<vmem>> -> memref<1x128xi32, #tpu.memory_space<vmem>>
    %dma_start3A_12 = tpu.memref_squeeze %dma_start3A_11 : memref<1x128xi32, #tpu.memory_space<vmem>> -> memref<128xi32, #tpu.memory_space<vmem>>
    %dma_start3A_13 = arith.constant 0 : i32
    %dma_start3A_14 = arith.constant 0 : i32
    %dma_start3A_15 = tpu.memref_slice %arg2[%dma_start3A_13, %dma_start3A_14] : memref<10000x128xf32, #tpu.memory_space<hbm>> -> memref<10000x128xf32, #tpu.memory_space<hbm>>
    tpu.enqueue_indirect_dma source(%dma_start3A_15 : memref<10000x128xf32, #tpu.memory_space<hbm>>) target(%dma_start3A_9 : memref<128x128xf32, #tpu.memory_space<vmem>>) offsets(%dma_start3A_12 : memref<128xi32, #tpu.memory_space<vmem>>) semaphore(%arg22 : memref<!tpu.dma_semaphore, #tpu.memory_space<semaphore_mem>>)
    %dma_start3A_16 = arith.constant 1 : i32
    %dma_start3A_17 = arith.constant 1 : i32
    %dma_start3A_18 = arith.constant 0 : i32
    %dma_start3A_19 = arith.constant 0 : i32
    %dma_start3A_20 = tpu.memref_slice %arg20[%dma_start3A_17, %dma_start3A_18, %dma_start3A_19] : memref<2x128x128xf32, #tpu.memory_space<vmem>> -> memref<1x128x128xf32, #tpu.memory_space<vmem>>
    %dma_start3A_21 = tpu.memref_squeeze %dma_start3A_20 : memref<1x128x128xf32, #tpu.memory_space<vmem>> -> memref<128x128xf32, #tpu.memory_space<vmem>>
    %dma_start3A_22 = arith.constant 0 : i32
    %dma_start3A_23 = tpu.memref_slice %arg18[%dma_start3A_16, %dma_start3A_22] : memref<40x128xi32, #tpu.memory_space<vmem>> -> memref<1x128xi32, #tpu.memory_space<vmem>>
    %dma_start3A_24 = tpu.memref_squeeze %dma_start3A_23 : memref<1x128xi32, #tpu.memory_space<vmem>> -> memref<128xi32, #tpu.memory_space<vmem>>
    %dma_start3A_25 = arith.constant 0 : i32
    %dma_start3A_26 = arith.constant 0 : i32
    %dma_start3A_27 = tpu.memref_slice %arg2[%dma_start3A_25, %dma_start3A_26] : memref<10000x128xf32, #tpu.memory_space<hbm>> -> memref<10000x128xf32, #tpu.memory_space<hbm>>
    tpu.enqueue_indirect_dma source(%dma_start3A_27 : memref<10000x128xf32, #tpu.memory_space<hbm>>) target(%dma_start3A_21 : memref<128x128xf32, #tpu.memory_space<vmem>>) offsets(%dma_start3A_24 : memref<128xi32, #tpu.memory_space<vmem>>) semaphore(%arg23 : memref<!tpu.dma_semaphore, #tpu.memory_space<semaphore_mem>>)
    %scan3A = arith.constant 0 : i32
    %scan3A_28 = arith.constant 0 : i32
    %scan3A_29 = arith.constant 20 : i32
    %scan3A_30 = arith.addi %scan3A_28, %scan3A_29 : i32
    %scan3A_31 = arith.constant 1 : i32
    scf.for %scan3A_177 = %scan3A_28 to %scan3A_30 step %scan3A_31  : i32 {
      %mul3A_178 = arith.constant 2 : i32
      %mul3A_179 = arith.muli %scan3A_177, %mul3A_178 : i32
      %add3A_180 = arith.constant 0 : i32
      %add3A_181 = arith.addi %mul3A_179, %add3A_180 : i32
      %dma_wait3A = arith.constant 0 : i32
      %dma_wait3A_182 = arith.constant 0 : i32
      %dma_wait3A_183 = arith.constant 0 : i32
      %dma_wait3A_184 = tpu.memref_slice %arg20[%dma_wait3A, %dma_wait3A_182, %dma_wait3A_183] : memref<2x128x128xf32, #tpu.memory_space<vmem>> -> memref<1x128x128xf32, #tpu.memory_space<vmem>>
      %dma_wait3A_185 = tpu.memref_squeeze %dma_wait3A_184 : memref<1x128x128xf32, #tpu.memory_space<vmem>> -> memref<128x128xf32, #tpu.memory_space<vmem>>
      %dma_wait3A_186 = arith.constant 0 : i32
      %dma_wait3A_187 = tpu.memref_slice %arg18[%add3A_181, %dma_wait3A_186] : memref<40x128xi32, #tpu.memory_space<vmem>> -> memref<1x128xi32, #tpu.memory_space<vmem>>
      %dma_wait3A_188 = tpu.memref_squeeze %dma_wait3A_187 : memref<1x128xi32, #tpu.memory_space<vmem>> -> memref<128xi32, #tpu.memory_space<vmem>>
      %dma_wait3A_189 = arith.constant 0 : i32
      %dma_wait3A_190 = arith.constant 0 : i32
      %dma_wait3A_191 = tpu.memref_slice %arg2[%dma_wait3A_189, %dma_wait3A_190] : memref<10000x128xf32, #tpu.memory_space<hbm>> -> memref<10000x128xf32, #tpu.memory_space<hbm>>
      tpu.wait_indirect_dma semaphore(%arg22 : memref<!tpu.dma_semaphore, #tpu.memory_space<semaphore_mem>>) src(%dma_wait3A_191 : memref<10000x128xf32, #tpu.memory_space<hbm>>) dst(%dma_wait3A_185 : memref<128x128xf32, #tpu.memory_space<vmem>>)
      %dma_start3A_192 = arith.constant 0 : i32
      %dma_start3A_193 = arith.constant 0 : i32
      %dma_start3A_194 = arith.constant 0 : i32
      %dma_start3A_195 = tpu.memref_slice %arg20[%dma_start3A_192, %dma_start3A_193, %dma_start3A_194] : memref<2x128x128xf32, #tpu.memory_space<vmem>> -> memref<1x128x128xf32, #tpu.memory_space<vmem>>
      %dma_start3A_196 = tpu.memref_squeeze %dma_start3A_195 : memref<1x128x128xf32, #tpu.memory_space<vmem>> -> memref<128x128xf32, #tpu.memory_space<vmem>>
      %dma_start3A_197 = arith.constant 0 : i32
      %dma_start3A_198 = tpu.memref_slice %arg19[%add3A_181, %dma_start3A_197] : memref<40x128xi32, #tpu.memory_space<vmem>> -> memref<1x128xi32, #tpu.memory_space<vmem>>
      %dma_start3A_199 = tpu.memref_squeeze %dma_start3A_198 : memref<1x128xi32, #tpu.memory_space<vmem>> -> memref<128xi32, #tpu.memory_space<vmem>>
      %dma_start3A_200 = arith.constant 0 : i32
      %dma_start3A_201 = arith.constant 0 : i32
      %dma_start3A_202 = tpu.memref_slice %arg21[%dma_start3A_200, %dma_start3A_201] : memref<10240x128xf32, #tpu.memory_space<vmem_shared>> -> memref<10240x128xf32, #tpu.memory_space<vmem_shared>>
      tpu.enqueue_indirect_dma source(%dma_start3A_196 : memref<128x128xf32, #tpu.memory_space<vmem>>) target(%dma_start3A_202 : memref<10240x128xf32, #tpu.memory_space<vmem_shared>>) offsets(%dma_start3A_199 : memref<128xi32, #tpu.memory_space<vmem>>) semaphore(%arg24 : memref<!tpu.dma_semaphore, #tpu.memory_space<semaphore_mem>>) {add = true}
      %dma_wait3A_203 = arith.constant 0 : i32
      %dma_wait3A_204 = arith.constant 0 : i32
      %dma_wait3A_205 = arith.constant 0 : i32
      %dma_wait3A_206 = tpu.memref_slice %arg20[%dma_wait3A_203, %dma_wait3A_204, %dma_wait3A_205] : memref<2x128x128xf32, #tpu.memory_space<vmem>> -> memref<1x128x128xf32, #tpu.memory_space<vmem>>
      %dma_wait3A_207 = tpu.memref_squeeze %dma_wait3A_206 : memref<1x128x128xf32, #tpu.memory_space<vmem>> -> memref<128x128xf32, #tpu.memory_space<vmem>>
      %dma_wait3A_208 = arith.constant 0 : i32
      %dma_wait3A_209 = tpu.memref_slice %arg19[%add3A_181, %dma_wait3A_208] : memref<40x128xi32, #tpu.memory_space<vmem>> -> memref<1x128xi32, #tpu.memory_space<vmem>>
      %dma_wait3A_210 = tpu.memref_squeeze %dma_wait3A_209 : memref<1x128xi32, #tpu.memory_space<vmem>> -> memref<128xi32, #tpu.memory_space<vmem>>
      %dma_wait3A_211 = arith.constant 0 : i32
      %dma_wait3A_212 = arith.constant 0 : i32
      %dma_wait3A_213 = tpu.memref_slice %arg21[%dma_wait3A_211, %dma_wait3A_212] : memref<10240x128xf32, #tpu.memory_space<vmem_shared>> -> memref<10240x128xf32, #tpu.memory_space<vmem_shared>>
      tpu.wait_indirect_dma semaphore(%arg24 : memref<!tpu.dma_semaphore, #tpu.memory_space<semaphore_mem>>) src(%dma_wait3A_207 : memref<128x128xf32, #tpu.memory_space<vmem>>) dst(%dma_wait3A_213 : memref<10240x128xf32, #tpu.memory_space<vmem_shared>>)
      %add3A_214 = arith.constant 2 : i32
      %add3A_215 = arith.addi %add3A_181, %add3A_214 : i32
      %lt3A = arith.constant 40 : i32
      %lt3A_216 = arith.cmpi slt, %add3A_215, %lt3A : i32
      %convert_element_type3A_217 = arith.extui %lt3A_216 : i1 to i32
      %cond3A_218 = arith.constant 0 : i32
      %cond3A_219 = arith.cmpi ne, %convert_element_type3A_217, %cond3A_218 : i32
      scf.if %cond3A_219 {
        %add3A_264 = arith.constant 2 : i32
        %add3A_265 = arith.addi %add3A_181, %add3A_264 : i32
        %dma_start3A_266 = arith.constant 0 : i32
        %dma_start3A_267 = arith.constant 0 : i32
        %dma_start3A_268 = arith.constant 0 : i32
        %dma_start3A_269 = tpu.memref_slice %arg20[%dma_start3A_266, %dma_start3A_267, %dma_start3A_268] : memref<2x128x128xf32, #tpu.memory_space<vmem>> -> memref<1x128x128xf32, #tpu.memory_space<vmem>>
        %dma_start3A_270 = tpu.memref_squeeze %dma_start3A_269 : memref<1x128x128xf32, #tpu.memory_space<vmem>> -> memref<128x128xf32, #tpu.memory_space<vmem>>
        %dma_start3A_271 = arith.constant 0 : i32
        %dma_start3A_272 = tpu.memref_slice %arg18[%add3A_265, %dma_start3A_271] : memref<40x128xi32, #tpu.memory_space<vmem>> -> memref<1x128xi32, #tpu.memory_space<vmem>>
        %dma_start3A_273 = tpu.memref_squeeze %dma_start3A_272 : memref<1x128xi32, #tpu.memory_space<vmem>> -> memref<128xi32, #tpu.memory_space<vmem>>
        %dma_start3A_274 = arith.constant 0 : i32
        %dma_start3A_275 = arith.constant 0 : i32
        %dma_start3A_276 = tpu.memref_slice %arg2[%dma_start3A_274, %dma_start3A_275] : memref<10000x128xf32, #tpu.memory_space<hbm>> -> memref<10000x128xf32, #tpu.memory_space<hbm>>
        tpu.enqueue_indirect_dma source(%dma_start3A_276 : memref<10000x128xf32, #tpu.memory_space<hbm>>) target(%dma_start3A_270 : memref<128x128xf32, #tpu.memory_space<vmem>>) offsets(%dma_start3A_273 : memref<128xi32, #tpu.memory_space<vmem>>) semaphore(%arg22 : memref<!tpu.dma_semaphore, #tpu.memory_space<semaphore_mem>>)
      } else {
      }
      %mul3A_220 = arith.constant 2 : i32
      %mul3A_221 = arith.muli %scan3A_177, %mul3A_220 : i32
      %add3A_222 = arith.constant 1 : i32
      %add3A_223 = arith.addi %mul3A_221, %add3A_222 : i32
      %dma_wait3A_224 = arith.constant 1 : i32
      %dma_wait3A_225 = arith.constant 0 : i32
      %dma_wait3A_226 = arith.constant 0 : i32
      %dma_wait3A_227 = tpu.memref_slice %arg20[%dma_wait3A_224, %dma_wait3A_225, %dma_wait3A_226] : memref<2x128x128xf32, #tpu.memory_space<vmem>> -> memref<1x128x128xf32, #tpu.memory_space<vmem>>
      %dma_wait3A_228 = tpu.memref_squeeze %dma_wait3A_227 : memref<1x128x128xf32, #tpu.memory_space<vmem>> -> memref<128x128xf32, #tpu.memory_space<vmem>>
      %dma_wait3A_229 = arith.constant 0 : i32
      %dma_wait3A_230 = tpu.memref_slice %arg18[%add3A_223, %dma_wait3A_229] : memref<40x128xi32, #tpu.memory_space<vmem>> -> memref<1x128xi32, #tpu.memory_space<vmem>>
      %dma_wait3A_231 = tpu.memref_squeeze %dma_wait3A_230 : memref<1x128xi32, #tpu.memory_space<vmem>> -> memref<128xi32, #tpu.memory_space<vmem>>
      %dma_wait3A_232 = arith.constant 0 : i32
      %dma_wait3A_233 = arith.constant 0 : i32
      %dma_wait3A_234 = tpu.memref_slice %arg2[%dma_wait3A_232, %dma_wait3A_233] : memref<10000x128xf32, #tpu.memory_space<hbm>> -> memref<10000x128xf32, #tpu.memory_space<hbm>>
      tpu.wait_indirect_dma semaphore(%arg23 : memref<!tpu.dma_semaphore, #tpu.memory_space<semaphore_mem>>) src(%dma_wait3A_234 : memref<10000x128xf32, #tpu.memory_space<hbm>>) dst(%dma_wait3A_228 : memref<128x128xf32, #tpu.memory_space<vmem>>)
      %dma_start3A_235 = arith.constant 1 : i32
      %dma_start3A_236 = arith.constant 0 : i32
      %dma_start3A_237 = arith.constant 0 : i32
      %dma_start3A_238 = tpu.memref_slice %arg20[%dma_start3A_235, %dma_start3A_236, %dma_start3A_237] : memref<2x128x128xf32, #tpu.memory_space<vmem>> -> memref<1x128x128xf32, #tpu.memory_space<vmem>>
      %dma_start3A_239 = tpu.memref_squeeze %dma_start3A_238 : memref<1x128x128xf32, #tpu.memory_space<vmem>> -> memref<128x128xf32, #tpu.memory_space<vmem>>
      %dma_start3A_240 = arith.constant 0 : i32
      %dma_start3A_241 = tpu.memref_slice %arg19[%add3A_223, %dma_start3A_240] : memref<40x128xi32, #tpu.memory_space<vmem>> -> memref<1x128xi32, #tpu.memory_space<vmem>>
      %dma_start3A_242 = tpu.memref_squeeze %dma_start3A_241 : memref<1x128xi32, #tpu.memory_space<vmem>> -> memref<128xi32, #tpu.memory_space<vmem>>
      %dma_start3A_243 = arith.constant 0 : i32
      %dma_start3A_244 = arith.constant 0 : i32
      %dma_start3A_245 = tpu.memref_slice %arg21[%dma_start3A_243, %dma_start3A_244] : memref<10240x128xf32, #tpu.memory_space<vmem_shared>> -> memref<10240x128xf32, #tpu.memory_space<vmem_shared>>
      tpu.enqueue_indirect_dma source(%dma_start3A_239 : memref<128x128xf32, #tpu.memory_space<vmem>>) target(%dma_start3A_245 : memref<10240x128xf32, #tpu.memory_space<vmem_shared>>) offsets(%dma_start3A_242 : memref<128xi32, #tpu.memory_space<vmem>>) semaphore(%arg25 : memref<!tpu.dma_semaphore, #tpu.memory_space<semaphore_mem>>) {add = true}
      %dma_wait3A_246 = arith.constant 1 : i32
      %dma_wait3A_247 = arith.constant 0 : i32
      %dma_wait3A_248 = arith.constant 0 : i32
      %dma_wait3A_249 = tpu.memref_slice %arg20[%dma_wait3A_246, %dma_wait3A_247, %dma_wait3A_248] : memref<2x128x128xf32, #tpu.memory_space<vmem>> -> memref<1x128x128xf32, #tpu.memory_space<vmem>>
      %dma_wait3A_250 = tpu.memref_squeeze %dma_wait3A_249 : memref<1x128x128xf32, #tpu.memory_space<vmem>> -> memref<128x128xf32, #tpu.memory_space<vmem>>
      %dma_wait3A_251 = arith.constant 0 : i32
      %dma_wait3A_252 = tpu.memref_slice %arg19[%add3A_223, %dma_wait3A_251] : memref<40x128xi32, #tpu.memory_space<vmem>> -> memref<1x128xi32, #tpu.memory_space<vmem>>
      %dma_wait3A_253 = tpu.memref_squeeze %dma_wait3A_252 : memref<1x128xi32, #tpu.memory_space<vmem>> -> memref<128xi32, #tpu.memory_space<vmem>>
      %dma_wait3A_254 = arith.constant 0 : i32
      %dma_wait3A_255 = arith.constant 0 : i32
      %dma_wait3A_256 = tpu.memref_slice %arg21[%dma_wait3A_254, %dma_wait3A_255] : memref<10240x128xf32, #tpu.memory_space<vmem_shared>> -> memref<10240x128xf32, #tpu.memory_space<vmem_shared>>
      tpu.wait_indirect_dma semaphore(%arg25 : memref<!tpu.dma_semaphore, #tpu.memory_space<semaphore_mem>>) src(%dma_wait3A_250 : memref<128x128xf32, #tpu.memory_space<vmem>>) dst(%dma_wait3A_256 : memref<10240x128xf32, #tpu.memory_space<vmem_shared>>)
      %add3A_257 = arith.constant 2 : i32
      %add3A_258 = arith.addi %add3A_223, %add3A_257 : i32
      %lt3A_259 = arith.constant 40 : i32
      %lt3A_260 = arith.cmpi slt, %add3A_258, %lt3A_259 : i32
      %convert_element_type3A_261 = arith.extui %lt3A_260 : i1 to i32
      %cond3A_262 = arith.constant 0 : i32
      %cond3A_263 = arith.cmpi ne, %convert_element_type3A_261, %cond3A_262 : i32
      scf.if %cond3A_263 {
        %add3A_264 = arith.constant 2 : i32
        %add3A_265 = arith.addi %add3A_223, %add3A_264 : i32
        %dma_start3A_266 = arith.constant 1 : i32
        %dma_start3A_267 = arith.constant 0 : i32
        %dma_start3A_268 = arith.constant 0 : i32
        %dma_start3A_269 = tpu.memref_slice %arg20[%dma_start3A_266, %dma_start3A_267, %dma_start3A_268] : memref<2x128x128xf32, #tpu.memory_space<vmem>> -> memref<1x128x128xf32, #tpu.memory_space<vmem>>
        %dma_start3A_270 = tpu.memref_squeeze %dma_start3A_269 : memref<1x128x128xf32, #tpu.memory_space<vmem>> -> memref<128x128xf32, #tpu.memory_space<vmem>>
        %dma_start3A_271 = arith.constant 0 : i32
        %dma_start3A_272 = tpu.memref_slice %arg18[%add3A_265, %dma_start3A_271] : memref<40x128xi32, #tpu.memory_space<vmem>> -> memref<1x128xi32, #tpu.memory_space<vmem>>
        %dma_start3A_273 = tpu.memref_squeeze %dma_start3A_272 : memref<1x128xi32, #tpu.memory_space<vmem>> -> memref<128xi32, #tpu.memory_space<vmem>>
        %dma_start3A_274 = arith.constant 0 : i32
        %dma_start3A_275 = arith.constant 0 : i32
        %dma_start3A_276 = tpu.memref_slice %arg2[%dma_start3A_274, %dma_start3A_275] : memref<10000x128xf32, #tpu.memory_space<hbm>> -> memref<10000x128xf32, #tpu.memory_space<hbm>>
        tpu.enqueue_indirect_dma source(%dma_start3A_276 : memref<10000x128xf32, #tpu.memory_space<hbm>>) target(%dma_start3A_270 : memref<128x128xf32, #tpu.memory_space<vmem>>) offsets(%dma_start3A_273 : memref<128xi32, #tpu.memory_space<vmem>>) semaphore(%arg23 : memref<!tpu.dma_semaphore, #tpu.memory_space<semaphore_mem>>)
      } else {
      }
    }
    %scan3A_32 = arith.constant 20 : i32
    %barrier3A_33 = arith.constant 0 : index
    tpu.barrier barrier_id(%barrier3A_33)
    %eq3A = arith.constant 0 : i32
    %eq3A_34 = arith.cmpi eq, %arg0, %eq3A : i32
    %convert_element_type3A = arith.extui %eq3A_34 : i1 to i32
    %cond3A = arith.constant 0 : i32
    %cond3A_35 = arith.cmpi ne, %convert_element_type3A, %cond3A : i32
    scf.if %cond3A_35 {
      %lt3A = arith.constant 15 : i32
      %lt3A_177 = arith.cmpi slt, %arg1, %lt3A : i32
      %convert_element_type3A_178 = arith.extui %lt3A_177 : i1 to i32
      %cond3A_179 = arith.constant 0 : i32
      %cond3A_180 = arith.cmpi ne, %convert_element_type3A_178, %cond3A_179 : i32
      scf.if %cond3A_180 {
        %mul3A_186 = arith.constant 640 : i32
        %mul3A_187 = arith.muli %arg1, %mul3A_186 : i32
        %mul3A_188 = arith.constant 640 : i32
        %mul3A_189 = arith.muli %arg1, %mul3A_188 : i32
        "tpu.region"() ({
          %run_scoped3A = tpu.sem_alloc : memref<!tpu.dma_semaphore, #tpu.memory_space<semaphore_mem>>
          %dma_start3A_190 = arith.constant 0 : i32
          %dma_start3A_191 = tpu.memref_slice %arg10[%mul3A_189, %dma_start3A_190] : memref<10000x128xf32, #tpu.memory_space<hbm>> -> memref<640x128xf32, #tpu.memory_space<hbm>>
          %dma_start3A_192 = arith.constant 0 : i32
          %dma_start3A_193 = tpu.memref_slice %arg21[%mul3A_187, %dma_start3A_192] : memref<10240x128xf32, #tpu.memory_space<vmem_shared>> -> memref<640x128xf32, #tpu.memory_space<vmem_shared>>
          tpu.enqueue_dma source(%dma_start3A_193 : memref<640x128xf32, #tpu.memory_space<vmem_shared>>) target(%dma_start3A_191 : memref<640x128xf32, #tpu.memory_space<hbm>>) target_semaphore(%run_scoped3A : memref<!tpu.dma_semaphore, #tpu.memory_space<semaphore_mem>>)
          %dma_wait3A = arith.constant 0 : i32
          %dma_wait3A_194 = tpu.memref_slice %arg10[%mul3A_189, %dma_wait3A] : memref<10000x128xf32, #tpu.memory_space<hbm>> -> memref<640x128xf32, #tpu.memory_space<hbm>>
          %dma_wait3A_195 = arith.constant 0 : i32
          %dma_wait3A_196 = tpu.memref_slice %arg21[%mul3A_187, %dma_wait3A_195] : memref<10240x128xf32, #tpu.memory_space<vmem_shared>> -> memref<640x128xf32, #tpu.memory_space<vmem_shared>>
          tpu.wait_dma2 semaphore(%run_scoped3A : memref<!tpu.dma_semaphore, #tpu.memory_space<semaphore_mem>>) src(%dma_wait3A_196 : memref<640x128xf32, #tpu.memory_space<vmem_shared>>) dst(%dma_wait3A_194 : memref<640x128xf32, #tpu.memory_space<hbm>>)
          tpu.yield
        }) : () -> ()
      } else {
      }
      %eq3A_181 = arith.constant 15 : i32
      %eq3A_182 = arith.cmpi eq, %arg1, %eq3A_181 : i32
      %convert_element_type3A_183 = arith.extui %eq3A_182 : i1 to i32
      %cond3A_184 = arith.constant 0 : i32
      %cond3A_185 = arith.cmpi ne, %convert_element_type3A_183, %cond3A_184 : i32
      scf.if %cond3A_185 {
        "tpu.region"() ({
          %run_scoped3A = tpu.sem_alloc : memref<!tpu.dma_semaphore, #tpu.memory_space<semaphore_mem>>
          %dma_start3A_186 = arith.constant 9600 : i32
          %dma_start3A_187 = arith.constant 0 : i32
          %dma_start3A_188 = tpu.memref_slice %arg10[%dma_start3A_186, %dma_start3A_187] : memref<10000x128xf32, #tpu.memory_space<hbm>> -> memref<400x128xf32, #tpu.memory_space<hbm>>
          %dma_start3A_189 = arith.constant 9600 : i32
          %dma_start3A_190 = arith.constant 0 : i32
          %dma_start3A_191 = tpu.memref_slice %arg21[%dma_start3A_189, %dma_start3A_190] : memref<10240x128xf32, #tpu.memory_space<vmem_shared>> -> memref<400x128xf32, #tpu.memory_space<vmem_shared>>
          tpu.enqueue_dma source(%dma_start3A_191 : memref<400x128xf32, #tpu.memory_space<vmem_shared>>) target(%dma_start3A_188 : memref<400x128xf32, #tpu.memory_space<hbm>>) target_semaphore(%run_scoped3A : memref<!tpu.dma_semaphore, #tpu.memory_space<semaphore_mem>>)
          %dma_wait3A = arith.constant 9600 : i32
          %dma_wait3A_192 = arith.constant 0 : i32
          %dma_wait3A_193 = tpu.memref_slice %arg10[%dma_wait3A, %dma_wait3A_192] : memref<10000x128xf32, #tpu.memory_space<hbm>> -> memref<400x128xf32, #tpu.memory_space<hbm>>
          %dma_wait3A_194 = arith.constant 9600 : i32
          %dma_wait3A_195 = arith.constant 0 : i32
          %dma_wait3A_196 = tpu.memref_slice %arg21[%dma_wait3A_194, %dma_wait3A_195] : memref<10240x128xf32, #tpu.memory_space<vmem_shared>> -> memref<400x128xf32, #tpu.memory_space<vmem_shared>>
          tpu.wait_dma2 semaphore(%run_scoped3A : memref<!tpu.dma_semaphore, #tpu.memory_space<semaphore_mem>>) src(%dma_wait3A_196 : memref<400x128xf32, #tpu.memory_space<vmem_shared>>) dst(%dma_wait3A_193 : memref<400x128xf32, #tpu.memory_space<hbm>>)
          tpu.yield
        }) : () -> ()
      } else {
      }
    } else {
    }
    %eq3A_36 = arith.constant 1 : i32
    %eq3A_37 = arith.cmpi eq, %arg0, %eq3A_36 : i32
    %convert_element_type3A_38 = arith.extui %eq3A_37 : i1 to i32
    %cond3A_39 = arith.constant 0 : i32
    %cond3A_40 = arith.cmpi ne, %convert_element_type3A_38, %cond3A_39 : i32
    scf.if %cond3A_40 {
      %lt3A = arith.constant 15 : i32
      %lt3A_177 = arith.cmpi slt, %arg1, %lt3A : i32
      %convert_element_type3A_178 = arith.extui %lt3A_177 : i1 to i32
      %cond3A_179 = arith.constant 0 : i32
      %cond3A_180 = arith.cmpi ne, %convert_element_type3A_178, %cond3A_179 : i32
      scf.if %cond3A_180 {
        %mul3A_186 = arith.constant 640 : i32
        %mul3A_187 = arith.muli %arg1, %mul3A_186 : i32
        %mul3A_188 = arith.constant 640 : i32
        %mul3A_189 = arith.muli %arg1, %mul3A_188 : i32
        "tpu.region"() ({
          %run_scoped3A = tpu.sem_alloc : memref<!tpu.dma_semaphore, #tpu.memory_space<semaphore_mem>>
          %dma_start3A_190 = arith.constant 0 : i32
          %dma_start3A_191 = tpu.memref_slice %arg11[%mul3A_189, %dma_start3A_190] : memref<10000x128xf32, #tpu.memory_space<hbm>> -> memref<640x128xf32, #tpu.memory_space<hbm>>
          %dma_start3A_192 = arith.constant 0 : i32
          %dma_start3A_193 = tpu.memref_slice %arg21[%mul3A_187, %dma_start3A_192] : memref<10240x128xf32, #tpu.memory_space<vmem_shared>> -> memref<640x128xf32, #tpu.memory_space<vmem_shared>>
          tpu.enqueue_dma source(%dma_start3A_193 : memref<640x128xf32, #tpu.memory_space<vmem_shared>>) target(%dma_start3A_191 : memref<640x128xf32, #tpu.memory_space<hbm>>) target_semaphore(%run_scoped3A : memref<!tpu.dma_semaphore, #tpu.memory_space<semaphore_mem>>)
          %dma_wait3A = arith.constant 0 : i32
          %dma_wait3A_194 = tpu.memref_slice %arg11[%mul3A_189, %dma_wait3A] : memref<10000x128xf32, #tpu.memory_space<hbm>> -> memref<640x128xf32, #tpu.memory_space<hbm>>
          %dma_wait3A_195 = arith.constant 0 : i32
          %dma_wait3A_196 = tpu.memref_slice %arg21[%mul3A_187, %dma_wait3A_195] : memref<10240x128xf32, #tpu.memory_space<vmem_shared>> -> memref<640x128xf32, #tpu.memory_space<vmem_shared>>
          tpu.wait_dma2 semaphore(%run_scoped3A : memref<!tpu.dma_semaphore, #tpu.memory_space<semaphore_mem>>) src(%dma_wait3A_196 : memref<640x128xf32, #tpu.memory_space<vmem_shared>>) dst(%dma_wait3A_194 : memref<640x128xf32, #tpu.memory_space<hbm>>)
          tpu.yield
        }) : () -> ()
      } else {
      }
      %eq3A_181 = arith.constant 15 : i32
      %eq3A_182 = arith.cmpi eq, %arg1, %eq3A_181 : i32
      %convert_element_type3A_183 = arith.extui %eq3A_182 : i1 to i32
      %cond3A_184 = arith.constant 0 : i32
      %cond3A_185 = arith.cmpi ne, %convert_element_type3A_183, %cond3A_184 : i32
      scf.if %cond3A_185 {
        "tpu.region"() ({
          %run_scoped3A = tpu.sem_alloc : memref<!tpu.dma_semaphore, #tpu.memory_space<semaphore_mem>>
          %dma_start3A_186 = arith.constant 9600 : i32
          %dma_start3A_187 = arith.constant 0 : i32
          %dma_start3A_188 = tpu.memref_slice %arg11[%dma_start3A_186, %dma_start3A_187] : memref<10000x128xf32, #tpu.memory_space<hbm>> -> memref<400x128xf32, #tpu.memory_space<hbm>>
          %dma_start3A_189 = arith.constant 9600 : i32
          %dma_start3A_190 = arith.constant 0 : i32
          %dma_start3A_191 = tpu.memref_slice %arg21[%dma_start3A_189, %dma_start3A_190] : memref<10240x128xf32, #tpu.memory_space<vmem_shared>> -> memref<400x128xf32, #tpu.memory_space<vmem_shared>>
          tpu.enqueue_dma source(%dma_start3A_191 : memref<400x128xf32, #tpu.memory_space<vmem_shared>>) target(%dma_start3A_188 : memref<400x128xf32, #tpu.memory_space<hbm>>) target_semaphore(%run_scoped3A : memref<!tpu.dma_semaphore, #tpu.memory_space<semaphore_mem>>)
          %dma_wait3A = arith.constant 9600 : i32
          %dma_wait3A_192 = arith.constant 0 : i32
          %dma_wait3A_193 = tpu.memref_slice %arg11[%dma_wait3A, %dma_wait3A_192] : memref<10000x128xf32, #tpu.memory_space<hbm>> -> memref<400x128xf32, #tpu.memory_space<hbm>>
          %dma_wait3A_194 = arith.constant 9600 : i32
          %dma_wait3A_195 = arith.constant 0 : i32
          %dma_wait3A_196 = tpu.memref_slice %arg21[%dma_wait3A_194, %dma_wait3A_195] : memref<10240x128xf32, #tpu.memory_space<vmem_shared>> -> memref<400x128xf32, #tpu.memory_space<vmem_shared>>
          tpu.wait_dma2 semaphore(%run_scoped3A : memref<!tpu.dma_semaphore, #tpu.memory_space<semaphore_mem>>) src(%dma_wait3A_196 : memref<400x128xf32, #tpu.memory_space<vmem_shared>>) dst(%dma_wait3A_193 : memref<400x128xf32, #tpu.memory_space<hbm>>)
          tpu.yield
        }) : () -> ()
      } else {
      }
    } else {
    }
    %barrier3A_41 = arith.constant 0 : index
    tpu.barrier barrier_id(%barrier3A_41)
    %mul3A_42 = arith.constant 640 : i32
    %mul3A_43 = arith.muli %arg1, %mul3A_42 : i32
    "tpu.region"() ({
      %run_scoped3A = tpu.sem_alloc : memref<!tpu.dma_semaphore, #tpu.memory_space<semaphore_mem>>
      %dma_start3A_177 = arith.constant 0 : i32
      %dma_start3A_178 = tpu.memref_slice %arg21[%mul3A_43, %dma_start3A_177] : memref<10240x128xf32, #tpu.memory_space<vmem_shared>> -> memref<640x128xf32, #tpu.memory_space<vmem_shared>>
      tpu.enqueue_dma source(%arg8 : memref<640x128xf32, #tpu.memory_space<hbm>>) target(%dma_start3A_178 : memref<640x128xf32, #tpu.memory_space<vmem_shared>>) target_semaphore(%run_scoped3A : memref<!tpu.dma_semaphore, #tpu.memory_space<semaphore_mem>>)
      %dma_wait3A = arith.constant 0 : i32
      %dma_wait3A_179 = tpu.memref_slice %arg21[%mul3A_43, %dma_wait3A] : memref<10240x128xf32, #tpu.memory_space<vmem_shared>> -> memref<640x128xf32, #tpu.memory_space<vmem_shared>>
      tpu.wait_dma2 semaphore(%run_scoped3A : memref<!tpu.dma_semaphore, #tpu.memory_space<semaphore_mem>>) src(%arg8 : memref<640x128xf32, #tpu.memory_space<hbm>>) dst(%dma_wait3A_179 : memref<640x128xf32, #tpu.memory_space<vmem_shared>>)
      tpu.yield
    }) : () -> ()
    %barrier3A_44 = arith.constant 0 : index
    tpu.barrier barrier_id(%barrier3A_44)
    %dma_start3A_45 = arith.constant 0 : i32
    %dma_start3A_46 = arith.constant 0 : i32
    %dma_start3A_47 = arith.constant 0 : i32
    %dma_start3A_48 = arith.constant 0 : i32
    %dma_start3A_49 = tpu.memref_slice %arg20[%dma_start3A_46, %dma_start3A_47, %dma_start3A_48] : memref<2x128x128xf32, #tpu.memory_space<vmem>> -> memref<1x128x128xf32, #tpu.memory_space<vmem>>
    %dma_start3A_50 = tpu.memref_squeeze %dma_start3A_49 : memref<1x128x128xf32, #tpu.memory_space<vmem>> -> memref<128x128xf32, #tpu.memory_space<vmem>>
    %dma_start3A_51 = arith.constant 0 : i32
    %dma_start3A_52 = tpu.memref_slice %arg18[%dma_start3A_45, %dma_start3A_51] : memref<40x128xi32, #tpu.memory_space<vmem>> -> memref<1x128xi32, #tpu.memory_space<vmem>>
    %dma_start3A_53 = tpu.memref_squeeze %dma_start3A_52 : memref<1x128xi32, #tpu.memory_space<vmem>> -> memref<128xi32, #tpu.memory_space<vmem>>
    %dma_start3A_54 = arith.constant 0 : i32
    %dma_start3A_55 = arith.constant 0 : i32
    %dma_start3A_56 = tpu.memref_slice %arg3[%dma_start3A_54, %dma_start3A_55] : memref<10000x128xf32, #tpu.memory_space<hbm>> -> memref<10000x128xf32, #tpu.memory_space<hbm>>
    tpu.enqueue_indirect_dma source(%dma_start3A_56 : memref<10000x128xf32, #tpu.memory_space<hbm>>) target(%dma_start3A_50 : memref<128x128xf32, #tpu.memory_space<vmem>>) offsets(%dma_start3A_53 : memref<128xi32, #tpu.memory_space<vmem>>) semaphore(%arg22 : memref<!tpu.dma_semaphore, #tpu.memory_space<semaphore_mem>>)
    %dma_start3A_57 = arith.constant 1 : i32
    %dma_start3A_58 = arith.constant 1 : i32
    %dma_start3A_59 = arith.constant 0 : i32
    %dma_start3A_60 = arith.constant 0 : i32
    %dma_start3A_61 = tpu.memref_slice %arg20[%dma_start3A_58, %dma_start3A_59, %dma_start3A_60] : memref<2x128x128xf32, #tpu.memory_space<vmem>> -> memref<1x128x128xf32, #tpu.memory_space<vmem>>
    %dma_start3A_62 = tpu.memref_squeeze %dma_start3A_61 : memref<1x128x128xf32, #tpu.memory_space<vmem>> -> memref<128x128xf32, #tpu.memory_space<vmem>>
    %dma_start3A_63 = arith.constant 0 : i32
    %dma_start3A_64 = tpu.memref_slice %arg18[%dma_start3A_57, %dma_start3A_63] : memref<40x128xi32, #tpu.memory_space<vmem>> -> memref<1x128xi32, #tpu.memory_space<vmem>>
    %dma_start3A_65 = tpu.memref_squeeze %dma_start3A_64 : memref<1x128xi32, #tpu.memory_space<vmem>> -> memref<128xi32, #tpu.memory_space<vmem>>
    %dma_start3A_66 = arith.constant 0 : i32
    %dma_start3A_67 = arith.constant 0 : i32
    %dma_start3A_68 = tpu.memref_slice %arg3[%dma_start3A_66, %dma_start3A_67] : memref<10000x128xf32, #tpu.memory_space<hbm>> -> memref<10000x128xf32, #tpu.memory_space<hbm>>
    tpu.enqueue_indirect_dma source(%dma_start3A_68 : memref<10000x128xf32, #tpu.memory_space<hbm>>) target(%dma_start3A_62 : memref<128x128xf32, #tpu.memory_space<vmem>>) offsets(%dma_start3A_65 : memref<128xi32, #tpu.memory_space<vmem>>) semaphore(%arg23 : memref<!tpu.dma_semaphore, #tpu.memory_space<semaphore_mem>>)
    %scan3A_69 = arith.constant 0 : i32
    %scan3A_70 = arith.constant 0 : i32
    %scan3A_71 = arith.constant 20 : i32
    %scan3A_72 = arith.addi %scan3A_70, %scan3A_71 : i32
    %scan3A_73 = arith.constant 1 : i32
    scf.for %scan3A_177 = %scan3A_70 to %scan3A_72 step %scan3A_73  : i32 {
      %mul3A_178 = arith.constant 2 : i32
      %mul3A_179 = arith.muli %scan3A_177, %mul3A_178 : i32
      %add3A_180 = arith.constant 0 : i32
      %add3A_181 = arith.addi %mul3A_179, %add3A_180 : i32
      %dma_wait3A = arith.constant 0 : i32
      %dma_wait3A_182 = arith.constant 0 : i32
      %dma_wait3A_183 = arith.constant 0 : i32
      %dma_wait3A_184 = tpu.memref_slice %arg20[%dma_wait3A, %dma_wait3A_182, %dma_wait3A_183] : memref<2x128x128xf32, #tpu.memory_space<vmem>> -> memref<1x128x128xf32, #tpu.memory_space<vmem>>
      %dma_wait3A_185 = tpu.memref_squeeze %dma_wait3A_184 : memref<1x128x128xf32, #tpu.memory_space<vmem>> -> memref<128x128xf32, #tpu.memory_space<vmem>>
      %dma_wait3A_186 = arith.constant 0 : i32
      %dma_wait3A_187 = tpu.memref_slice %arg18[%add3A_181, %dma_wait3A_186] : memref<40x128xi32, #tpu.memory_space<vmem>> -> memref<1x128xi32, #tpu.memory_space<vmem>>
      %dma_wait3A_188 = tpu.memref_squeeze %dma_wait3A_187 : memref<1x128xi32, #tpu.memory_space<vmem>> -> memref<128xi32, #tpu.memory_space<vmem>>
      %dma_wait3A_189 = arith.constant 0 : i32
      %dma_wait3A_190 = arith.constant 0 : i32
      %dma_wait3A_191 = tpu.memref_slice %arg3[%dma_wait3A_189, %dma_wait3A_190] : memref<10000x128xf32, #tpu.memory_space<hbm>> -> memref<10000x128xf32, #tpu.memory_space<hbm>>
      tpu.wait_indirect_dma semaphore(%arg22 : memref<!tpu.dma_semaphore, #tpu.memory_space<semaphore_mem>>) src(%dma_wait3A_191 : memref<10000x128xf32, #tpu.memory_space<hbm>>) dst(%dma_wait3A_185 : memref<128x128xf32, #tpu.memory_space<vmem>>)
      %dma_start3A_192 = arith.constant 0 : i32
      %dma_start3A_193 = arith.constant 0 : i32
      %dma_start3A_194 = arith.constant 0 : i32
      %dma_start3A_195 = tpu.memref_slice %arg20[%dma_start3A_192, %dma_start3A_193, %dma_start3A_194] : memref<2x128x128xf32, #tpu.memory_space<vmem>> -> memref<1x128x128xf32, #tpu.memory_space<vmem>>
      %dma_start3A_196 = tpu.memref_squeeze %dma_start3A_195 : memref<1x128x128xf32, #tpu.memory_space<vmem>> -> memref<128x128xf32, #tpu.memory_space<vmem>>
      %dma_start3A_197 = arith.constant 0 : i32
      %dma_start3A_198 = tpu.memref_slice %arg19[%add3A_181, %dma_start3A_197] : memref<40x128xi32, #tpu.memory_space<vmem>> -> memref<1x128xi32, #tpu.memory_space<vmem>>
      %dma_start3A_199 = tpu.memref_squeeze %dma_start3A_198 : memref<1x128xi32, #tpu.memory_space<vmem>> -> memref<128xi32, #tpu.memory_space<vmem>>
      %dma_start3A_200 = arith.constant 0 : i32
      %dma_start3A_201 = arith.constant 0 : i32
      %dma_start3A_202 = tpu.memref_slice %arg21[%dma_start3A_200, %dma_start3A_201] : memref<10240x128xf32, #tpu.memory_space<vmem_shared>> -> memref<10240x128xf32, #tpu.memory_space<vmem_shared>>
      tpu.enqueue_indirect_dma source(%dma_start3A_196 : memref<128x128xf32, #tpu.memory_space<vmem>>) target(%dma_start3A_202 : memref<10240x128xf32, #tpu.memory_space<vmem_shared>>) offsets(%dma_start3A_199 : memref<128xi32, #tpu.memory_space<vmem>>) semaphore(%arg24 : memref<!tpu.dma_semaphore, #tpu.memory_space<semaphore_mem>>) {add = true}
      %dma_wait3A_203 = arith.constant 0 : i32
      %dma_wait3A_204 = arith.constant 0 : i32
      %dma_wait3A_205 = arith.constant 0 : i32
      %dma_wait3A_206 = tpu.memref_slice %arg20[%dma_wait3A_203, %dma_wait3A_204, %dma_wait3A_205] : memref<2x128x128xf32, #tpu.memory_space<vmem>> -> memref<1x128x128xf32, #tpu.memory_space<vmem>>
      %dma_wait3A_207 = tpu.memref_squeeze %dma_wait3A_206 : memref<1x128x128xf32, #tpu.memory_space<vmem>> -> memref<128x128xf32, #tpu.memory_space<vmem>>
      %dma_wait3A_208 = arith.constant 0 : i32
      %dma_wait3A_209 = tpu.memref_slice %arg19[%add3A_181, %dma_wait3A_208] : memref<40x128xi32, #tpu.memory_space<vmem>> -> memref<1x128xi32, #tpu.memory_space<vmem>>
      %dma_wait3A_210 = tpu.memref_squeeze %dma_wait3A_209 : memref<1x128xi32, #tpu.memory_space<vmem>> -> memref<128xi32, #tpu.memory_space<vmem>>
      %dma_wait3A_211 = arith.constant 0 : i32
      %dma_wait3A_212 = arith.constant 0 : i32
      %dma_wait3A_213 = tpu.memref_slice %arg21[%dma_wait3A_211, %dma_wait3A_212] : memref<10240x128xf32, #tpu.memory_space<vmem_shared>> -> memref<10240x128xf32, #tpu.memory_space<vmem_shared>>
      tpu.wait_indirect_dma semaphore(%arg24 : memref<!tpu.dma_semaphore, #tpu.memory_space<semaphore_mem>>) src(%dma_wait3A_207 : memref<128x128xf32, #tpu.memory_space<vmem>>) dst(%dma_wait3A_213 : memref<10240x128xf32, #tpu.memory_space<vmem_shared>>)
      %add3A_214 = arith.constant 2 : i32
      %add3A_215 = arith.addi %add3A_181, %add3A_214 : i32
      %lt3A = arith.constant 40 : i32
      %lt3A_216 = arith.cmpi slt, %add3A_215, %lt3A : i32
      %convert_element_type3A_217 = arith.extui %lt3A_216 : i1 to i32
      %cond3A_218 = arith.constant 0 : i32
      %cond3A_219 = arith.cmpi ne, %convert_element_type3A_217, %cond3A_218 : i32
      scf.if %cond3A_219 {
        %add3A_264 = arith.constant 2 : i32
        %add3A_265 = arith.addi %add3A_181, %add3A_264 : i32
        %dma_start3A_266 = arith.constant 0 : i32
        %dma_start3A_267 = arith.constant 0 : i32
        %dma_start3A_268 = arith.constant 0 : i32
        %dma_start3A_269 = tpu.memref_slice %arg20[%dma_start3A_266, %dma_start3A_267, %dma_start3A_268] : memref<2x128x128xf32, #tpu.memory_space<vmem>> -> memref<1x128x128xf32, #tpu.memory_space<vmem>>
        %dma_start3A_270 = tpu.memref_squeeze %dma_start3A_269 : memref<1x128x128xf32, #tpu.memory_space<vmem>> -> memref<128x128xf32, #tpu.memory_space<vmem>>
        %dma_start3A_271 = arith.constant 0 : i32
        %dma_start3A_272 = tpu.memref_slice %arg18[%add3A_265, %dma_start3A_271] : memref<40x128xi32, #tpu.memory_space<vmem>> -> memref<1x128xi32, #tpu.memory_space<vmem>>
        %dma_start3A_273 = tpu.memref_squeeze %dma_start3A_272 : memref<1x128xi32, #tpu.memory_space<vmem>> -> memref<128xi32, #tpu.memory_space<vmem>>
        %dma_start3A_274 = arith.constant 0 : i32
        %dma_start3A_275 = arith.constant 0 : i32
        %dma_start3A_276 = tpu.memref_slice %arg3[%dma_start3A_274, %dma_start3A_275] : memref<10000x128xf32, #tpu.memory_space<hbm>> -> memref<10000x128xf32, #tpu.memory_space<hbm>>
        tpu.enqueue_indirect_dma source(%dma_start3A_276 : memref<10000x128xf32, #tpu.memory_space<hbm>>) target(%dma_start3A_270 : memref<128x128xf32, #tpu.memory_space<vmem>>) offsets(%dma_start3A_273 : memref<128xi32, #tpu.memory_space<vmem>>) semaphore(%arg22 : memref<!tpu.dma_semaphore, #tpu.memory_space<semaphore_mem>>)
      } else {
      }
      %mul3A_220 = arith.constant 2 : i32
      %mul3A_221 = arith.muli %scan3A_177, %mul3A_220 : i32
      %add3A_222 = arith.constant 1 : i32
      %add3A_223 = arith.addi %mul3A_221, %add3A_222 : i32
      %dma_wait3A_224 = arith.constant 1 : i32
      %dma_wait3A_225 = arith.constant 0 : i32
      %dma_wait3A_226 = arith.constant 0 : i32
      %dma_wait3A_227 = tpu.memref_slice %arg20[%dma_wait3A_224, %dma_wait3A_225, %dma_wait3A_226] : memref<2x128x128xf32, #tpu.memory_space<vmem>> -> memref<1x128x128xf32, #tpu.memory_space<vmem>>
      %dma_wait3A_228 = tpu.memref_squeeze %dma_wait3A_227 : memref<1x128x128xf32, #tpu.memory_space<vmem>> -> memref<128x128xf32, #tpu.memory_space<vmem>>
      %dma_wait3A_229 = arith.constant 0 : i32
      %dma_wait3A_230 = tpu.memref_slice %arg18[%add3A_223, %dma_wait3A_229] : memref<40x128xi32, #tpu.memory_space<vmem>> -> memref<1x128xi32, #tpu.memory_space<vmem>>
      %dma_wait3A_231 = tpu.memref_squeeze %dma_wait3A_230 : memref<1x128xi32, #tpu.memory_space<vmem>> -> memref<128xi32, #tpu.memory_space<vmem>>
      %dma_wait3A_232 = arith.constant 0 : i32
      %dma_wait3A_233 = arith.constant 0 : i32
      %dma_wait3A_234 = tpu.memref_slice %arg3[%dma_wait3A_232, %dma_wait3A_233] : memref<10000x128xf32, #tpu.memory_space<hbm>> -> memref<10000x128xf32, #tpu.memory_space<hbm>>
      tpu.wait_indirect_dma semaphore(%arg23 : memref<!tpu.dma_semaphore, #tpu.memory_space<semaphore_mem>>) src(%dma_wait3A_234 : memref<10000x128xf32, #tpu.memory_space<hbm>>) dst(%dma_wait3A_228 : memref<128x128xf32, #tpu.memory_space<vmem>>)
      %dma_start3A_235 = arith.constant 1 : i32
      %dma_start3A_236 = arith.constant 0 : i32
      %dma_start3A_237 = arith.constant 0 : i32
      %dma_start3A_238 = tpu.memref_slice %arg20[%dma_start3A_235, %dma_start3A_236, %dma_start3A_237] : memref<2x128x128xf32, #tpu.memory_space<vmem>> -> memref<1x128x128xf32, #tpu.memory_space<vmem>>
      %dma_start3A_239 = tpu.memref_squeeze %dma_start3A_238 : memref<1x128x128xf32, #tpu.memory_space<vmem>> -> memref<128x128xf32, #tpu.memory_space<vmem>>
      %dma_start3A_240 = arith.constant 0 : i32
      %dma_start3A_241 = tpu.memref_slice %arg19[%add3A_223, %dma_start3A_240] : memref<40x128xi32, #tpu.memory_space<vmem>> -> memref<1x128xi32, #tpu.memory_space<vmem>>
      %dma_start3A_242 = tpu.memref_squeeze %dma_start3A_241 : memref<1x128xi32, #tpu.memory_space<vmem>> -> memref<128xi32, #tpu.memory_space<vmem>>
      %dma_start3A_243 = arith.constant 0 : i32
      %dma_start3A_244 = arith.constant 0 : i32
      %dma_start3A_245 = tpu.memref_slice %arg21[%dma_start3A_243, %dma_start3A_244] : memref<10240x128xf32, #tpu.memory_space<vmem_shared>> -> memref<10240x128xf32, #tpu.memory_space<vmem_shared>>
      tpu.enqueue_indirect_dma source(%dma_start3A_239 : memref<128x128xf32, #tpu.memory_space<vmem>>) target(%dma_start3A_245 : memref<10240x128xf32, #tpu.memory_space<vmem_shared>>) offsets(%dma_start3A_242 : memref<128xi32, #tpu.memory_space<vmem>>) semaphore(%arg25 : memref<!tpu.dma_semaphore, #tpu.memory_space<semaphore_mem>>) {add = true}
      %dma_wait3A_246 = arith.constant 1 : i32
      %dma_wait3A_247 = arith.constant 0 : i32
      %dma_wait3A_248 = arith.constant 0 : i32
      %dma_wait3A_249 = tpu.memref_slice %arg20[%dma_wait3A_246, %dma_wait3A_247, %dma_wait3A_248] : memref<2x128x128xf32, #tpu.memory_space<vmem>> -> memref<1x128x128xf32, #tpu.memory_space<vmem>>
      %dma_wait3A_250 = tpu.memref_squeeze %dma_wait3A_249 : memref<1x128x128xf32, #tpu.memory_space<vmem>> -> memref<128x128xf32, #tpu.memory_space<vmem>>
      %dma_wait3A_251 = arith.constant 0 : i32
      %dma_wait3A_252 = tpu.memref_slice %arg19[%add3A_223, %dma_wait3A_251] : memref<40x128xi32, #tpu.memory_space<vmem>> -> memref<1x128xi32, #tpu.memory_space<vmem>>
      %dma_wait3A_253 = tpu.memref_squeeze %dma_wait3A_252 : memref<1x128xi32, #tpu.memory_space<vmem>> -> memref<128xi32, #tpu.memory_space<vmem>>
      %dma_wait3A_254 = arith.constant 0 : i32
      %dma_wait3A_255 = arith.constant 0 : i32
      %dma_wait3A_256 = tpu.memref_slice %arg21[%dma_wait3A_254, %dma_wait3A_255] : memref<10240x128xf32, #tpu.memory_space<vmem_shared>> -> memref<10240x128xf32, #tpu.memory_space<vmem_shared>>
      tpu.wait_indirect_dma semaphore(%arg25 : memref<!tpu.dma_semaphore, #tpu.memory_space<semaphore_mem>>) src(%dma_wait3A_250 : memref<128x128xf32, #tpu.memory_space<vmem>>) dst(%dma_wait3A_256 : memref<10240x128xf32, #tpu.memory_space<vmem_shared>>)
      %add3A_257 = arith.constant 2 : i32
      %add3A_258 = arith.addi %add3A_223, %add3A_257 : i32
      %lt3A_259 = arith.constant 40 : i32
      %lt3A_260 = arith.cmpi slt, %add3A_258, %lt3A_259 : i32
      %convert_element_type3A_261 = arith.extui %lt3A_260 : i1 to i32
      %cond3A_262 = arith.constant 0 : i32
      %cond3A_263 = arith.cmpi ne, %convert_element_type3A_261, %cond3A_262 : i32
      scf.if %cond3A_263 {
        %add3A_264 = arith.constant 2 : i32
        %add3A_265 = arith.addi %add3A_223, %add3A_264 : i32
        %dma_start3A_266 = arith.constant 1 : i32
        %dma_start3A_267 = arith.constant 0 : i32
        %dma_start3A_268 = arith.constant 0 : i32
        %dma_start3A_269 = tpu.memref_slice %arg20[%dma_start3A_266, %dma_start3A_267, %dma_start3A_268] : memref<2x128x128xf32, #tpu.memory_space<vmem>> -> memref<1x128x128xf32, #tpu.memory_space<vmem>>
        %dma_start3A_270 = tpu.memref_squeeze %dma_start3A_269 : memref<1x128x128xf32, #tpu.memory_space<vmem>> -> memref<128x128xf32, #tpu.memory_space<vmem>>
        %dma_start3A_271 = arith.constant 0 : i32
        %dma_start3A_272 = tpu.memref_slice %arg18[%add3A_265, %dma_start3A_271] : memref<40x128xi32, #tpu.memory_space<vmem>> -> memref<1x128xi32, #tpu.memory_space<vmem>>
        %dma_start3A_273 = tpu.memref_squeeze %dma_start3A_272 : memref<1x128xi32, #tpu.memory_space<vmem>> -> memref<128xi32, #tpu.memory_space<vmem>>
        %dma_start3A_274 = arith.constant 0 : i32
        %dma_start3A_275 = arith.constant 0 : i32
        %dma_start3A_276 = tpu.memref_slice %arg3[%dma_start3A_274, %dma_start3A_275] : memref<10000x128xf32, #tpu.memory_space<hbm>> -> memref<10000x128xf32, #tpu.memory_space<hbm>>
        tpu.enqueue_indirect_dma source(%dma_start3A_276 : memref<10000x128xf32, #tpu.memory_space<hbm>>) target(%dma_start3A_270 : memref<128x128xf32, #tpu.memory_space<vmem>>) offsets(%dma_start3A_273 : memref<128xi32, #tpu.memory_space<vmem>>) semaphore(%arg23 : memref<!tpu.dma_semaphore, #tpu.memory_space<semaphore_mem>>)
      } else {
      }
    }
    %scan3A_74 = arith.constant 20 : i32
    %barrier3A_75 = arith.constant 0 : index
    tpu.barrier barrier_id(%barrier3A_75)
    %eq3A_76 = arith.constant 0 : i32
    %eq3A_77 = arith.cmpi eq, %arg0, %eq3A_76 : i32
    %convert_element_type3A_78 = arith.extui %eq3A_77 : i1 to i32
    %cond3A_79 = arith.constant 0 : i32
    %cond3A_80 = arith.cmpi ne, %convert_element_type3A_78, %cond3A_79 : i32
    scf.if %cond3A_80 {
      %lt3A = arith.constant 15 : i32
      %lt3A_177 = arith.cmpi slt, %arg1, %lt3A : i32
      %convert_element_type3A_178 = arith.extui %lt3A_177 : i1 to i32
      %cond3A_179 = arith.constant 0 : i32
      %cond3A_180 = arith.cmpi ne, %convert_element_type3A_178, %cond3A_179 : i32
      scf.if %cond3A_180 {
        %mul3A_186 = arith.constant 640 : i32
        %mul3A_187 = arith.muli %arg1, %mul3A_186 : i32
        %mul3A_188 = arith.constant 640 : i32
        %mul3A_189 = arith.muli %arg1, %mul3A_188 : i32
        "tpu.region"() ({
          %run_scoped3A = tpu.sem_alloc : memref<!tpu.dma_semaphore, #tpu.memory_space<semaphore_mem>>
          %dma_start3A_190 = arith.constant 0 : i32
          %dma_start3A_191 = tpu.memref_slice %arg12[%mul3A_189, %dma_start3A_190] : memref<10000x128xf32, #tpu.memory_space<hbm>> -> memref<640x128xf32, #tpu.memory_space<hbm>>
          %dma_start3A_192 = arith.constant 0 : i32
          %dma_start3A_193 = tpu.memref_slice %arg21[%mul3A_187, %dma_start3A_192] : memref<10240x128xf32, #tpu.memory_space<vmem_shared>> -> memref<640x128xf32, #tpu.memory_space<vmem_shared>>
          tpu.enqueue_dma source(%dma_start3A_193 : memref<640x128xf32, #tpu.memory_space<vmem_shared>>) target(%dma_start3A_191 : memref<640x128xf32, #tpu.memory_space<hbm>>) target_semaphore(%run_scoped3A : memref<!tpu.dma_semaphore, #tpu.memory_space<semaphore_mem>>)
          %dma_wait3A = arith.constant 0 : i32
          %dma_wait3A_194 = tpu.memref_slice %arg12[%mul3A_189, %dma_wait3A] : memref<10000x128xf32, #tpu.memory_space<hbm>> -> memref<640x128xf32, #tpu.memory_space<hbm>>
          %dma_wait3A_195 = arith.constant 0 : i32
          %dma_wait3A_196 = tpu.memref_slice %arg21[%mul3A_187, %dma_wait3A_195] : memref<10240x128xf32, #tpu.memory_space<vmem_shared>> -> memref<640x128xf32, #tpu.memory_space<vmem_shared>>
          tpu.wait_dma2 semaphore(%run_scoped3A : memref<!tpu.dma_semaphore, #tpu.memory_space<semaphore_mem>>) src(%dma_wait3A_196 : memref<640x128xf32, #tpu.memory_space<vmem_shared>>) dst(%dma_wait3A_194 : memref<640x128xf32, #tpu.memory_space<hbm>>)
          tpu.yield
        }) : () -> ()
      } else {
      }
      %eq3A_181 = arith.constant 15 : i32
      %eq3A_182 = arith.cmpi eq, %arg1, %eq3A_181 : i32
      %convert_element_type3A_183 = arith.extui %eq3A_182 : i1 to i32
      %cond3A_184 = arith.constant 0 : i32
      %cond3A_185 = arith.cmpi ne, %convert_element_type3A_183, %cond3A_184 : i32
      scf.if %cond3A_185 {
        "tpu.region"() ({
          %run_scoped3A = tpu.sem_alloc : memref<!tpu.dma_semaphore, #tpu.memory_space<semaphore_mem>>
          %dma_start3A_186 = arith.constant 9600 : i32
          %dma_start3A_187 = arith.constant 0 : i32
          %dma_start3A_188 = tpu.memref_slice %arg12[%dma_start3A_186, %dma_start3A_187] : memref<10000x128xf32, #tpu.memory_space<hbm>> -> memref<400x128xf32, #tpu.memory_space<hbm>>
          %dma_start3A_189 = arith.constant 9600 : i32
          %dma_start3A_190 = arith.constant 0 : i32
          %dma_start3A_191 = tpu.memref_slice %arg21[%dma_start3A_189, %dma_start3A_190] : memref<10240x128xf32, #tpu.memory_space<vmem_shared>> -> memref<400x128xf32, #tpu.memory_space<vmem_shared>>
          tpu.enqueue_dma source(%dma_start3A_191 : memref<400x128xf32, #tpu.memory_space<vmem_shared>>) target(%dma_start3A_188 : memref<400x128xf32, #tpu.memory_space<hbm>>) target_semaphore(%run_scoped3A : memref<!tpu.dma_semaphore, #tpu.memory_space<semaphore_mem>>)
          %dma_wait3A = arith.constant 9600 : i32
          %dma_wait3A_192 = arith.constant 0 : i32
          %dma_wait3A_193 = tpu.memref_slice %arg12[%dma_wait3A, %dma_wait3A_192] : memref<10000x128xf32, #tpu.memory_space<hbm>> -> memref<400x128xf32, #tpu.memory_space<hbm>>
          %dma_wait3A_194 = arith.constant 9600 : i32
          %dma_wait3A_195 = arith.constant 0 : i32
          %dma_wait3A_196 = tpu.memref_slice %arg21[%dma_wait3A_194, %dma_wait3A_195] : memref<10240x128xf32, #tpu.memory_space<vmem_shared>> -> memref<400x128xf32, #tpu.memory_space<vmem_shared>>
          tpu.wait_dma2 semaphore(%run_scoped3A : memref<!tpu.dma_semaphore, #tpu.memory_space<semaphore_mem>>) src(%dma_wait3A_196 : memref<400x128xf32, #tpu.memory_space<vmem_shared>>) dst(%dma_wait3A_193 : memref<400x128xf32, #tpu.memory_space<hbm>>)
          tpu.yield
        }) : () -> ()
      } else {
      }
    } else {
    }
    %eq3A_81 = arith.constant 1 : i32
    %eq3A_82 = arith.cmpi eq, %arg0, %eq3A_81 : i32
    %convert_element_type3A_83 = arith.extui %eq3A_82 : i1 to i32
    %cond3A_84 = arith.constant 0 : i32
    %cond3A_85 = arith.cmpi ne, %convert_element_type3A_83, %cond3A_84 : i32
    scf.if %cond3A_85 {
      %lt3A = arith.constant 15 : i32
      %lt3A_177 = arith.cmpi slt, %arg1, %lt3A : i32
      %convert_element_type3A_178 = arith.extui %lt3A_177 : i1 to i32
      %cond3A_179 = arith.constant 0 : i32
      %cond3A_180 = arith.cmpi ne, %convert_element_type3A_178, %cond3A_179 : i32
      scf.if %cond3A_180 {
        %mul3A_186 = arith.constant 640 : i32
        %mul3A_187 = arith.muli %arg1, %mul3A_186 : i32
        %mul3A_188 = arith.constant 640 : i32
        %mul3A_189 = arith.muli %arg1, %mul3A_188 : i32
        "tpu.region"() ({
          %run_scoped3A = tpu.sem_alloc : memref<!tpu.dma_semaphore, #tpu.memory_space<semaphore_mem>>
          %dma_start3A_190 = arith.constant 0 : i32
          %dma_start3A_191 = tpu.memref_slice %arg13[%mul3A_189, %dma_start3A_190] : memref<10000x128xf32, #tpu.memory_space<hbm>> -> memref<640x128xf32, #tpu.memory_space<hbm>>
          %dma_start3A_192 = arith.constant 0 : i32
          %dma_start3A_193 = tpu.memref_slice %arg21[%mul3A_187, %dma_start3A_192] : memref<10240x128xf32, #tpu.memory_space<vmem_shared>> -> memref<640x128xf32, #tpu.memory_space<vmem_shared>>
          tpu.enqueue_dma source(%dma_start3A_193 : memref<640x128xf32, #tpu.memory_space<vmem_shared>>) target(%dma_start3A_191 : memref<640x128xf32, #tpu.memory_space<hbm>>) target_semaphore(%run_scoped3A : memref<!tpu.dma_semaphore, #tpu.memory_space<semaphore_mem>>)
          %dma_wait3A = arith.constant 0 : i32
          %dma_wait3A_194 = tpu.memref_slice %arg13[%mul3A_189, %dma_wait3A] : memref<10000x128xf32, #tpu.memory_space<hbm>> -> memref<640x128xf32, #tpu.memory_space<hbm>>
          %dma_wait3A_195 = arith.constant 0 : i32
          %dma_wait3A_196 = tpu.memref_slice %arg21[%mul3A_187, %dma_wait3A_195] : memref<10240x128xf32, #tpu.memory_space<vmem_shared>> -> memref<640x128xf32, #tpu.memory_space<vmem_shared>>
          tpu.wait_dma2 semaphore(%run_scoped3A : memref<!tpu.dma_semaphore, #tpu.memory_space<semaphore_mem>>) src(%dma_wait3A_196 : memref<640x128xf32, #tpu.memory_space<vmem_shared>>) dst(%dma_wait3A_194 : memref<640x128xf32, #tpu.memory_space<hbm>>)
          tpu.yield
        }) : () -> ()
      } else {
      }
      %eq3A_181 = arith.constant 15 : i32
      %eq3A_182 = arith.cmpi eq, %arg1, %eq3A_181 : i32
      %convert_element_type3A_183 = arith.extui %eq3A_182 : i1 to i32
      %cond3A_184 = arith.constant 0 : i32
      %cond3A_185 = arith.cmpi ne, %convert_element_type3A_183, %cond3A_184 : i32
      scf.if %cond3A_185 {
        "tpu.region"() ({
          %run_scoped3A = tpu.sem_alloc : memref<!tpu.dma_semaphore, #tpu.memory_space<semaphore_mem>>
          %dma_start3A_186 = arith.constant 9600 : i32
          %dma_start3A_187 = arith.constant 0 : i32
          %dma_start3A_188 = tpu.memref_slice %arg13[%dma_start3A_186, %dma_start3A_187] : memref<10000x128xf32, #tpu.memory_space<hbm>> -> memref<400x128xf32, #tpu.memory_space<hbm>>
          %dma_start3A_189 = arith.constant 9600 : i32
          %dma_start3A_190 = arith.constant 0 : i32
          %dma_start3A_191 = tpu.memref_slice %arg21[%dma_start3A_189, %dma_start3A_190] : memref<10240x128xf32, #tpu.memory_space<vmem_shared>> -> memref<400x128xf32, #tpu.memory_space<vmem_shared>>
          tpu.enqueue_dma source(%dma_start3A_191 : memref<400x128xf32, #tpu.memory_space<vmem_shared>>) target(%dma_start3A_188 : memref<400x128xf32, #tpu.memory_space<hbm>>) target_semaphore(%run_scoped3A : memref<!tpu.dma_semaphore, #tpu.memory_space<semaphore_mem>>)
          %dma_wait3A = arith.constant 9600 : i32
          %dma_wait3A_192 = arith.constant 0 : i32
          %dma_wait3A_193 = tpu.memref_slice %arg13[%dma_wait3A, %dma_wait3A_192] : memref<10000x128xf32, #tpu.memory_space<hbm>> -> memref<400x128xf32, #tpu.memory_space<hbm>>
          %dma_wait3A_194 = arith.constant 9600 : i32
          %dma_wait3A_195 = arith.constant 0 : i32
          %dma_wait3A_196 = tpu.memref_slice %arg21[%dma_wait3A_194, %dma_wait3A_195] : memref<10240x128xf32, #tpu.memory_space<vmem_shared>> -> memref<400x128xf32, #tpu.memory_space<vmem_shared>>
          tpu.wait_dma2 semaphore(%run_scoped3A : memref<!tpu.dma_semaphore, #tpu.memory_space<semaphore_mem>>) src(%dma_wait3A_196 : memref<400x128xf32, #tpu.memory_space<vmem_shared>>) dst(%dma_wait3A_193 : memref<400x128xf32, #tpu.memory_space<hbm>>)
          tpu.yield
        }) : () -> ()
      } else {
      }
    } else {
    }
    %barrier3A_86 = arith.constant 0 : index
    tpu.barrier barrier_id(%barrier3A_86)
    %mul3A_87 = arith.constant 640 : i32
    %mul3A_88 = arith.muli %arg1, %mul3A_87 : i32
    "tpu.region"() ({
      %run_scoped3A = tpu.sem_alloc : memref<!tpu.dma_semaphore, #tpu.memory_space<semaphore_mem>>
      %dma_start3A_177 = arith.constant 0 : i32
      %dma_start3A_178 = tpu.memref_slice %arg21[%mul3A_88, %dma_start3A_177] : memref<10240x128xf32, #tpu.memory_space<vmem_shared>> -> memref<640x128xf32, #tpu.memory_space<vmem_shared>>
      tpu.enqueue_dma source(%arg8 : memref<640x128xf32, #tpu.memory_space<hbm>>) target(%dma_start3A_178 : memref<640x128xf32, #tpu.memory_space<vmem_shared>>) target_semaphore(%run_scoped3A : memref<!tpu.dma_semaphore, #tpu.memory_space<semaphore_mem>>)
      %dma_wait3A = arith.constant 0 : i32
      %dma_wait3A_179 = tpu.memref_slice %arg21[%mul3A_88, %dma_wait3A] : memref<10240x128xf32, #tpu.memory_space<vmem_shared>> -> memref<640x128xf32, #tpu.memory_space<vmem_shared>>
      tpu.wait_dma2 semaphore(%run_scoped3A : memref<!tpu.dma_semaphore, #tpu.memory_space<semaphore_mem>>) src(%arg8 : memref<640x128xf32, #tpu.memory_space<hbm>>) dst(%dma_wait3A_179 : memref<640x128xf32, #tpu.memory_space<vmem_shared>>)
      tpu.yield
    }) : () -> ()
    %barrier3A_89 = arith.constant 0 : index
    tpu.barrier barrier_id(%barrier3A_89)
    %dma_start3A_90 = arith.constant 0 : i32
    %dma_start3A_91 = arith.constant 0 : i32
    %dma_start3A_92 = arith.constant 0 : i32
    %dma_start3A_93 = arith.constant 0 : i32
    %dma_start3A_94 = tpu.memref_slice %arg20[%dma_start3A_91, %dma_start3A_92, %dma_start3A_93] : memref<2x128x128xf32, #tpu.memory_space<vmem>> -> memref<1x128x128xf32, #tpu.memory_space<vmem>>
    %dma_start3A_95 = tpu.memref_squeeze %dma_start3A_94 : memref<1x128x128xf32, #tpu.memory_space<vmem>> -> memref<128x128xf32, #tpu.memory_space<vmem>>
    %dma_start3A_96 = arith.constant 0 : i32
    %dma_start3A_97 = tpu.memref_slice %arg18[%dma_start3A_90, %dma_start3A_96] : memref<40x128xi32, #tpu.memory_space<vmem>> -> memref<1x128xi32, #tpu.memory_space<vmem>>
    %dma_start3A_98 = tpu.memref_squeeze %dma_start3A_97 : memref<1x128xi32, #tpu.memory_space<vmem>> -> memref<128xi32, #tpu.memory_space<vmem>>
    %dma_start3A_99 = arith.constant 0 : i32
    %dma_start3A_100 = arith.constant 0 : i32
    %dma_start3A_101 = tpu.memref_slice %arg4[%dma_start3A_99, %dma_start3A_100] : memref<10000x128xf32, #tpu.memory_space<hbm>> -> memref<10000x128xf32, #tpu.memory_space<hbm>>
    tpu.enqueue_indirect_dma source(%dma_start3A_101 : memref<10000x128xf32, #tpu.memory_space<hbm>>) target(%dma_start3A_95 : memref<128x128xf32, #tpu.memory_space<vmem>>) offsets(%dma_start3A_98 : memref<128xi32, #tpu.memory_space<vmem>>) semaphore(%arg22 : memref<!tpu.dma_semaphore, #tpu.memory_space<semaphore_mem>>)
    %dma_start3A_102 = arith.constant 1 : i32
    %dma_start3A_103 = arith.constant 1 : i32
    %dma_start3A_104 = arith.constant 0 : i32
    %dma_start3A_105 = arith.constant 0 : i32
    %dma_start3A_106 = tpu.memref_slice %arg20[%dma_start3A_103, %dma_start3A_104, %dma_start3A_105] : memref<2x128x128xf32, #tpu.memory_space<vmem>> -> memref<1x128x128xf32, #tpu.memory_space<vmem>>
    %dma_start3A_107 = tpu.memref_squeeze %dma_start3A_106 : memref<1x128x128xf32, #tpu.memory_space<vmem>> -> memref<128x128xf32, #tpu.memory_space<vmem>>
    %dma_start3A_108 = arith.constant 0 : i32
    %dma_start3A_109 = tpu.memref_slice %arg18[%dma_start3A_102, %dma_start3A_108] : memref<40x128xi32, #tpu.memory_space<vmem>> -> memref<1x128xi32, #tpu.memory_space<vmem>>
    %dma_start3A_110 = tpu.memref_squeeze %dma_start3A_109 : memref<1x128xi32, #tpu.memory_space<vmem>> -> memref<128xi32, #tpu.memory_space<vmem>>
    %dma_start3A_111 = arith.constant 0 : i32
    %dma_start3A_112 = arith.constant 0 : i32
    %dma_start3A_113 = tpu.memref_slice %arg4[%dma_start3A_111, %dma_start3A_112] : memref<10000x128xf32, #tpu.memory_space<hbm>> -> memref<10000x128xf32, #tpu.memory_space<hbm>>
    tpu.enqueue_indirect_dma source(%dma_start3A_113 : memref<10000x128xf32, #tpu.memory_space<hbm>>) target(%dma_start3A_107 : memref<128x128xf32, #tpu.memory_space<vmem>>) offsets(%dma_start3A_110 : memref<128xi32, #tpu.memory_space<vmem>>) semaphore(%arg23 : memref<!tpu.dma_semaphore, #tpu.memory_space<semaphore_mem>>)
    %scan3A_114 = arith.constant 0 : i32
    %scan3A_115 = arith.constant 0 : i32
    %scan3A_116 = arith.constant 20 : i32
    %scan3A_117 = arith.addi %scan3A_115, %scan3A_116 : i32
    %scan3A_118 = arith.constant 1 : i32
    scf.for %scan3A_177 = %scan3A_115 to %scan3A_117 step %scan3A_118  : i32 {
      %mul3A_178 = arith.constant 2 : i32
      %mul3A_179 = arith.muli %scan3A_177, %mul3A_178 : i32
      %add3A_180 = arith.constant 0 : i32
      %add3A_181 = arith.addi %mul3A_179, %add3A_180 : i32
      %dma_wait3A = arith.constant 0 : i32
      %dma_wait3A_182 = arith.constant 0 : i32
      %dma_wait3A_183 = arith.constant 0 : i32
      %dma_wait3A_184 = tpu.memref_slice %arg20[%dma_wait3A, %dma_wait3A_182, %dma_wait3A_183] : memref<2x128x128xf32, #tpu.memory_space<vmem>> -> memref<1x128x128xf32, #tpu.memory_space<vmem>>
      %dma_wait3A_185 = tpu.memref_squeeze %dma_wait3A_184 : memref<1x128x128xf32, #tpu.memory_space<vmem>> -> memref<128x128xf32, #tpu.memory_space<vmem>>
      %dma_wait3A_186 = arith.constant 0 : i32
      %dma_wait3A_187 = tpu.memref_slice %arg18[%add3A_181, %dma_wait3A_186] : memref<40x128xi32, #tpu.memory_space<vmem>> -> memref<1x128xi32, #tpu.memory_space<vmem>>
      %dma_wait3A_188 = tpu.memref_squeeze %dma_wait3A_187 : memref<1x128xi32, #tpu.memory_space<vmem>> -> memref<128xi32, #tpu.memory_space<vmem>>
      %dma_wait3A_189 = arith.constant 0 : i32
      %dma_wait3A_190 = arith.constant 0 : i32
      %dma_wait3A_191 = tpu.memref_slice %arg4[%dma_wait3A_189, %dma_wait3A_190] : memref<10000x128xf32, #tpu.memory_space<hbm>> -> memref<10000x128xf32, #tpu.memory_space<hbm>>
      tpu.wait_indirect_dma semaphore(%arg22 : memref<!tpu.dma_semaphore, #tpu.memory_space<semaphore_mem>>) src(%dma_wait3A_191 : memref<10000x128xf32, #tpu.memory_space<hbm>>) dst(%dma_wait3A_185 : memref<128x128xf32, #tpu.memory_space<vmem>>)
      %dma_start3A_192 = arith.constant 0 : i32
      %dma_start3A_193 = arith.constant 0 : i32
      %dma_start3A_194 = arith.constant 0 : i32
      %dma_start3A_195 = tpu.memref_slice %arg20[%dma_start3A_192, %dma_start3A_193, %dma_start3A_194] : memref<2x128x128xf32, #tpu.memory_space<vmem>> -> memref<1x128x128xf32, #tpu.memory_space<vmem>>
      %dma_start3A_196 = tpu.memref_squeeze %dma_start3A_195 : memref<1x128x128xf32, #tpu.memory_space<vmem>> -> memref<128x128xf32, #tpu.memory_space<vmem>>
      %dma_start3A_197 = arith.constant 0 : i32
      %dma_start3A_198 = tpu.memref_slice %arg19[%add3A_181, %dma_start3A_197] : memref<40x128xi32, #tpu.memory_space<vmem>> -> memref<1x128xi32, #tpu.memory_space<vmem>>
      %dma_start3A_199 = tpu.memref_squeeze %dma_start3A_198 : memref<1x128xi32, #tpu.memory_space<vmem>> -> memref<128xi32, #tpu.memory_space<vmem>>
      %dma_start3A_200 = arith.constant 0 : i32
      %dma_start3A_201 = arith.constant 0 : i32
      %dma_start3A_202 = tpu.memref_slice %arg21[%dma_start3A_200, %dma_start3A_201] : memref<10240x128xf32, #tpu.memory_space<vmem_shared>> -> memref<10240x128xf32, #tpu.memory_space<vmem_shared>>
      tpu.enqueue_indirect_dma source(%dma_start3A_196 : memref<128x128xf32, #tpu.memory_space<vmem>>) target(%dma_start3A_202 : memref<10240x128xf32, #tpu.memory_space<vmem_shared>>) offsets(%dma_start3A_199 : memref<128xi32, #tpu.memory_space<vmem>>) semaphore(%arg24 : memref<!tpu.dma_semaphore, #tpu.memory_space<semaphore_mem>>) {add = true}
      %dma_wait3A_203 = arith.constant 0 : i32
      %dma_wait3A_204 = arith.constant 0 : i32
      %dma_wait3A_205 = arith.constant 0 : i32
      %dma_wait3A_206 = tpu.memref_slice %arg20[%dma_wait3A_203, %dma_wait3A_204, %dma_wait3A_205] : memref<2x128x128xf32, #tpu.memory_space<vmem>> -> memref<1x128x128xf32, #tpu.memory_space<vmem>>
      %dma_wait3A_207 = tpu.memref_squeeze %dma_wait3A_206 : memref<1x128x128xf32, #tpu.memory_space<vmem>> -> memref<128x128xf32, #tpu.memory_space<vmem>>
      %dma_wait3A_208 = arith.constant 0 : i32
      %dma_wait3A_209 = tpu.memref_slice %arg19[%add3A_181, %dma_wait3A_208] : memref<40x128xi32, #tpu.memory_space<vmem>> -> memref<1x128xi32, #tpu.memory_space<vmem>>
      %dma_wait3A_210 = tpu.memref_squeeze %dma_wait3A_209 : memref<1x128xi32, #tpu.memory_space<vmem>> -> memref<128xi32, #tpu.memory_space<vmem>>
      %dma_wait3A_211 = arith.constant 0 : i32
      %dma_wait3A_212 = arith.constant 0 : i32
      %dma_wait3A_213 = tpu.memref_slice %arg21[%dma_wait3A_211, %dma_wait3A_212] : memref<10240x128xf32, #tpu.memory_space<vmem_shared>> -> memref<10240x128xf32, #tpu.memory_space<vmem_shared>>
      tpu.wait_indirect_dma semaphore(%arg24 : memref<!tpu.dma_semaphore, #tpu.memory_space<semaphore_mem>>) src(%dma_wait3A_207 : memref<128x128xf32, #tpu.memory_space<vmem>>) dst(%dma_wait3A_213 : memref<10240x128xf32, #tpu.memory_space<vmem_shared>>)
      %add3A_214 = arith.constant 2 : i32
      %add3A_215 = arith.addi %add3A_181, %add3A_214 : i32
      %lt3A = arith.constant 40 : i32
      %lt3A_216 = arith.cmpi slt, %add3A_215, %lt3A : i32
      %convert_element_type3A_217 = arith.extui %lt3A_216 : i1 to i32
      %cond3A_218 = arith.constant 0 : i32
      %cond3A_219 = arith.cmpi ne, %convert_element_type3A_217, %cond3A_218 : i32
      scf.if %cond3A_219 {
        %add3A_264 = arith.constant 2 : i32
        %add3A_265 = arith.addi %add3A_181, %add3A_264 : i32
        %dma_start3A_266 = arith.constant 0 : i32
        %dma_start3A_267 = arith.constant 0 : i32
        %dma_start3A_268 = arith.constant 0 : i32
        %dma_start3A_269 = tpu.memref_slice %arg20[%dma_start3A_266, %dma_start3A_267, %dma_start3A_268] : memref<2x128x128xf32, #tpu.memory_space<vmem>> -> memref<1x128x128xf32, #tpu.memory_space<vmem>>
        %dma_start3A_270 = tpu.memref_squeeze %dma_start3A_269 : memref<1x128x128xf32, #tpu.memory_space<vmem>> -> memref<128x128xf32, #tpu.memory_space<vmem>>
        %dma_start3A_271 = arith.constant 0 : i32
        %dma_start3A_272 = tpu.memref_slice %arg18[%add3A_265, %dma_start3A_271] : memref<40x128xi32, #tpu.memory_space<vmem>> -> memref<1x128xi32, #tpu.memory_space<vmem>>
        %dma_start3A_273 = tpu.memref_squeeze %dma_start3A_272 : memref<1x128xi32, #tpu.memory_space<vmem>> -> memref<128xi32, #tpu.memory_space<vmem>>
        %dma_start3A_274 = arith.constant 0 : i32
        %dma_start3A_275 = arith.constant 0 : i32
        %dma_start3A_276 = tpu.memref_slice %arg4[%dma_start3A_274, %dma_start3A_275] : memref<10000x128xf32, #tpu.memory_space<hbm>> -> memref<10000x128xf32, #tpu.memory_space<hbm>>
        tpu.enqueue_indirect_dma source(%dma_start3A_276 : memref<10000x128xf32, #tpu.memory_space<hbm>>) target(%dma_start3A_270 : memref<128x128xf32, #tpu.memory_space<vmem>>) offsets(%dma_start3A_273 : memref<128xi32, #tpu.memory_space<vmem>>) semaphore(%arg22 : memref<!tpu.dma_semaphore, #tpu.memory_space<semaphore_mem>>)
      } else {
      }
      %mul3A_220 = arith.constant 2 : i32
      %mul3A_221 = arith.muli %scan3A_177, %mul3A_220 : i32
      %add3A_222 = arith.constant 1 : i32
      %add3A_223 = arith.addi %mul3A_221, %add3A_222 : i32
      %dma_wait3A_224 = arith.constant 1 : i32
      %dma_wait3A_225 = arith.constant 0 : i32
      %dma_wait3A_226 = arith.constant 0 : i32
      %dma_wait3A_227 = tpu.memref_slice %arg20[%dma_wait3A_224, %dma_wait3A_225, %dma_wait3A_226] : memref<2x128x128xf32, #tpu.memory_space<vmem>> -> memref<1x128x128xf32, #tpu.memory_space<vmem>>
      %dma_wait3A_228 = tpu.memref_squeeze %dma_wait3A_227 : memref<1x128x128xf32, #tpu.memory_space<vmem>> -> memref<128x128xf32, #tpu.memory_space<vmem>>
      %dma_wait3A_229 = arith.constant 0 : i32
      %dma_wait3A_230 = tpu.memref_slice %arg18[%add3A_223, %dma_wait3A_229] : memref<40x128xi32, #tpu.memory_space<vmem>> -> memref<1x128xi32, #tpu.memory_space<vmem>>
      %dma_wait3A_231 = tpu.memref_squeeze %dma_wait3A_230 : memref<1x128xi32, #tpu.memory_space<vmem>> -> memref<128xi32, #tpu.memory_space<vmem>>
      %dma_wait3A_232 = arith.constant 0 : i32
      %dma_wait3A_233 = arith.constant 0 : i32
      %dma_wait3A_234 = tpu.memref_slice %arg4[%dma_wait3A_232, %dma_wait3A_233] : memref<10000x128xf32, #tpu.memory_space<hbm>> -> memref<10000x128xf32, #tpu.memory_space<hbm>>
      tpu.wait_indirect_dma semaphore(%arg23 : memref<!tpu.dma_semaphore, #tpu.memory_space<semaphore_mem>>) src(%dma_wait3A_234 : memref<10000x128xf32, #tpu.memory_space<hbm>>) dst(%dma_wait3A_228 : memref<128x128xf32, #tpu.memory_space<vmem>>)
      %dma_start3A_235 = arith.constant 1 : i32
      %dma_start3A_236 = arith.constant 0 : i32
      %dma_start3A_237 = arith.constant 0 : i32
      %dma_start3A_238 = tpu.memref_slice %arg20[%dma_start3A_235, %dma_start3A_236, %dma_start3A_237] : memref<2x128x128xf32, #tpu.memory_space<vmem>> -> memref<1x128x128xf32, #tpu.memory_space<vmem>>
      %dma_start3A_239 = tpu.memref_squeeze %dma_start3A_238 : memref<1x128x128xf32, #tpu.memory_space<vmem>> -> memref<128x128xf32, #tpu.memory_space<vmem>>
      %dma_start3A_240 = arith.constant 0 : i32
      %dma_start3A_241 = tpu.memref_slice %arg19[%add3A_223, %dma_start3A_240] : memref<40x128xi32, #tpu.memory_space<vmem>> -> memref<1x128xi32, #tpu.memory_space<vmem>>
      %dma_start3A_242 = tpu.memref_squeeze %dma_start3A_241 : memref<1x128xi32, #tpu.memory_space<vmem>> -> memref<128xi32, #tpu.memory_space<vmem>>
      %dma_start3A_243 = arith.constant 0 : i32
      %dma_start3A_244 = arith.constant 0 : i32
      %dma_start3A_245 = tpu.memref_slice %arg21[%dma_start3A_243, %dma_start3A_244] : memref<10240x128xf32, #tpu.memory_space<vmem_shared>> -> memref<10240x128xf32, #tpu.memory_space<vmem_shared>>
      tpu.enqueue_indirect_dma source(%dma_start3A_239 : memref<128x128xf32, #tpu.memory_space<vmem>>) target(%dma_start3A_245 : memref<10240x128xf32, #tpu.memory_space<vmem_shared>>) offsets(%dma_start3A_242 : memref<128xi32, #tpu.memory_space<vmem>>) semaphore(%arg25 : memref<!tpu.dma_semaphore, #tpu.memory_space<semaphore_mem>>) {add = true}
      %dma_wait3A_246 = arith.constant 1 : i32
      %dma_wait3A_247 = arith.constant 0 : i32
      %dma_wait3A_248 = arith.constant 0 : i32
      %dma_wait3A_249 = tpu.memref_slice %arg20[%dma_wait3A_246, %dma_wait3A_247, %dma_wait3A_248] : memref<2x128x128xf32, #tpu.memory_space<vmem>> -> memref<1x128x128xf32, #tpu.memory_space<vmem>>
      %dma_wait3A_250 = tpu.memref_squeeze %dma_wait3A_249 : memref<1x128x128xf32, #tpu.memory_space<vmem>> -> memref<128x128xf32, #tpu.memory_space<vmem>>
      %dma_wait3A_251 = arith.constant 0 : i32
      %dma_wait3A_252 = tpu.memref_slice %arg19[%add3A_223, %dma_wait3A_251] : memref<40x128xi32, #tpu.memory_space<vmem>> -> memref<1x128xi32, #tpu.memory_space<vmem>>
      %dma_wait3A_253 = tpu.memref_squeeze %dma_wait3A_252 : memref<1x128xi32, #tpu.memory_space<vmem>> -> memref<128xi32, #tpu.memory_space<vmem>>
      %dma_wait3A_254 = arith.constant 0 : i32
      %dma_wait3A_255 = arith.constant 0 : i32
      %dma_wait3A_256 = tpu.memref_slice %arg21[%dma_wait3A_254, %dma_wait3A_255] : memref<10240x128xf32, #tpu.memory_space<vmem_shared>> -> memref<10240x128xf32, #tpu.memory_space<vmem_shared>>
      tpu.wait_indirect_dma semaphore(%arg25 : memref<!tpu.dma_semaphore, #tpu.memory_space<semaphore_mem>>) src(%dma_wait3A_250 : memref<128x128xf32, #tpu.memory_space<vmem>>) dst(%dma_wait3A_256 : memref<10240x128xf32, #tpu.memory_space<vmem_shared>>)
      %add3A_257 = arith.constant 2 : i32
      %add3A_258 = arith.addi %add3A_223, %add3A_257 : i32
      %lt3A_259 = arith.constant 40 : i32
      %lt3A_260 = arith.cmpi slt, %add3A_258, %lt3A_259 : i32
      %convert_element_type3A_261 = arith.extui %lt3A_260 : i1 to i32
      %cond3A_262 = arith.constant 0 : i32
      %cond3A_263 = arith.cmpi ne, %convert_element_type3A_261, %cond3A_262 : i32
      scf.if %cond3A_263 {
        %add3A_264 = arith.constant 2 : i32
        %add3A_265 = arith.addi %add3A_223, %add3A_264 : i32
        %dma_start3A_266 = arith.constant 1 : i32
        %dma_start3A_267 = arith.constant 0 : i32
        %dma_start3A_268 = arith.constant 0 : i32
        %dma_start3A_269 = tpu.memref_slice %arg20[%dma_start3A_266, %dma_start3A_267, %dma_start3A_268] : memref<2x128x128xf32, #tpu.memory_space<vmem>> -> memref<1x128x128xf32, #tpu.memory_space<vmem>>
        %dma_start3A_270 = tpu.memref_squeeze %dma_start3A_269 : memref<1x128x128xf32, #tpu.memory_space<vmem>> -> memref<128x128xf32, #tpu.memory_space<vmem>>
        %dma_start3A_271 = arith.constant 0 : i32
        %dma_start3A_272 = tpu.memref_slice %arg18[%add3A_265, %dma_start3A_271] : memref<40x128xi32, #tpu.memory_space<vmem>> -> memref<1x128xi32, #tpu.memory_space<vmem>>
        %dma_start3A_273 = tpu.memref_squeeze %dma_start3A_272 : memref<1x128xi32, #tpu.memory_space<vmem>> -> memref<128xi32, #tpu.memory_space<vmem>>
        %dma_start3A_274 = arith.constant 0 : i32
        %dma_start3A_275 = arith.constant 0 : i32
        %dma_start3A_276 = tpu.memref_slice %arg4[%dma_start3A_274, %dma_start3A_275] : memref<10000x128xf32, #tpu.memory_space<hbm>> -> memref<10000x128xf32, #tpu.memory_space<hbm>>
        tpu.enqueue_indirect_dma source(%dma_start3A_276 : memref<10000x128xf32, #tpu.memory_space<hbm>>) target(%dma_start3A_270 : memref<128x128xf32, #tpu.memory_space<vmem>>) offsets(%dma_start3A_273 : memref<128xi32, #tpu.memory_space<vmem>>) semaphore(%arg23 : memref<!tpu.dma_semaphore, #tpu.memory_space<semaphore_mem>>)
      } else {
      }
    }
    %scan3A_119 = arith.constant 20 : i32
    %barrier3A_120 = arith.constant 0 : index
    tpu.barrier barrier_id(%barrier3A_120)
    %eq3A_121 = arith.constant 0 : i32
    %eq3A_122 = arith.cmpi eq, %arg0, %eq3A_121 : i32
    %convert_element_type3A_123 = arith.extui %eq3A_122 : i1 to i32
    %cond3A_124 = arith.constant 0 : i32
    %cond3A_125 = arith.cmpi ne, %convert_element_type3A_123, %cond3A_124 : i32
    scf.if %cond3A_125 {
      %lt3A = arith.constant 15 : i32
      %lt3A_177 = arith.cmpi slt, %arg1, %lt3A : i32
      %convert_element_type3A_178 = arith.extui %lt3A_177 : i1 to i32
      %cond3A_179 = arith.constant 0 : i32
      %cond3A_180 = arith.cmpi ne, %convert_element_type3A_178, %cond3A_179 : i32
      scf.if %cond3A_180 {
        %mul3A_186 = arith.constant 640 : i32
        %mul3A_187 = arith.muli %arg1, %mul3A_186 : i32
        %mul3A_188 = arith.constant 640 : i32
        %mul3A_189 = arith.muli %arg1, %mul3A_188 : i32
        "tpu.region"() ({
          %run_scoped3A = tpu.sem_alloc : memref<!tpu.dma_semaphore, #tpu.memory_space<semaphore_mem>>
          %dma_start3A_190 = arith.constant 0 : i32
          %dma_start3A_191 = tpu.memref_slice %arg14[%mul3A_189, %dma_start3A_190] : memref<10000x128xf32, #tpu.memory_space<hbm>> -> memref<640x128xf32, #tpu.memory_space<hbm>>
          %dma_start3A_192 = arith.constant 0 : i32
          %dma_start3A_193 = tpu.memref_slice %arg21[%mul3A_187, %dma_start3A_192] : memref<10240x128xf32, #tpu.memory_space<vmem_shared>> -> memref<640x128xf32, #tpu.memory_space<vmem_shared>>
          tpu.enqueue_dma source(%dma_start3A_193 : memref<640x128xf32, #tpu.memory_space<vmem_shared>>) target(%dma_start3A_191 : memref<640x128xf32, #tpu.memory_space<hbm>>) target_semaphore(%run_scoped3A : memref<!tpu.dma_semaphore, #tpu.memory_space<semaphore_mem>>)
          %dma_wait3A = arith.constant 0 : i32
          %dma_wait3A_194 = tpu.memref_slice %arg14[%mul3A_189, %dma_wait3A] : memref<10000x128xf32, #tpu.memory_space<hbm>> -> memref<640x128xf32, #tpu.memory_space<hbm>>
          %dma_wait3A_195 = arith.constant 0 : i32
          %dma_wait3A_196 = tpu.memref_slice %arg21[%mul3A_187, %dma_wait3A_195] : memref<10240x128xf32, #tpu.memory_space<vmem_shared>> -> memref<640x128xf32, #tpu.memory_space<vmem_shared>>
          tpu.wait_dma2 semaphore(%run_scoped3A : memref<!tpu.dma_semaphore, #tpu.memory_space<semaphore_mem>>) src(%dma_wait3A_196 : memref<640x128xf32, #tpu.memory_space<vmem_shared>>) dst(%dma_wait3A_194 : memref<640x128xf32, #tpu.memory_space<hbm>>)
          tpu.yield
        }) : () -> ()
      } else {
      }
      %eq3A_181 = arith.constant 15 : i32
      %eq3A_182 = arith.cmpi eq, %arg1, %eq3A_181 : i32
      %convert_element_type3A_183 = arith.extui %eq3A_182 : i1 to i32
      %cond3A_184 = arith.constant 0 : i32
      %cond3A_185 = arith.cmpi ne, %convert_element_type3A_183, %cond3A_184 : i32
      scf.if %cond3A_185 {
        "tpu.region"() ({
          %run_scoped3A = tpu.sem_alloc : memref<!tpu.dma_semaphore, #tpu.memory_space<semaphore_mem>>
          %dma_start3A_186 = arith.constant 9600 : i32
          %dma_start3A_187 = arith.constant 0 : i32
          %dma_start3A_188 = tpu.memref_slice %arg14[%dma_start3A_186, %dma_start3A_187] : memref<10000x128xf32, #tpu.memory_space<hbm>> -> memref<400x128xf32, #tpu.memory_space<hbm>>
          %dma_start3A_189 = arith.constant 9600 : i32
          %dma_start3A_190 = arith.constant 0 : i32
          %dma_start3A_191 = tpu.memref_slice %arg21[%dma_start3A_189, %dma_start3A_190] : memref<10240x128xf32, #tpu.memory_space<vmem_shared>> -> memref<400x128xf32, #tpu.memory_space<vmem_shared>>
          tpu.enqueue_dma source(%dma_start3A_191 : memref<400x128xf32, #tpu.memory_space<vmem_shared>>) target(%dma_start3A_188 : memref<400x128xf32, #tpu.memory_space<hbm>>) target_semaphore(%run_scoped3A : memref<!tpu.dma_semaphore, #tpu.memory_space<semaphore_mem>>)
          %dma_wait3A = arith.constant 9600 : i32
          %dma_wait3A_192 = arith.constant 0 : i32
          %dma_wait3A_193 = tpu.memref_slice %arg14[%dma_wait3A, %dma_wait3A_192] : memref<10000x128xf32, #tpu.memory_space<hbm>> -> memref<400x128xf32, #tpu.memory_space<hbm>>
          %dma_wait3A_194 = arith.constant 9600 : i32
          %dma_wait3A_195 = arith.constant 0 : i32
          %dma_wait3A_196 = tpu.memref_slice %arg21[%dma_wait3A_194, %dma_wait3A_195] : memref<10240x128xf32, #tpu.memory_space<vmem_shared>> -> memref<400x128xf32, #tpu.memory_space<vmem_shared>>
          tpu.wait_dma2 semaphore(%run_scoped3A : memref<!tpu.dma_semaphore, #tpu.memory_space<semaphore_mem>>) src(%dma_wait3A_196 : memref<400x128xf32, #tpu.memory_space<vmem_shared>>) dst(%dma_wait3A_193 : memref<400x128xf32, #tpu.memory_space<hbm>>)
          tpu.yield
        }) : () -> ()
      } else {
      }
    } else {
    }
    %eq3A_126 = arith.constant 1 : i32
    %eq3A_127 = arith.cmpi eq, %arg0, %eq3A_126 : i32
    %convert_element_type3A_128 = arith.extui %eq3A_127 : i1 to i32
    %cond3A_129 = arith.constant 0 : i32
    %cond3A_130 = arith.cmpi ne, %convert_element_type3A_128, %cond3A_129 : i32
    scf.if %cond3A_130 {
      %lt3A = arith.constant 15 : i32
      %lt3A_177 = arith.cmpi slt, %arg1, %lt3A : i32
      %convert_element_type3A_178 = arith.extui %lt3A_177 : i1 to i32
      %cond3A_179 = arith.constant 0 : i32
      %cond3A_180 = arith.cmpi ne, %convert_element_type3A_178, %cond3A_179 : i32
      scf.if %cond3A_180 {
        %mul3A_186 = arith.constant 640 : i32
        %mul3A_187 = arith.muli %arg1, %mul3A_186 : i32
        %mul3A_188 = arith.constant 640 : i32
        %mul3A_189 = arith.muli %arg1, %mul3A_188 : i32
        "tpu.region"() ({
          %run_scoped3A = tpu.sem_alloc : memref<!tpu.dma_semaphore, #tpu.memory_space<semaphore_mem>>
          %dma_start3A_190 = arith.constant 0 : i32
          %dma_start3A_191 = tpu.memref_slice %arg15[%mul3A_189, %dma_start3A_190] : memref<10000x128xf32, #tpu.memory_space<hbm>> -> memref<640x128xf32, #tpu.memory_space<hbm>>
          %dma_start3A_192 = arith.constant 0 : i32
          %dma_start3A_193 = tpu.memref_slice %arg21[%mul3A_187, %dma_start3A_192] : memref<10240x128xf32, #tpu.memory_space<vmem_shared>> -> memref<640x128xf32, #tpu.memory_space<vmem_shared>>
          tpu.enqueue_dma source(%dma_start3A_193 : memref<640x128xf32, #tpu.memory_space<vmem_shared>>) target(%dma_start3A_191 : memref<640x128xf32, #tpu.memory_space<hbm>>) target_semaphore(%run_scoped3A : memref<!tpu.dma_semaphore, #tpu.memory_space<semaphore_mem>>)
          %dma_wait3A = arith.constant 0 : i32
          %dma_wait3A_194 = tpu.memref_slice %arg15[%mul3A_189, %dma_wait3A] : memref<10000x128xf32, #tpu.memory_space<hbm>> -> memref<640x128xf32, #tpu.memory_space<hbm>>
          %dma_wait3A_195 = arith.constant 0 : i32
          %dma_wait3A_196 = tpu.memref_slice %arg21[%mul3A_187, %dma_wait3A_195] : memref<10240x128xf32, #tpu.memory_space<vmem_shared>> -> memref<640x128xf32, #tpu.memory_space<vmem_shared>>
          tpu.wait_dma2 semaphore(%run_scoped3A : memref<!tpu.dma_semaphore, #tpu.memory_space<semaphore_mem>>) src(%dma_wait3A_196 : memref<640x128xf32, #tpu.memory_space<vmem_shared>>) dst(%dma_wait3A_194 : memref<640x128xf32, #tpu.memory_space<hbm>>)
          tpu.yield
        }) : () -> ()
      } else {
      }
      %eq3A_181 = arith.constant 15 : i32
      %eq3A_182 = arith.cmpi eq, %arg1, %eq3A_181 : i32
      %convert_element_type3A_183 = arith.extui %eq3A_182 : i1 to i32
      %cond3A_184 = arith.constant 0 : i32
      %cond3A_185 = arith.cmpi ne, %convert_element_type3A_183, %cond3A_184 : i32
      scf.if %cond3A_185 {
        "tpu.region"() ({
          %run_scoped3A = tpu.sem_alloc : memref<!tpu.dma_semaphore, #tpu.memory_space<semaphore_mem>>
          %dma_start3A_186 = arith.constant 9600 : i32
          %dma_start3A_187 = arith.constant 0 : i32
          %dma_start3A_188 = tpu.memref_slice %arg15[%dma_start3A_186, %dma_start3A_187] : memref<10000x128xf32, #tpu.memory_space<hbm>> -> memref<400x128xf32, #tpu.memory_space<hbm>>
          %dma_start3A_189 = arith.constant 9600 : i32
          %dma_start3A_190 = arith.constant 0 : i32
          %dma_start3A_191 = tpu.memref_slice %arg21[%dma_start3A_189, %dma_start3A_190] : memref<10240x128xf32, #tpu.memory_space<vmem_shared>> -> memref<400x128xf32, #tpu.memory_space<vmem_shared>>
          tpu.enqueue_dma source(%dma_start3A_191 : memref<400x128xf32, #tpu.memory_space<vmem_shared>>) target(%dma_start3A_188 : memref<400x128xf32, #tpu.memory_space<hbm>>) target_semaphore(%run_scoped3A : memref<!tpu.dma_semaphore, #tpu.memory_space<semaphore_mem>>)
          %dma_wait3A = arith.constant 9600 : i32
          %dma_wait3A_192 = arith.constant 0 : i32
          %dma_wait3A_193 = tpu.memref_slice %arg15[%dma_wait3A, %dma_wait3A_192] : memref<10000x128xf32, #tpu.memory_space<hbm>> -> memref<400x128xf32, #tpu.memory_space<hbm>>
          %dma_wait3A_194 = arith.constant 9600 : i32
          %dma_wait3A_195 = arith.constant 0 : i32
          %dma_wait3A_196 = tpu.memref_slice %arg21[%dma_wait3A_194, %dma_wait3A_195] : memref<10240x128xf32, #tpu.memory_space<vmem_shared>> -> memref<400x128xf32, #tpu.memory_space<vmem_shared>>
          tpu.wait_dma2 semaphore(%run_scoped3A : memref<!tpu.dma_semaphore, #tpu.memory_space<semaphore_mem>>) src(%dma_wait3A_196 : memref<400x128xf32, #tpu.memory_space<vmem_shared>>) dst(%dma_wait3A_193 : memref<400x128xf32, #tpu.memory_space<hbm>>)
          tpu.yield
        }) : () -> ()
      } else {
      }
    } else {
    }
    %barrier3A_131 = arith.constant 0 : index
    tpu.barrier barrier_id(%barrier3A_131)
    %mul3A_132 = arith.constant 640 : i32
    %mul3A_133 = arith.muli %arg1, %mul3A_132 : i32
    "tpu.region"() ({
      %run_scoped3A = tpu.sem_alloc : memref<!tpu.dma_semaphore, #tpu.memory_space<semaphore_mem>>
      %dma_start3A_177 = arith.constant 0 : i32
      %dma_start3A_178 = tpu.memref_slice %arg21[%mul3A_133, %dma_start3A_177] : memref<10240x128xf32, #tpu.memory_space<vmem_shared>> -> memref<640x128xf32, #tpu.memory_space<vmem_shared>>
      tpu.enqueue_dma source(%arg8 : memref<640x128xf32, #tpu.memory_space<hbm>>) target(%dma_start3A_178 : memref<640x128xf32, #tpu.memory_space<vmem_shared>>) target_semaphore(%run_scoped3A : memref<!tpu.dma_semaphore, #tpu.memory_space<semaphore_mem>>)
      %dma_wait3A = arith.constant 0 : i32
      %dma_wait3A_179 = tpu.memref_slice %arg21[%mul3A_133, %dma_wait3A] : memref<10240x128xf32, #tpu.memory_space<vmem_shared>> -> memref<640x128xf32, #tpu.memory_space<vmem_shared>>
      tpu.wait_dma2 semaphore(%run_scoped3A : memref<!tpu.dma_semaphore, #tpu.memory_space<semaphore_mem>>) src(%arg8 : memref<640x128xf32, #tpu.memory_space<hbm>>) dst(%dma_wait3A_179 : memref<640x128xf32, #tpu.memory_space<vmem_shared>>)
      tpu.yield
    }) : () -> ()
    %barrier3A_134 = arith.constant 0 : index
    tpu.barrier barrier_id(%barrier3A_134)
    %dma_start3A_135 = arith.constant 0 : i32
    %dma_start3A_136 = arith.constant 0 : i32
    %dma_start3A_137 = arith.constant 0 : i32
    %dma_start3A_138 = arith.constant 0 : i32
    %dma_start3A_139 = tpu.memref_slice %arg20[%dma_start3A_136, %dma_start3A_137, %dma_start3A_138] : memref<2x128x128xf32, #tpu.memory_space<vmem>> -> memref<1x128x128xf32, #tpu.memory_space<vmem>>
    %dma_start3A_140 = tpu.memref_squeeze %dma_start3A_139 : memref<1x128x128xf32, #tpu.memory_space<vmem>> -> memref<128x128xf32, #tpu.memory_space<vmem>>
    %dma_start3A_141 = arith.constant 0 : i32
    %dma_start3A_142 = tpu.memref_slice %arg18[%dma_start3A_135, %dma_start3A_141] : memref<40x128xi32, #tpu.memory_space<vmem>> -> memref<1x128xi32, #tpu.memory_space<vmem>>
    %dma_start3A_143 = tpu.memref_squeeze %dma_start3A_142 : memref<1x128xi32, #tpu.memory_space<vmem>> -> memref<128xi32, #tpu.memory_space<vmem>>
    %dma_start3A_144 = arith.constant 0 : i32
    %dma_start3A_145 = arith.constant 0 : i32
    %dma_start3A_146 = tpu.memref_slice %arg5[%dma_start3A_144, %dma_start3A_145] : memref<10000x128xf32, #tpu.memory_space<hbm>> -> memref<10000x128xf32, #tpu.memory_space<hbm>>
    tpu.enqueue_indirect_dma source(%dma_start3A_146 : memref<10000x128xf32, #tpu.memory_space<hbm>>) target(%dma_start3A_140 : memref<128x128xf32, #tpu.memory_space<vmem>>) offsets(%dma_start3A_143 : memref<128xi32, #tpu.memory_space<vmem>>) semaphore(%arg22 : memref<!tpu.dma_semaphore, #tpu.memory_space<semaphore_mem>>)
    %dma_start3A_147 = arith.constant 1 : i32
    %dma_start3A_148 = arith.constant 1 : i32
    %dma_start3A_149 = arith.constant 0 : i32
    %dma_start3A_150 = arith.constant 0 : i32
    %dma_start3A_151 = tpu.memref_slice %arg20[%dma_start3A_148, %dma_start3A_149, %dma_start3A_150] : memref<2x128x128xf32, #tpu.memory_space<vmem>> -> memref<1x128x128xf32, #tpu.memory_space<vmem>>
    %dma_start3A_152 = tpu.memref_squeeze %dma_start3A_151 : memref<1x128x128xf32, #tpu.memory_space<vmem>> -> memref<128x128xf32, #tpu.memory_space<vmem>>
    %dma_start3A_153 = arith.constant 0 : i32
    %dma_start3A_154 = tpu.memref_slice %arg18[%dma_start3A_147, %dma_start3A_153] : memref<40x128xi32, #tpu.memory_space<vmem>> -> memref<1x128xi32, #tpu.memory_space<vmem>>
    %dma_start3A_155 = tpu.memref_squeeze %dma_start3A_154 : memref<1x128xi32, #tpu.memory_space<vmem>> -> memref<128xi32, #tpu.memory_space<vmem>>
    %dma_start3A_156 = arith.constant 0 : i32
    %dma_start3A_157 = arith.constant 0 : i32
    %dma_start3A_158 = tpu.memref_slice %arg5[%dma_start3A_156, %dma_start3A_157] : memref<10000x128xf32, #tpu.memory_space<hbm>> -> memref<10000x128xf32, #tpu.memory_space<hbm>>
    tpu.enqueue_indirect_dma source(%dma_start3A_158 : memref<10000x128xf32, #tpu.memory_space<hbm>>) target(%dma_start3A_152 : memref<128x128xf32, #tpu.memory_space<vmem>>) offsets(%dma_start3A_155 : memref<128xi32, #tpu.memory_space<vmem>>) semaphore(%arg23 : memref<!tpu.dma_semaphore, #tpu.memory_space<semaphore_mem>>)
    %scan3A_159 = arith.constant 0 : i32
    %scan3A_160 = arith.constant 0 : i32
    %scan3A_161 = arith.constant 20 : i32
    %scan3A_162 = arith.addi %scan3A_160, %scan3A_161 : i32
    %scan3A_163 = arith.constant 1 : i32
    scf.for %scan3A_177 = %scan3A_160 to %scan3A_162 step %scan3A_163  : i32 {
      %mul3A_178 = arith.constant 2 : i32
      %mul3A_179 = arith.muli %scan3A_177, %mul3A_178 : i32
      %add3A_180 = arith.constant 0 : i32
      %add3A_181 = arith.addi %mul3A_179, %add3A_180 : i32
      %dma_wait3A = arith.constant 0 : i32
      %dma_wait3A_182 = arith.constant 0 : i32
      %dma_wait3A_183 = arith.constant 0 : i32
      %dma_wait3A_184 = tpu.memref_slice %arg20[%dma_wait3A, %dma_wait3A_182, %dma_wait3A_183] : memref<2x128x128xf32, #tpu.memory_space<vmem>> -> memref<1x128x128xf32, #tpu.memory_space<vmem>>
      %dma_wait3A_185 = tpu.memref_squeeze %dma_wait3A_184 : memref<1x128x128xf32, #tpu.memory_space<vmem>> -> memref<128x128xf32, #tpu.memory_space<vmem>>
      %dma_wait3A_186 = arith.constant 0 : i32
      %dma_wait3A_187 = tpu.memref_slice %arg18[%add3A_181, %dma_wait3A_186] : memref<40x128xi32, #tpu.memory_space<vmem>> -> memref<1x128xi32, #tpu.memory_space<vmem>>
      %dma_wait3A_188 = tpu.memref_squeeze %dma_wait3A_187 : memref<1x128xi32, #tpu.memory_space<vmem>> -> memref<128xi32, #tpu.memory_space<vmem>>
      %dma_wait3A_189 = arith.constant 0 : i32
      %dma_wait3A_190 = arith.constant 0 : i32
      %dma_wait3A_191 = tpu.memref_slice %arg5[%dma_wait3A_189, %dma_wait3A_190] : memref<10000x128xf32, #tpu.memory_space<hbm>> -> memref<10000x128xf32, #tpu.memory_space<hbm>>
      tpu.wait_indirect_dma semaphore(%arg22 : memref<!tpu.dma_semaphore, #tpu.memory_space<semaphore_mem>>) src(%dma_wait3A_191 : memref<10000x128xf32, #tpu.memory_space<hbm>>) dst(%dma_wait3A_185 : memref<128x128xf32, #tpu.memory_space<vmem>>)
      %dma_start3A_192 = arith.constant 0 : i32
      %dma_start3A_193 = arith.constant 0 : i32
      %dma_start3A_194 = arith.constant 0 : i32
      %dma_start3A_195 = tpu.memref_slice %arg20[%dma_start3A_192, %dma_start3A_193, %dma_start3A_194] : memref<2x128x128xf32, #tpu.memory_space<vmem>> -> memref<1x128x128xf32, #tpu.memory_space<vmem>>
      %dma_start3A_196 = tpu.memref_squeeze %dma_start3A_195 : memref<1x128x128xf32, #tpu.memory_space<vmem>> -> memref<128x128xf32, #tpu.memory_space<vmem>>
      %dma_start3A_197 = arith.constant 0 : i32
      %dma_start3A_198 = tpu.memref_slice %arg19[%add3A_181, %dma_start3A_197] : memref<40x128xi32, #tpu.memory_space<vmem>> -> memref<1x128xi32, #tpu.memory_space<vmem>>
      %dma_start3A_199 = tpu.memref_squeeze %dma_start3A_198 : memref<1x128xi32, #tpu.memory_space<vmem>> -> memref<128xi32, #tpu.memory_space<vmem>>
      %dma_start3A_200 = arith.constant 0 : i32
      %dma_start3A_201 = arith.constant 0 : i32
      %dma_start3A_202 = tpu.memref_slice %arg21[%dma_start3A_200, %dma_start3A_201] : memref<10240x128xf32, #tpu.memory_space<vmem_shared>> -> memref<10240x128xf32, #tpu.memory_space<vmem_shared>>
      tpu.enqueue_indirect_dma source(%dma_start3A_196 : memref<128x128xf32, #tpu.memory_space<vmem>>) target(%dma_start3A_202 : memref<10240x128xf32, #tpu.memory_space<vmem_shared>>) offsets(%dma_start3A_199 : memref<128xi32, #tpu.memory_space<vmem>>) semaphore(%arg24 : memref<!tpu.dma_semaphore, #tpu.memory_space<semaphore_mem>>) {add = true}
      %dma_wait3A_203 = arith.constant 0 : i32
      %dma_wait3A_204 = arith.constant 0 : i32
      %dma_wait3A_205 = arith.constant 0 : i32
      %dma_wait3A_206 = tpu.memref_slice %arg20[%dma_wait3A_203, %dma_wait3A_204, %dma_wait3A_205] : memref<2x128x128xf32, #tpu.memory_space<vmem>> -> memref<1x128x128xf32, #tpu.memory_space<vmem>>
      %dma_wait3A_207 = tpu.memref_squeeze %dma_wait3A_206 : memref<1x128x128xf32, #tpu.memory_space<vmem>> -> memref<128x128xf32, #tpu.memory_space<vmem>>
      %dma_wait3A_208 = arith.constant 0 : i32
      %dma_wait3A_209 = tpu.memref_slice %arg19[%add3A_181, %dma_wait3A_208] : memref<40x128xi32, #tpu.memory_space<vmem>> -> memref<1x128xi32, #tpu.memory_space<vmem>>
      %dma_wait3A_210 = tpu.memref_squeeze %dma_wait3A_209 : memref<1x128xi32, #tpu.memory_space<vmem>> -> memref<128xi32, #tpu.memory_space<vmem>>
      %dma_wait3A_211 = arith.constant 0 : i32
      %dma_wait3A_212 = arith.constant 0 : i32
      %dma_wait3A_213 = tpu.memref_slice %arg21[%dma_wait3A_211, %dma_wait3A_212] : memref<10240x128xf32, #tpu.memory_space<vmem_shared>> -> memref<10240x128xf32, #tpu.memory_space<vmem_shared>>
      tpu.wait_indirect_dma semaphore(%arg24 : memref<!tpu.dma_semaphore, #tpu.memory_space<semaphore_mem>>) src(%dma_wait3A_207 : memref<128x128xf32, #tpu.memory_space<vmem>>) dst(%dma_wait3A_213 : memref<10240x128xf32, #tpu.memory_space<vmem_shared>>)
      %add3A_214 = arith.constant 2 : i32
      %add3A_215 = arith.addi %add3A_181, %add3A_214 : i32
      %lt3A = arith.constant 40 : i32
      %lt3A_216 = arith.cmpi slt, %add3A_215, %lt3A : i32
      %convert_element_type3A_217 = arith.extui %lt3A_216 : i1 to i32
      %cond3A_218 = arith.constant 0 : i32
      %cond3A_219 = arith.cmpi ne, %convert_element_type3A_217, %cond3A_218 : i32
      scf.if %cond3A_219 {
        %add3A_264 = arith.constant 2 : i32
        %add3A_265 = arith.addi %add3A_181, %add3A_264 : i32
        %dma_start3A_266 = arith.constant 0 : i32
        %dma_start3A_267 = arith.constant 0 : i32
        %dma_start3A_268 = arith.constant 0 : i32
        %dma_start3A_269 = tpu.memref_slice %arg20[%dma_start3A_266, %dma_start3A_267, %dma_start3A_268] : memref<2x128x128xf32, #tpu.memory_space<vmem>> -> memref<1x128x128xf32, #tpu.memory_space<vmem>>
        %dma_start3A_270 = tpu.memref_squeeze %dma_start3A_269 : memref<1x128x128xf32, #tpu.memory_space<vmem>> -> memref<128x128xf32, #tpu.memory_space<vmem>>
        %dma_start3A_271 = arith.constant 0 : i32
        %dma_start3A_272 = tpu.memref_slice %arg18[%add3A_265, %dma_start3A_271] : memref<40x128xi32, #tpu.memory_space<vmem>> -> memref<1x128xi32, #tpu.memory_space<vmem>>
        %dma_start3A_273 = tpu.memref_squeeze %dma_start3A_272 : memref<1x128xi32, #tpu.memory_space<vmem>> -> memref<128xi32, #tpu.memory_space<vmem>>
        %dma_start3A_274 = arith.constant 0 : i32
        %dma_start3A_275 = arith.constant 0 : i32
        %dma_start3A_276 = tpu.memref_slice %arg5[%dma_start3A_274, %dma_start3A_275] : memref<10000x128xf32, #tpu.memory_space<hbm>> -> memref<10000x128xf32, #tpu.memory_space<hbm>>
        tpu.enqueue_indirect_dma source(%dma_start3A_276 : memref<10000x128xf32, #tpu.memory_space<hbm>>) target(%dma_start3A_270 : memref<128x128xf32, #tpu.memory_space<vmem>>) offsets(%dma_start3A_273 : memref<128xi32, #tpu.memory_space<vmem>>) semaphore(%arg22 : memref<!tpu.dma_semaphore, #tpu.memory_space<semaphore_mem>>)
      } else {
      }
      %mul3A_220 = arith.constant 2 : i32
      %mul3A_221 = arith.muli %scan3A_177, %mul3A_220 : i32
      %add3A_222 = arith.constant 1 : i32
      %add3A_223 = arith.addi %mul3A_221, %add3A_222 : i32
      %dma_wait3A_224 = arith.constant 1 : i32
      %dma_wait3A_225 = arith.constant 0 : i32
      %dma_wait3A_226 = arith.constant 0 : i32
      %dma_wait3A_227 = tpu.memref_slice %arg20[%dma_wait3A_224, %dma_wait3A_225, %dma_wait3A_226] : memref<2x128x128xf32, #tpu.memory_space<vmem>> -> memref<1x128x128xf32, #tpu.memory_space<vmem>>
      %dma_wait3A_228 = tpu.memref_squeeze %dma_wait3A_227 : memref<1x128x128xf32, #tpu.memory_space<vmem>> -> memref<128x128xf32, #tpu.memory_space<vmem>>
      %dma_wait3A_229 = arith.constant 0 : i32
      %dma_wait3A_230 = tpu.memref_slice %arg18[%add3A_223, %dma_wait3A_229] : memref<40x128xi32, #tpu.memory_space<vmem>> -> memref<1x128xi32, #tpu.memory_space<vmem>>
      %dma_wait3A_231 = tpu.memref_squeeze %dma_wait3A_230 : memref<1x128xi32, #tpu.memory_space<vmem>> -> memref<128xi32, #tpu.memory_space<vmem>>
      %dma_wait3A_232 = arith.constant 0 : i32
      %dma_wait3A_233 = arith.constant 0 : i32
      %dma_wait3A_234 = tpu.memref_slice %arg5[%dma_wait3A_232, %dma_wait3A_233] : memref<10000x128xf32, #tpu.memory_space<hbm>> -> memref<10000x128xf32, #tpu.memory_space<hbm>>
      tpu.wait_indirect_dma semaphore(%arg23 : memref<!tpu.dma_semaphore, #tpu.memory_space<semaphore_mem>>) src(%dma_wait3A_234 : memref<10000x128xf32, #tpu.memory_space<hbm>>) dst(%dma_wait3A_228 : memref<128x128xf32, #tpu.memory_space<vmem>>)
      %dma_start3A_235 = arith.constant 1 : i32
      %dma_start3A_236 = arith.constant 0 : i32
      %dma_start3A_237 = arith.constant 0 : i32
      %dma_start3A_238 = tpu.memref_slice %arg20[%dma_start3A_235, %dma_start3A_236, %dma_start3A_237] : memref<2x128x128xf32, #tpu.memory_space<vmem>> -> memref<1x128x128xf32, #tpu.memory_space<vmem>>
      %dma_start3A_239 = tpu.memref_squeeze %dma_start3A_238 : memref<1x128x128xf32, #tpu.memory_space<vmem>> -> memref<128x128xf32, #tpu.memory_space<vmem>>
      %dma_start3A_240 = arith.constant 0 : i32
      %dma_start3A_241 = tpu.memref_slice %arg19[%add3A_223, %dma_start3A_240] : memref<40x128xi32, #tpu.memory_space<vmem>> -> memref<1x128xi32, #tpu.memory_space<vmem>>
      %dma_start3A_242 = tpu.memref_squeeze %dma_start3A_241 : memref<1x128xi32, #tpu.memory_space<vmem>> -> memref<128xi32, #tpu.memory_space<vmem>>
      %dma_start3A_243 = arith.constant 0 : i32
      %dma_start3A_244 = arith.constant 0 : i32
      %dma_start3A_245 = tpu.memref_slice %arg21[%dma_start3A_243, %dma_start3A_244] : memref<10240x128xf32, #tpu.memory_space<vmem_shared>> -> memref<10240x128xf32, #tpu.memory_space<vmem_shared>>
      tpu.enqueue_indirect_dma source(%dma_start3A_239 : memref<128x128xf32, #tpu.memory_space<vmem>>) target(%dma_start3A_245 : memref<10240x128xf32, #tpu.memory_space<vmem_shared>>) offsets(%dma_start3A_242 : memref<128xi32, #tpu.memory_space<vmem>>) semaphore(%arg25 : memref<!tpu.dma_semaphore, #tpu.memory_space<semaphore_mem>>) {add = true}
      %dma_wait3A_246 = arith.constant 1 : i32
      %dma_wait3A_247 = arith.constant 0 : i32
      %dma_wait3A_248 = arith.constant 0 : i32
      %dma_wait3A_249 = tpu.memref_slice %arg20[%dma_wait3A_246, %dma_wait3A_247, %dma_wait3A_248] : memref<2x128x128xf32, #tpu.memory_space<vmem>> -> memref<1x128x128xf32, #tpu.memory_space<vmem>>
      %dma_wait3A_250 = tpu.memref_squeeze %dma_wait3A_249 : memref<1x128x128xf32, #tpu.memory_space<vmem>> -> memref<128x128xf32, #tpu.memory_space<vmem>>
      %dma_wait3A_251 = arith.constant 0 : i32
      %dma_wait3A_252 = tpu.memref_slice %arg19[%add3A_223, %dma_wait3A_251] : memref<40x128xi32, #tpu.memory_space<vmem>> -> memref<1x128xi32, #tpu.memory_space<vmem>>
      %dma_wait3A_253 = tpu.memref_squeeze %dma_wait3A_252 : memref<1x128xi32, #tpu.memory_space<vmem>> -> memref<128xi32, #tpu.memory_space<vmem>>
      %dma_wait3A_254 = arith.constant 0 : i32
      %dma_wait3A_255 = arith.constant 0 : i32
      %dma_wait3A_256 = tpu.memref_slice %arg21[%dma_wait3A_254, %dma_wait3A_255] : memref<10240x128xf32, #tpu.memory_space<vmem_shared>> -> memref<10240x128xf32, #tpu.memory_space<vmem_shared>>
      tpu.wait_indirect_dma semaphore(%arg25 : memref<!tpu.dma_semaphore, #tpu.memory_space<semaphore_mem>>) src(%dma_wait3A_250 : memref<128x128xf32, #tpu.memory_space<vmem>>) dst(%dma_wait3A_256 : memref<10240x128xf32, #tpu.memory_space<vmem_shared>>)
      %add3A_257 = arith.constant 2 : i32
      %add3A_258 = arith.addi %add3A_223, %add3A_257 : i32
      %lt3A_259 = arith.constant 40 : i32
      %lt3A_260 = arith.cmpi slt, %add3A_258, %lt3A_259 : i32
      %convert_element_type3A_261 = arith.extui %lt3A_260 : i1 to i32
      %cond3A_262 = arith.constant 0 : i32
      %cond3A_263 = arith.cmpi ne, %convert_element_type3A_261, %cond3A_262 : i32
      scf.if %cond3A_263 {
        %add3A_264 = arith.constant 2 : i32
        %add3A_265 = arith.addi %add3A_223, %add3A_264 : i32
        %dma_start3A_266 = arith.constant 1 : i32
        %dma_start3A_267 = arith.constant 0 : i32
        %dma_start3A_268 = arith.constant 0 : i32
        %dma_start3A_269 = tpu.memref_slice %arg20[%dma_start3A_266, %dma_start3A_267, %dma_start3A_268] : memref<2x128x128xf32, #tpu.memory_space<vmem>> -> memref<1x128x128xf32, #tpu.memory_space<vmem>>
        %dma_start3A_270 = tpu.memref_squeeze %dma_start3A_269 : memref<1x128x128xf32, #tpu.memory_space<vmem>> -> memref<128x128xf32, #tpu.memory_space<vmem>>
        %dma_start3A_271 = arith.constant 0 : i32
        %dma_start3A_272 = tpu.memref_slice %arg18[%add3A_265, %dma_start3A_271] : memref<40x128xi32, #tpu.memory_space<vmem>> -> memref<1x128xi32, #tpu.memory_space<vmem>>
        %dma_start3A_273 = tpu.memref_squeeze %dma_start3A_272 : memref<1x128xi32, #tpu.memory_space<vmem>> -> memref<128xi32, #tpu.memory_space<vmem>>
        %dma_start3A_274 = arith.constant 0 : i32
        %dma_start3A_275 = arith.constant 0 : i32
        %dma_start3A_276 = tpu.memref_slice %arg5[%dma_start3A_274, %dma_start3A_275] : memref<10000x128xf32, #tpu.memory_space<hbm>> -> memref<10000x128xf32, #tpu.memory_space<hbm>>
        tpu.enqueue_indirect_dma source(%dma_start3A_276 : memref<10000x128xf32, #tpu.memory_space<hbm>>) target(%dma_start3A_270 : memref<128x128xf32, #tpu.memory_space<vmem>>) offsets(%dma_start3A_273 : memref<128xi32, #tpu.memory_space<vmem>>) semaphore(%arg23 : memref<!tpu.dma_semaphore, #tpu.memory_space<semaphore_mem>>)
      } else {
      }
    }
    %scan3A_164 = arith.constant 20 : i32
    %barrier3A_165 = arith.constant 0 : index
    tpu.barrier barrier_id(%barrier3A_165)
    %eq3A_166 = arith.constant 0 : i32
    %eq3A_167 = arith.cmpi eq, %arg0, %eq3A_166 : i32
    %convert_element_type3A_168 = arith.extui %eq3A_167 : i1 to i32
    %cond3A_169 = arith.constant 0 : i32
    %cond3A_170 = arith.cmpi ne, %convert_element_type3A_168, %cond3A_169 : i32
    scf.if %cond3A_170 {
      %lt3A = arith.constant 15 : i32
      %lt3A_177 = arith.cmpi slt, %arg1, %lt3A : i32
      %convert_element_type3A_178 = arith.extui %lt3A_177 : i1 to i32
      %cond3A_179 = arith.constant 0 : i32
      %cond3A_180 = arith.cmpi ne, %convert_element_type3A_178, %cond3A_179 : i32
      scf.if %cond3A_180 {
        %mul3A_186 = arith.constant 640 : i32
        %mul3A_187 = arith.muli %arg1, %mul3A_186 : i32
        %mul3A_188 = arith.constant 640 : i32
        %mul3A_189 = arith.muli %arg1, %mul3A_188 : i32
        "tpu.region"() ({
          %run_scoped3A = tpu.sem_alloc : memref<!tpu.dma_semaphore, #tpu.memory_space<semaphore_mem>>
          %dma_start3A_190 = arith.constant 0 : i32
          %dma_start3A_191 = tpu.memref_slice %arg16[%mul3A_189, %dma_start3A_190] : memref<10000x128xf32, #tpu.memory_space<hbm>> -> memref<640x128xf32, #tpu.memory_space<hbm>>
          %dma_start3A_192 = arith.constant 0 : i32
          %dma_start3A_193 = tpu.memref_slice %arg21[%mul3A_187, %dma_start3A_192] : memref<10240x128xf32, #tpu.memory_space<vmem_shared>> -> memref<640x128xf32, #tpu.memory_space<vmem_shared>>
          tpu.enqueue_dma source(%dma_start3A_193 : memref<640x128xf32, #tpu.memory_space<vmem_shared>>) target(%dma_start3A_191 : memref<640x128xf32, #tpu.memory_space<hbm>>) target_semaphore(%run_scoped3A : memref<!tpu.dma_semaphore, #tpu.memory_space<semaphore_mem>>)
          %dma_wait3A = arith.constant 0 : i32
          %dma_wait3A_194 = tpu.memref_slice %arg16[%mul3A_189, %dma_wait3A] : memref<10000x128xf32, #tpu.memory_space<hbm>> -> memref<640x128xf32, #tpu.memory_space<hbm>>
          %dma_wait3A_195 = arith.constant 0 : i32
          %dma_wait3A_196 = tpu.memref_slice %arg21[%mul3A_187, %dma_wait3A_195] : memref<10240x128xf32, #tpu.memory_space<vmem_shared>> -> memref<640x128xf32, #tpu.memory_space<vmem_shared>>
          tpu.wait_dma2 semaphore(%run_scoped3A : memref<!tpu.dma_semaphore, #tpu.memory_space<semaphore_mem>>) src(%dma_wait3A_196 : memref<640x128xf32, #tpu.memory_space<vmem_shared>>) dst(%dma_wait3A_194 : memref<640x128xf32, #tpu.memory_space<hbm>>)
          tpu.yield
        }) : () -> ()
      } else {
      }
      %eq3A_181 = arith.constant 15 : i32
      %eq3A_182 = arith.cmpi eq, %arg1, %eq3A_181 : i32
      %convert_element_type3A_183 = arith.extui %eq3A_182 : i1 to i32
      %cond3A_184 = arith.constant 0 : i32
      %cond3A_185 = arith.cmpi ne, %convert_element_type3A_183, %cond3A_184 : i32
      scf.if %cond3A_185 {
        "tpu.region"() ({
          %run_scoped3A = tpu.sem_alloc : memref<!tpu.dma_semaphore, #tpu.memory_space<semaphore_mem>>
          %dma_start3A_186 = arith.constant 9600 : i32
          %dma_start3A_187 = arith.constant 0 : i32
          %dma_start3A_188 = tpu.memref_slice %arg16[%dma_start3A_186, %dma_start3A_187] : memref<10000x128xf32, #tpu.memory_space<hbm>> -> memref<400x128xf32, #tpu.memory_space<hbm>>
          %dma_start3A_189 = arith.constant 9600 : i32
          %dma_start3A_190 = arith.constant 0 : i32
          %dma_start3A_191 = tpu.memref_slice %arg21[%dma_start3A_189, %dma_start3A_190] : memref<10240x128xf32, #tpu.memory_space<vmem_shared>> -> memref<400x128xf32, #tpu.memory_space<vmem_shared>>
          tpu.enqueue_dma source(%dma_start3A_191 : memref<400x128xf32, #tpu.memory_space<vmem_shared>>) target(%dma_start3A_188 : memref<400x128xf32, #tpu.memory_space<hbm>>) target_semaphore(%run_scoped3A : memref<!tpu.dma_semaphore, #tpu.memory_space<semaphore_mem>>)
          %dma_wait3A = arith.constant 9600 : i32
          %dma_wait3A_192 = arith.constant 0 : i32
          %dma_wait3A_193 = tpu.memref_slice %arg16[%dma_wait3A, %dma_wait3A_192] : memref<10000x128xf32, #tpu.memory_space<hbm>> -> memref<400x128xf32, #tpu.memory_space<hbm>>
          %dma_wait3A_194 = arith.constant 9600 : i32
          %dma_wait3A_195 = arith.constant 0 : i32
          %dma_wait3A_196 = tpu.memref_slice %arg21[%dma_wait3A_194, %dma_wait3A_195] : memref<10240x128xf32, #tpu.memory_space<vmem_shared>> -> memref<400x128xf32, #tpu.memory_space<vmem_shared>>
          tpu.wait_dma2 semaphore(%run_scoped3A : memref<!tpu.dma_semaphore, #tpu.memory_space<semaphore_mem>>) src(%dma_wait3A_196 : memref<400x128xf32, #tpu.memory_space<vmem_shared>>) dst(%dma_wait3A_193 : memref<400x128xf32, #tpu.memory_space<hbm>>)
          tpu.yield
        }) : () -> ()
      } else {
      }
    } else {
    }
    %eq3A_171 = arith.constant 1 : i32
    %eq3A_172 = arith.cmpi eq, %arg0, %eq3A_171 : i32
    %convert_element_type3A_173 = arith.extui %eq3A_172 : i1 to i32
    %cond3A_174 = arith.constant 0 : i32
    %cond3A_175 = arith.cmpi ne, %convert_element_type3A_173, %cond3A_174 : i32
    scf.if %cond3A_175 {
      %lt3A = arith.constant 15 : i32
      %lt3A_177 = arith.cmpi slt, %arg1, %lt3A : i32
      %convert_element_type3A_178 = arith.extui %lt3A_177 : i1 to i32
      %cond3A_179 = arith.constant 0 : i32
      %cond3A_180 = arith.cmpi ne, %convert_element_type3A_178, %cond3A_179 : i32
      scf.if %cond3A_180 {
        %mul3A_186 = arith.constant 640 : i32
        %mul3A_187 = arith.muli %arg1, %mul3A_186 : i32
        %mul3A_188 = arith.constant 640 : i32
        %mul3A_189 = arith.muli %arg1, %mul3A_188 : i32
        "tpu.region"() ({
          %run_scoped3A = tpu.sem_alloc : memref<!tpu.dma_semaphore, #tpu.memory_space<semaphore_mem>>
          %dma_start3A_190 = arith.constant 0 : i32
          %dma_start3A_191 = tpu.memref_slice %arg17[%mul3A_189, %dma_start3A_190] : memref<10000x128xf32, #tpu.memory_space<hbm>> -> memref<640x128xf32, #tpu.memory_space<hbm>>
          %dma_start3A_192 = arith.constant 0 : i32
          %dma_start3A_193 = tpu.memref_slice %arg21[%mul3A_187, %dma_start3A_192] : memref<10240x128xf32, #tpu.memory_space<vmem_shared>> -> memref<640x128xf32, #tpu.memory_space<vmem_shared>>
          tpu.enqueue_dma source(%dma_start3A_193 : memref<640x128xf32, #tpu.memory_space<vmem_shared>>) target(%dma_start3A_191 : memref<640x128xf32, #tpu.memory_space<hbm>>) target_semaphore(%run_scoped3A : memref<!tpu.dma_semaphore, #tpu.memory_space<semaphore_mem>>)
          %dma_wait3A = arith.constant 0 : i32
          %dma_wait3A_194 = tpu.memref_slice %arg17[%mul3A_189, %dma_wait3A] : memref<10000x128xf32, #tpu.memory_space<hbm>> -> memref<640x128xf32, #tpu.memory_space<hbm>>
          %dma_wait3A_195 = arith.constant 0 : i32
          %dma_wait3A_196 = tpu.memref_slice %arg21[%mul3A_187, %dma_wait3A_195] : memref<10240x128xf32, #tpu.memory_space<vmem_shared>> -> memref<640x128xf32, #tpu.memory_space<vmem_shared>>
          tpu.wait_dma2 semaphore(%run_scoped3A : memref<!tpu.dma_semaphore, #tpu.memory_space<semaphore_mem>>) src(%dma_wait3A_196 : memref<640x128xf32, #tpu.memory_space<vmem_shared>>) dst(%dma_wait3A_194 : memref<640x128xf32, #tpu.memory_space<hbm>>)
          tpu.yield
        }) : () -> ()
      } else {
      }
      %eq3A_181 = arith.constant 15 : i32
      %eq3A_182 = arith.cmpi eq, %arg1, %eq3A_181 : i32
      %convert_element_type3A_183 = arith.extui %eq3A_182 : i1 to i32
      %cond3A_184 = arith.constant 0 : i32
      %cond3A_185 = arith.cmpi ne, %convert_element_type3A_183, %cond3A_184 : i32
      scf.if %cond3A_185 {
        "tpu.region"() ({
          %run_scoped3A = tpu.sem_alloc : memref<!tpu.dma_semaphore, #tpu.memory_space<semaphore_mem>>
          %dma_start3A_186 = arith.constant 9600 : i32
          %dma_start3A_187 = arith.constant 0 : i32
          %dma_start3A_188 = tpu.memref_slice %arg17[%dma_start3A_186, %dma_start3A_187] : memref<10000x128xf32, #tpu.memory_space<hbm>> -> memref<400x128xf32, #tpu.memory_space<hbm>>
          %dma_start3A_189 = arith.constant 9600 : i32
          %dma_start3A_190 = arith.constant 0 : i32
          %dma_start3A_191 = tpu.memref_slice %arg21[%dma_start3A_189, %dma_start3A_190] : memref<10240x128xf32, #tpu.memory_space<vmem_shared>> -> memref<400x128xf32, #tpu.memory_space<vmem_shared>>
          tpu.enqueue_dma source(%dma_start3A_191 : memref<400x128xf32, #tpu.memory_space<vmem_shared>>) target(%dma_start3A_188 : memref<400x128xf32, #tpu.memory_space<hbm>>) target_semaphore(%run_scoped3A : memref<!tpu.dma_semaphore, #tpu.memory_space<semaphore_mem>>)
          %dma_wait3A = arith.constant 9600 : i32
          %dma_wait3A_192 = arith.constant 0 : i32
          %dma_wait3A_193 = tpu.memref_slice %arg17[%dma_wait3A, %dma_wait3A_192] : memref<10000x128xf32, #tpu.memory_space<hbm>> -> memref<400x128xf32, #tpu.memory_space<hbm>>
          %dma_wait3A_194 = arith.constant 9600 : i32
          %dma_wait3A_195 = arith.constant 0 : i32
          %dma_wait3A_196 = tpu.memref_slice %arg21[%dma_wait3A_194, %dma_wait3A_195] : memref<10240x128xf32, #tpu.memory_space<vmem_shared>> -> memref<400x128xf32, #tpu.memory_space<vmem_shared>>
          tpu.wait_dma2 semaphore(%run_scoped3A : memref<!tpu.dma_semaphore, #tpu.memory_space<semaphore_mem>>) src(%dma_wait3A_196 : memref<400x128xf32, #tpu.memory_space<vmem_shared>>) dst(%dma_wait3A_193 : memref<400x128xf32, #tpu.memory_space<hbm>>)
          tpu.yield
        }) : () -> ()
      } else {
      }
    } else {
    }
    %barrier3A_176 = arith.constant 0 : index
    tpu.barrier barrier_id(%barrier3A_176)
    return
  }
}

#map = affine_map<(d0, d1) -> (0, 0)>
module attributes {stable_mosaic.version = 14 : i64} {
  func.func @k(%arg0: i32, %arg1: i32, %arg2: memref<10000x128xf32, #tpu.memory_space<hbm>>, %arg3: memref<10000x128xf32, #tpu.memory_space<hbm>>, %arg4: memref<1280x128xi32, #tpu.memory_space<hbm>>, %arg5: memref<1280x128xi32, #tpu.memory_space<hbm>>, %arg6: memref<640x128xf32, #tpu.memory_space<hbm>>, %arg7: memref<128x128xf32, #tpu.memory_space<hbm>>, %arg8: memref<10000x128xf32, #tpu.memory_space<hbm>>, %arg9: memref<10000x128xf32, #tpu.memory_space<hbm>>, %arg10: memref<10000x128xf32, #tpu.memory_space<hbm>>, %arg11: memref<10000x128xf32, #tpu.memory_space<hbm>>, %arg12: memref<10000x128xf32, #tpu.memory_space<hbm>>, %arg13: memref<10000x128xf32, #tpu.memory_space<hbm>>, %arg14: memref<40x128xi32, #tpu.memory_space<vmem>>, %arg15: memref<40x128xi32, #tpu.memory_space<vmem>>, %arg16: memref<2x128x128xf32, #tpu.memory_space<vmem>>, %arg17: memref<10240x128xf32, #tpu.memory_space<vmem_shared>>, %arg18: memref<!tpu.dma_semaphore, #tpu.memory_space<semaphore_mem>>, %arg19: memref<!tpu.dma_semaphore, #tpu.memory_space<semaphore_mem>>, %arg20: memref<!tpu.dma_semaphore, #tpu.memory_space<semaphore_mem>>, %arg21: memref<!tpu.dma_semaphore, #tpu.memory_space<semaphore_mem>>) attributes {dimension_semantics = [#tpu.dimension_semantics<core_parallel>, #tpu.dimension_semantics<subcore_parallel>], iteration_bounds = array<i64: 2, 16>, scalar_prefetch = 0 : i64, scratch_operands = 8 : i64, tpu.core_type = #tpu.core_type<sc_vector_subcore>, window_params = [{transform_indices = #map}, {transform_indices = #map}, {transform_indices = #map}, {transform_indices = #map}, {transform_indices = #map}, {transform_indices = #map}, {transform_indices = #map}, {transform_indices = #map}, {transform_indices = #map}, {transform_indices = #map}, {transform_indices = #map}, {transform_indices = #map}]} {
    %mul3A = arith.constant 16 : i32
    %mul3A_0 = arith.muli %arg0, %mul3A : i32
    %add3A = arith.addi %mul3A_0, %arg1 : i32
    %mul3A_1 = arith.constant 40 : i32
    %mul3A_2 = arith.muli %add3A, %mul3A_1 : i32
    "tpu.region"() ({
      %run_scoped3A_132 = tpu.sem_alloc : memref<!tpu.dma_semaphore, #tpu.memory_space<semaphore_mem>>
      %dma_start3A_133 = arith.constant 0 : i32
      %dma_start3A_134 = tpu.memref_slice %arg4[%mul3A_2, %dma_start3A_133] : memref<1280x128xi32, #tpu.memory_space<hbm>> -> memref<40x128xi32, #tpu.memory_space<hbm>>
      %dma_start3A_135 = arith.constant 0 : i32
      %dma_start3A_136 = tpu.memref_slice %arg4[%mul3A_2, %dma_start3A_135] : memref<1280x128xi32, #tpu.memory_space<hbm>> -> memref<40x128xi32, #tpu.memory_space<hbm>>
      tpu.enqueue_dma source(%dma_start3A_136 : memref<40x128xi32, #tpu.memory_space<hbm>>) target(%arg14 : memref<40x128xi32, #tpu.memory_space<vmem>>) target_semaphore(%run_scoped3A_132 : memref<!tpu.dma_semaphore, #tpu.memory_space<semaphore_mem>>)
      %dma_wait3A = arith.constant 0 : i32
      %dma_wait3A_137 = tpu.memref_slice %arg4[%mul3A_2, %dma_wait3A] : memref<1280x128xi32, #tpu.memory_space<hbm>> -> memref<40x128xi32, #tpu.memory_space<hbm>>
      %dma_wait3A_138 = arith.constant 0 : i32
      %dma_wait3A_139 = tpu.memref_slice %arg4[%mul3A_2, %dma_wait3A_138] : memref<1280x128xi32, #tpu.memory_space<hbm>> -> memref<40x128xi32, #tpu.memory_space<hbm>>
      tpu.wait_dma2 semaphore(%run_scoped3A_132 : memref<!tpu.dma_semaphore, #tpu.memory_space<semaphore_mem>>) src(%dma_wait3A_139 : memref<40x128xi32, #tpu.memory_space<hbm>>) dst(%arg14 : memref<40x128xi32, #tpu.memory_space<vmem>>)
      tpu.yield
    }) : () -> ()
    "tpu.region"() ({
      %run_scoped3A_132 = tpu.sem_alloc : memref<!tpu.dma_semaphore, #tpu.memory_space<semaphore_mem>>
      %dma_start3A_133 = arith.constant 0 : i32
      %dma_start3A_134 = tpu.memref_slice %arg5[%mul3A_2, %dma_start3A_133] : memref<1280x128xi32, #tpu.memory_space<hbm>> -> memref<40x128xi32, #tpu.memory_space<hbm>>
      %dma_start3A_135 = arith.constant 0 : i32
      %dma_start3A_136 = tpu.memref_slice %arg5[%mul3A_2, %dma_start3A_135] : memref<1280x128xi32, #tpu.memory_space<hbm>> -> memref<40x128xi32, #tpu.memory_space<hbm>>
      tpu.enqueue_dma source(%dma_start3A_136 : memref<40x128xi32, #tpu.memory_space<hbm>>) target(%arg15 : memref<40x128xi32, #tpu.memory_space<vmem>>) target_semaphore(%run_scoped3A_132 : memref<!tpu.dma_semaphore, #tpu.memory_space<semaphore_mem>>)
      %dma_wait3A = arith.constant 0 : i32
      %dma_wait3A_137 = tpu.memref_slice %arg5[%mul3A_2, %dma_wait3A] : memref<1280x128xi32, #tpu.memory_space<hbm>> -> memref<40x128xi32, #tpu.memory_space<hbm>>
      %dma_wait3A_138 = arith.constant 0 : i32
      %dma_wait3A_139 = tpu.memref_slice %arg5[%mul3A_2, %dma_wait3A_138] : memref<1280x128xi32, #tpu.memory_space<hbm>> -> memref<40x128xi32, #tpu.memory_space<hbm>>
      tpu.wait_dma2 semaphore(%run_scoped3A_132 : memref<!tpu.dma_semaphore, #tpu.memory_space<semaphore_mem>>) src(%dma_wait3A_139 : memref<40x128xi32, #tpu.memory_space<hbm>>) dst(%arg15 : memref<40x128xi32, #tpu.memory_space<vmem>>)
      tpu.yield
    }) : () -> ()
    %mul3A_3 = arith.constant 640 : i32
    %mul3A_4 = arith.muli %arg1, %mul3A_3 : i32
    "tpu.region"() ({
      %run_scoped3A_132 = tpu.sem_alloc : memref<!tpu.dma_semaphore, #tpu.memory_space<semaphore_mem>>
      %dma_start3A_133 = arith.constant 0 : i32
      %dma_start3A_134 = tpu.memref_slice %arg17[%mul3A_4, %dma_start3A_133] : memref<10240x128xf32, #tpu.memory_space<vmem_shared>> -> memref<640x128xf32, #tpu.memory_space<vmem_shared>>
      tpu.enqueue_dma source(%arg6 : memref<640x128xf32, #tpu.memory_space<hbm>>) target(%dma_start3A_134 : memref<640x128xf32, #tpu.memory_space<vmem_shared>>) target_semaphore(%run_scoped3A_132 : memref<!tpu.dma_semaphore, #tpu.memory_space<semaphore_mem>>)
      %dma_wait3A = arith.constant 0 : i32
      %dma_wait3A_135 = tpu.memref_slice %arg17[%mul3A_4, %dma_wait3A] : memref<10240x128xf32, #tpu.memory_space<vmem_shared>> -> memref<640x128xf32, #tpu.memory_space<vmem_shared>>
      tpu.wait_dma2 semaphore(%run_scoped3A_132 : memref<!tpu.dma_semaphore, #tpu.memory_space<semaphore_mem>>) src(%arg6 : memref<640x128xf32, #tpu.memory_space<hbm>>) dst(%dma_wait3A_135 : memref<640x128xf32, #tpu.memory_space<vmem_shared>>)
      tpu.yield
    }) : () -> ()
    %barrier3A = arith.constant 0 : index
    tpu.barrier barrier_id(%barrier3A)
    %dma_start3A = arith.constant 0 : i32
    %dma_start3A_5 = arith.constant 0 : i32
    %dma_start3A_6 = arith.constant 0 : i32
    %dma_start3A_7 = arith.constant 0 : i32
    %dma_start3A_8 = tpu.memref_slice %arg16[%dma_start3A_5, %dma_start3A_6, %dma_start3A_7] : memref<2x128x128xf32, #tpu.memory_space<vmem>> -> memref<1x128x128xf32, #tpu.memory_space<vmem>>
    %dma_start3A_9 = tpu.memref_squeeze %dma_start3A_8 : memref<1x128x128xf32, #tpu.memory_space<vmem>> -> memref<128x128xf32, #tpu.memory_space<vmem>>
    %dma_start3A_10 = arith.constant 0 : i32
    %dma_start3A_11 = tpu.memref_slice %arg14[%dma_start3A, %dma_start3A_10] : memref<40x128xi32, #tpu.memory_space<vmem>> -> memref<1x128xi32, #tpu.memory_space<vmem>>
    %dma_start3A_12 = tpu.memref_squeeze %dma_start3A_11 : memref<1x128xi32, #tpu.memory_space<vmem>> -> memref<128xi32, #tpu.memory_space<vmem>>
    %dma_start3A_13 = arith.constant 0 : i32
    %dma_start3A_14 = arith.constant 0 : i32
    %dma_start3A_15 = tpu.memref_slice %arg2[%dma_start3A_13, %dma_start3A_14] : memref<10000x128xf32, #tpu.memory_space<hbm>> -> memref<10000x128xf32, #tpu.memory_space<hbm>>
    tpu.enqueue_indirect_dma source(%dma_start3A_15 : memref<10000x128xf32, #tpu.memory_space<hbm>>) target(%dma_start3A_9 : memref<128x128xf32, #tpu.memory_space<vmem>>) offsets(%dma_start3A_12 : memref<128xi32, #tpu.memory_space<vmem>>) semaphore(%arg18 : memref<!tpu.dma_semaphore, #tpu.memory_space<semaphore_mem>>)
    %dma_start3A_16 = arith.constant 1 : i32
    %dma_start3A_17 = arith.constant 1 : i32
    %dma_start3A_18 = arith.constant 0 : i32
    %dma_start3A_19 = arith.constant 0 : i32
    %dma_start3A_20 = tpu.memref_slice %arg16[%dma_start3A_17, %dma_start3A_18, %dma_start3A_19] : memref<2x128x128xf32, #tpu.memory_space<vmem>> -> memref<1x128x128xf32, #tpu.memory_space<vmem>>
    %dma_start3A_21 = tpu.memref_squeeze %dma_start3A_20 : memref<1x128x128xf32, #tpu.memory_space<vmem>> -> memref<128x128xf32, #tpu.memory_space<vmem>>
    %dma_start3A_22 = arith.constant 0 : i32
    %dma_start3A_23 = tpu.memref_slice %arg14[%dma_start3A_16, %dma_start3A_22] : memref<40x128xi32, #tpu.memory_space<vmem>> -> memref<1x128xi32, #tpu.memory_space<vmem>>
    %dma_start3A_24 = tpu.memref_squeeze %dma_start3A_23 : memref<1x128xi32, #tpu.memory_space<vmem>> -> memref<128xi32, #tpu.memory_space<vmem>>
    %dma_start3A_25 = arith.constant 0 : i32
    %dma_start3A_26 = arith.constant 0 : i32
    %dma_start3A_27 = tpu.memref_slice %arg2[%dma_start3A_25, %dma_start3A_26] : memref<10000x128xf32, #tpu.memory_space<hbm>> -> memref<10000x128xf32, #tpu.memory_space<hbm>>
    tpu.enqueue_indirect_dma source(%dma_start3A_27 : memref<10000x128xf32, #tpu.memory_space<hbm>>) target(%dma_start3A_21 : memref<128x128xf32, #tpu.memory_space<vmem>>) offsets(%dma_start3A_24 : memref<128xi32, #tpu.memory_space<vmem>>) semaphore(%arg19 : memref<!tpu.dma_semaphore, #tpu.memory_space<semaphore_mem>>)
    %scan3A = arith.constant 0 : i32
    %scan3A_28 = arith.constant 0 : i32
    %scan3A_29 = arith.constant 20 : i32
    %scan3A_30 = arith.addi %scan3A_28, %scan3A_29 : i32
    %scan3A_31 = arith.constant 1 : i32
    scf.for %scan3A_132 = %scan3A_28 to %scan3A_30 step %scan3A_31  : i32 {
      %mul3A_133 = arith.constant 2 : i32
      %mul3A_134 = arith.muli %scan3A_132, %mul3A_133 : i32
      %add3A_135 = arith.constant 0 : i32
      %add3A_136 = arith.addi %mul3A_134, %add3A_135 : i32
      %dma_wait3A = arith.constant 0 : i32
      %dma_wait3A_137 = arith.constant 0 : i32
      %dma_wait3A_138 = arith.constant 0 : i32
      %dma_wait3A_139 = tpu.memref_slice %arg16[%dma_wait3A, %dma_wait3A_137, %dma_wait3A_138] : memref<2x128x128xf32, #tpu.memory_space<vmem>> -> memref<1x128x128xf32, #tpu.memory_space<vmem>>
      %dma_wait3A_140 = tpu.memref_squeeze %dma_wait3A_139 : memref<1x128x128xf32, #tpu.memory_space<vmem>> -> memref<128x128xf32, #tpu.memory_space<vmem>>
      %dma_wait3A_141 = arith.constant 0 : i32
      %dma_wait3A_142 = tpu.memref_slice %arg14[%add3A_136, %dma_wait3A_141] : memref<40x128xi32, #tpu.memory_space<vmem>> -> memref<1x128xi32, #tpu.memory_space<vmem>>
      %dma_wait3A_143 = tpu.memref_squeeze %dma_wait3A_142 : memref<1x128xi32, #tpu.memory_space<vmem>> -> memref<128xi32, #tpu.memory_space<vmem>>
      %dma_wait3A_144 = arith.constant 0 : i32
      %dma_wait3A_145 = arith.constant 0 : i32
      %dma_wait3A_146 = tpu.memref_slice %arg2[%dma_wait3A_144, %dma_wait3A_145] : memref<10000x128xf32, #tpu.memory_space<hbm>> -> memref<10000x128xf32, #tpu.memory_space<hbm>>
      tpu.wait_indirect_dma semaphore(%arg18 : memref<!tpu.dma_semaphore, #tpu.memory_space<semaphore_mem>>) src(%dma_wait3A_146 : memref<10000x128xf32, #tpu.memory_space<hbm>>) dst(%dma_wait3A_140 : memref<128x128xf32, #tpu.memory_space<vmem>>)
      %dma_start3A_147 = arith.constant 0 : i32
      %dma_start3A_148 = arith.constant 0 : i32
      %dma_start3A_149 = arith.constant 0 : i32
      %dma_start3A_150 = tpu.memref_slice %arg16[%dma_start3A_147, %dma_start3A_148, %dma_start3A_149] : memref<2x128x128xf32, #tpu.memory_space<vmem>> -> memref<1x128x128xf32, #tpu.memory_space<vmem>>
      %dma_start3A_151 = tpu.memref_squeeze %dma_start3A_150 : memref<1x128x128xf32, #tpu.memory_space<vmem>> -> memref<128x128xf32, #tpu.memory_space<vmem>>
      %dma_start3A_152 = arith.constant 0 : i32
      %dma_start3A_153 = tpu.memref_slice %arg15[%add3A_136, %dma_start3A_152] : memref<40x128xi32, #tpu.memory_space<vmem>> -> memref<1x128xi32, #tpu.memory_space<vmem>>
      %dma_start3A_154 = tpu.memref_squeeze %dma_start3A_153 : memref<1x128xi32, #tpu.memory_space<vmem>> -> memref<128xi32, #tpu.memory_space<vmem>>
      %dma_start3A_155 = arith.constant 0 : i32
      %dma_start3A_156 = arith.constant 0 : i32
      %dma_start3A_157 = tpu.memref_slice %arg17[%dma_start3A_155, %dma_start3A_156] : memref<10240x128xf32, #tpu.memory_space<vmem_shared>> -> memref<10240x128xf32, #tpu.memory_space<vmem_shared>>
      tpu.enqueue_indirect_dma source(%dma_start3A_151 : memref<128x128xf32, #tpu.memory_space<vmem>>) target(%dma_start3A_157 : memref<10240x128xf32, #tpu.memory_space<vmem_shared>>) offsets(%dma_start3A_154 : memref<128xi32, #tpu.memory_space<vmem>>) semaphore(%arg20 : memref<!tpu.dma_semaphore, #tpu.memory_space<semaphore_mem>>) {add = true}
      %dma_wait3A_158 = arith.constant 0 : i32
      %dma_wait3A_159 = arith.constant 0 : i32
      %dma_wait3A_160 = arith.constant 0 : i32
      %dma_wait3A_161 = tpu.memref_slice %arg16[%dma_wait3A_158, %dma_wait3A_159, %dma_wait3A_160] : memref<2x128x128xf32, #tpu.memory_space<vmem>> -> memref<1x128x128xf32, #tpu.memory_space<vmem>>
      %dma_wait3A_162 = tpu.memref_squeeze %dma_wait3A_161 : memref<1x128x128xf32, #tpu.memory_space<vmem>> -> memref<128x128xf32, #tpu.memory_space<vmem>>
      %dma_wait3A_163 = arith.constant 0 : i32
      %dma_wait3A_164 = tpu.memref_slice %arg15[%add3A_136, %dma_wait3A_163] : memref<40x128xi32, #tpu.memory_space<vmem>> -> memref<1x128xi32, #tpu.memory_space<vmem>>
      %dma_wait3A_165 = tpu.memref_squeeze %dma_wait3A_164 : memref<1x128xi32, #tpu.memory_space<vmem>> -> memref<128xi32, #tpu.memory_space<vmem>>
      %dma_wait3A_166 = arith.constant 0 : i32
      %dma_wait3A_167 = arith.constant 0 : i32
      %dma_wait3A_168 = tpu.memref_slice %arg17[%dma_wait3A_166, %dma_wait3A_167] : memref<10240x128xf32, #tpu.memory_space<vmem_shared>> -> memref<10240x128xf32, #tpu.memory_space<vmem_shared>>
      tpu.wait_indirect_dma semaphore(%arg20 : memref<!tpu.dma_semaphore, #tpu.memory_space<semaphore_mem>>) src(%dma_wait3A_162 : memref<128x128xf32, #tpu.memory_space<vmem>>) dst(%dma_wait3A_168 : memref<10240x128xf32, #tpu.memory_space<vmem_shared>>)
      %add3A_169 = arith.constant 2 : i32
      %add3A_170 = arith.addi %add3A_136, %add3A_169 : i32
      %lt3A = arith.constant 40 : i32
      %lt3A_171 = arith.cmpi slt, %add3A_170, %lt3A : i32
      %convert_element_type3A_172 = arith.extui %lt3A_171 : i1 to i32
      %cond3A_173 = arith.constant 0 : i32
      %cond3A_174 = arith.cmpi ne, %convert_element_type3A_172, %cond3A_173 : i32
      scf.if %cond3A_174 {
        %add3A_219 = arith.constant 2 : i32
        %add3A_220 = arith.addi %add3A_136, %add3A_219 : i32
        %dma_start3A_221 = arith.constant 0 : i32
        %dma_start3A_222 = arith.constant 0 : i32
        %dma_start3A_223 = arith.constant 0 : i32
        %dma_start3A_224 = tpu.memref_slice %arg16[%dma_start3A_221, %dma_start3A_222, %dma_start3A_223] : memref<2x128x128xf32, #tpu.memory_space<vmem>> -> memref<1x128x128xf32, #tpu.memory_space<vmem>>
        %dma_start3A_225 = tpu.memref_squeeze %dma_start3A_224 : memref<1x128x128xf32, #tpu.memory_space<vmem>> -> memref<128x128xf32, #tpu.memory_space<vmem>>
        %dma_start3A_226 = arith.constant 0 : i32
        %dma_start3A_227 = tpu.memref_slice %arg14[%add3A_220, %dma_start3A_226] : memref<40x128xi32, #tpu.memory_space<vmem>> -> memref<1x128xi32, #tpu.memory_space<vmem>>
        %dma_start3A_228 = tpu.memref_squeeze %dma_start3A_227 : memref<1x128xi32, #tpu.memory_space<vmem>> -> memref<128xi32, #tpu.memory_space<vmem>>
        %dma_start3A_229 = arith.constant 0 : i32
        %dma_start3A_230 = arith.constant 0 : i32
        %dma_start3A_231 = tpu.memref_slice %arg2[%dma_start3A_229, %dma_start3A_230] : memref<10000x128xf32, #tpu.memory_space<hbm>> -> memref<10000x128xf32, #tpu.memory_space<hbm>>
        tpu.enqueue_indirect_dma source(%dma_start3A_231 : memref<10000x128xf32, #tpu.memory_space<hbm>>) target(%dma_start3A_225 : memref<128x128xf32, #tpu.memory_space<vmem>>) offsets(%dma_start3A_228 : memref<128xi32, #tpu.memory_space<vmem>>) semaphore(%arg18 : memref<!tpu.dma_semaphore, #tpu.memory_space<semaphore_mem>>)
      } else {
      }
      %mul3A_175 = arith.constant 2 : i32
      %mul3A_176 = arith.muli %scan3A_132, %mul3A_175 : i32
      %add3A_177 = arith.constant 1 : i32
      %add3A_178 = arith.addi %mul3A_176, %add3A_177 : i32
      %dma_wait3A_179 = arith.constant 1 : i32
      %dma_wait3A_180 = arith.constant 0 : i32
      %dma_wait3A_181 = arith.constant 0 : i32
      %dma_wait3A_182 = tpu.memref_slice %arg16[%dma_wait3A_179, %dma_wait3A_180, %dma_wait3A_181] : memref<2x128x128xf32, #tpu.memory_space<vmem>> -> memref<1x128x128xf32, #tpu.memory_space<vmem>>
      %dma_wait3A_183 = tpu.memref_squeeze %dma_wait3A_182 : memref<1x128x128xf32, #tpu.memory_space<vmem>> -> memref<128x128xf32, #tpu.memory_space<vmem>>
      %dma_wait3A_184 = arith.constant 0 : i32
      %dma_wait3A_185 = tpu.memref_slice %arg14[%add3A_178, %dma_wait3A_184] : memref<40x128xi32, #tpu.memory_space<vmem>> -> memref<1x128xi32, #tpu.memory_space<vmem>>
      %dma_wait3A_186 = tpu.memref_squeeze %dma_wait3A_185 : memref<1x128xi32, #tpu.memory_space<vmem>> -> memref<128xi32, #tpu.memory_space<vmem>>
      %dma_wait3A_187 = arith.constant 0 : i32
      %dma_wait3A_188 = arith.constant 0 : i32
      %dma_wait3A_189 = tpu.memref_slice %arg2[%dma_wait3A_187, %dma_wait3A_188] : memref<10000x128xf32, #tpu.memory_space<hbm>> -> memref<10000x128xf32, #tpu.memory_space<hbm>>
      tpu.wait_indirect_dma semaphore(%arg19 : memref<!tpu.dma_semaphore, #tpu.memory_space<semaphore_mem>>) src(%dma_wait3A_189 : memref<10000x128xf32, #tpu.memory_space<hbm>>) dst(%dma_wait3A_183 : memref<128x128xf32, #tpu.memory_space<vmem>>)
      %dma_start3A_190 = arith.constant 1 : i32
      %dma_start3A_191 = arith.constant 0 : i32
      %dma_start3A_192 = arith.constant 0 : i32
      %dma_start3A_193 = tpu.memref_slice %arg16[%dma_start3A_190, %dma_start3A_191, %dma_start3A_192] : memref<2x128x128xf32, #tpu.memory_space<vmem>> -> memref<1x128x128xf32, #tpu.memory_space<vmem>>
      %dma_start3A_194 = tpu.memref_squeeze %dma_start3A_193 : memref<1x128x128xf32, #tpu.memory_space<vmem>> -> memref<128x128xf32, #tpu.memory_space<vmem>>
      %dma_start3A_195 = arith.constant 0 : i32
      %dma_start3A_196 = tpu.memref_slice %arg15[%add3A_178, %dma_start3A_195] : memref<40x128xi32, #tpu.memory_space<vmem>> -> memref<1x128xi32, #tpu.memory_space<vmem>>
      %dma_start3A_197 = tpu.memref_squeeze %dma_start3A_196 : memref<1x128xi32, #tpu.memory_space<vmem>> -> memref<128xi32, #tpu.memory_space<vmem>>
      %dma_start3A_198 = arith.constant 0 : i32
      %dma_start3A_199 = arith.constant 0 : i32
      %dma_start3A_200 = tpu.memref_slice %arg17[%dma_start3A_198, %dma_start3A_199] : memref<10240x128xf32, #tpu.memory_space<vmem_shared>> -> memref<10240x128xf32, #tpu.memory_space<vmem_shared>>
      tpu.enqueue_indirect_dma source(%dma_start3A_194 : memref<128x128xf32, #tpu.memory_space<vmem>>) target(%dma_start3A_200 : memref<10240x128xf32, #tpu.memory_space<vmem_shared>>) offsets(%dma_start3A_197 : memref<128xi32, #tpu.memory_space<vmem>>) semaphore(%arg21 : memref<!tpu.dma_semaphore, #tpu.memory_space<semaphore_mem>>) {add = true}
      %dma_wait3A_201 = arith.constant 1 : i32
      %dma_wait3A_202 = arith.constant 0 : i32
      %dma_wait3A_203 = arith.constant 0 : i32
      %dma_wait3A_204 = tpu.memref_slice %arg16[%dma_wait3A_201, %dma_wait3A_202, %dma_wait3A_203] : memref<2x128x128xf32, #tpu.memory_space<vmem>> -> memref<1x128x128xf32, #tpu.memory_space<vmem>>
      %dma_wait3A_205 = tpu.memref_squeeze %dma_wait3A_204 : memref<1x128x128xf32, #tpu.memory_space<vmem>> -> memref<128x128xf32, #tpu.memory_space<vmem>>
      %dma_wait3A_206 = arith.constant 0 : i32
      %dma_wait3A_207 = tpu.memref_slice %arg15[%add3A_178, %dma_wait3A_206] : memref<40x128xi32, #tpu.memory_space<vmem>> -> memref<1x128xi32, #tpu.memory_space<vmem>>
      %dma_wait3A_208 = tpu.memref_squeeze %dma_wait3A_207 : memref<1x128xi32, #tpu.memory_space<vmem>> -> memref<128xi32, #tpu.memory_space<vmem>>
      %dma_wait3A_209 = arith.constant 0 : i32
      %dma_wait3A_210 = arith.constant 0 : i32
      %dma_wait3A_211 = tpu.memref_slice %arg17[%dma_wait3A_209, %dma_wait3A_210] : memref<10240x128xf32, #tpu.memory_space<vmem_shared>> -> memref<10240x128xf32, #tpu.memory_space<vmem_shared>>
      tpu.wait_indirect_dma semaphore(%arg21 : memref<!tpu.dma_semaphore, #tpu.memory_space<semaphore_mem>>) src(%dma_wait3A_205 : memref<128x128xf32, #tpu.memory_space<vmem>>) dst(%dma_wait3A_211 : memref<10240x128xf32, #tpu.memory_space<vmem_shared>>)
      %add3A_212 = arith.constant 2 : i32
      %add3A_213 = arith.addi %add3A_178, %add3A_212 : i32
      %lt3A_214 = arith.constant 40 : i32
      %lt3A_215 = arith.cmpi slt, %add3A_213, %lt3A_214 : i32
      %convert_element_type3A_216 = arith.extui %lt3A_215 : i1 to i32
      %cond3A_217 = arith.constant 0 : i32
      %cond3A_218 = arith.cmpi ne, %convert_element_type3A_216, %cond3A_217 : i32
      scf.if %cond3A_218 {
        %add3A_219 = arith.constant 2 : i32
        %add3A_220 = arith.addi %add3A_178, %add3A_219 : i32
        %dma_start3A_221 = arith.constant 1 : i32
        %dma_start3A_222 = arith.constant 0 : i32
        %dma_start3A_223 = arith.constant 0 : i32
        %dma_start3A_224 = tpu.memref_slice %arg16[%dma_start3A_221, %dma_start3A_222, %dma_start3A_223] : memref<2x128x128xf32, #tpu.memory_space<vmem>> -> memref<1x128x128xf32, #tpu.memory_space<vmem>>
        %dma_start3A_225 = tpu.memref_squeeze %dma_start3A_224 : memref<1x128x128xf32, #tpu.memory_space<vmem>> -> memref<128x128xf32, #tpu.memory_space<vmem>>
        %dma_start3A_226 = arith.constant 0 : i32
        %dma_start3A_227 = tpu.memref_slice %arg14[%add3A_220, %dma_start3A_226] : memref<40x128xi32, #tpu.memory_space<vmem>> -> memref<1x128xi32, #tpu.memory_space<vmem>>
        %dma_start3A_228 = tpu.memref_squeeze %dma_start3A_227 : memref<1x128xi32, #tpu.memory_space<vmem>> -> memref<128xi32, #tpu.memory_space<vmem>>
        %dma_start3A_229 = arith.constant 0 : i32
        %dma_start3A_230 = arith.constant 0 : i32
        %dma_start3A_231 = tpu.memref_slice %arg2[%dma_start3A_229, %dma_start3A_230] : memref<10000x128xf32, #tpu.memory_space<hbm>> -> memref<10000x128xf32, #tpu.memory_space<hbm>>
        tpu.enqueue_indirect_dma source(%dma_start3A_231 : memref<10000x128xf32, #tpu.memory_space<hbm>>) target(%dma_start3A_225 : memref<128x128xf32, #tpu.memory_space<vmem>>) offsets(%dma_start3A_228 : memref<128xi32, #tpu.memory_space<vmem>>) semaphore(%arg19 : memref<!tpu.dma_semaphore, #tpu.memory_space<semaphore_mem>>)
      } else {
      }
    }
    %scan3A_32 = arith.constant 20 : i32
    %barrier3A_33 = arith.constant 0 : index
    tpu.barrier barrier_id(%barrier3A_33)
    %eq3A = arith.constant 0 : i32
    %eq3A_34 = arith.cmpi eq, %arg0, %eq3A : i32
    %convert_element_type3A = arith.extui %eq3A_34 : i1 to i32
    %cond3A = arith.constant 0 : i32
    %cond3A_35 = arith.cmpi ne, %convert_element_type3A, %cond3A : i32
    scf.if %cond3A_35 {
      %lt3A = arith.constant 15 : i32
      %lt3A_132 = arith.cmpi slt, %arg1, %lt3A : i32
      %convert_element_type3A_133 = arith.extui %lt3A_132 : i1 to i32
      %cond3A_134 = arith.constant 0 : i32
      %cond3A_135 = arith.cmpi ne, %convert_element_type3A_133, %cond3A_134 : i32
      scf.if %cond3A_135 {
        %mul3A_141 = arith.constant 640 : i32
        %mul3A_142 = arith.muli %arg1, %mul3A_141 : i32
        %mul3A_143 = arith.constant 640 : i32
        %mul3A_144 = arith.muli %arg1, %mul3A_143 : i32
        "tpu.region"() ({
          %run_scoped3A_145 = tpu.sem_alloc : memref<!tpu.dma_semaphore, #tpu.memory_space<semaphore_mem>>
          %dma_start3A_146 = arith.constant 0 : i32
          %dma_start3A_147 = tpu.memref_slice %arg8[%mul3A_144, %dma_start3A_146] : memref<10000x128xf32, #tpu.memory_space<hbm>> -> memref<640x128xf32, #tpu.memory_space<hbm>>
          %dma_start3A_148 = arith.constant 0 : i32
          %dma_start3A_149 = tpu.memref_slice %arg17[%mul3A_142, %dma_start3A_148] : memref<10240x128xf32, #tpu.memory_space<vmem_shared>> -> memref<640x128xf32, #tpu.memory_space<vmem_shared>>
          tpu.enqueue_dma source(%dma_start3A_149 : memref<640x128xf32, #tpu.memory_space<vmem_shared>>) target(%dma_start3A_147 : memref<640x128xf32, #tpu.memory_space<hbm>>) target_semaphore(%run_scoped3A_145 : memref<!tpu.dma_semaphore, #tpu.memory_space<semaphore_mem>>)
          %dma_wait3A = arith.constant 0 : i32
          %dma_wait3A_150 = tpu.memref_slice %arg8[%mul3A_144, %dma_wait3A] : memref<10000x128xf32, #tpu.memory_space<hbm>> -> memref<640x128xf32, #tpu.memory_space<hbm>>
          %dma_wait3A_151 = arith.constant 0 : i32
          %dma_wait3A_152 = tpu.memref_slice %arg17[%mul3A_142, %dma_wait3A_151] : memref<10240x128xf32, #tpu.memory_space<vmem_shared>> -> memref<640x128xf32, #tpu.memory_space<vmem_shared>>
          tpu.wait_dma2 semaphore(%run_scoped3A_145 : memref<!tpu.dma_semaphore, #tpu.memory_space<semaphore_mem>>) src(%dma_wait3A_152 : memref<640x128xf32, #tpu.memory_space<vmem_shared>>) dst(%dma_wait3A_150 : memref<640x128xf32, #tpu.memory_space<hbm>>)
          tpu.yield
        }) : () -> ()
      } else {
      }
      %eq3A_136 = arith.constant 15 : i32
      %eq3A_137 = arith.cmpi eq, %arg1, %eq3A_136 : i32
      %convert_element_type3A_138 = arith.extui %eq3A_137 : i1 to i32
      %cond3A_139 = arith.constant 0 : i32
      %cond3A_140 = arith.cmpi ne, %convert_element_type3A_138, %cond3A_139 : i32
      scf.if %cond3A_140 {
        "tpu.region"() ({
          %run_scoped3A_141 = tpu.sem_alloc : memref<!tpu.dma_semaphore, #tpu.memory_space<semaphore_mem>>
          %dma_start3A_142 = arith.constant 9600 : i32
          %dma_start3A_143 = arith.constant 0 : i32
          %dma_start3A_144 = tpu.memref_slice %arg8[%dma_start3A_142, %dma_start3A_143] : memref<10000x128xf32, #tpu.memory_space<hbm>> -> memref<400x128xf32, #tpu.memory_space<hbm>>
          %dma_start3A_145 = arith.constant 9600 : i32
          %dma_start3A_146 = arith.constant 0 : i32
          %dma_start3A_147 = tpu.memref_slice %arg17[%dma_start3A_145, %dma_start3A_146] : memref<10240x128xf32, #tpu.memory_space<vmem_shared>> -> memref<400x128xf32, #tpu.memory_space<vmem_shared>>
          tpu.enqueue_dma source(%dma_start3A_147 : memref<400x128xf32, #tpu.memory_space<vmem_shared>>) target(%dma_start3A_144 : memref<400x128xf32, #tpu.memory_space<hbm>>) target_semaphore(%run_scoped3A_141 : memref<!tpu.dma_semaphore, #tpu.memory_space<semaphore_mem>>)
          %dma_wait3A = arith.constant 9600 : i32
          %dma_wait3A_148 = arith.constant 0 : i32
          %dma_wait3A_149 = tpu.memref_slice %arg8[%dma_wait3A, %dma_wait3A_148] : memref<10000x128xf32, #tpu.memory_space<hbm>> -> memref<400x128xf32, #tpu.memory_space<hbm>>
          %dma_wait3A_150 = arith.constant 9600 : i32
          %dma_wait3A_151 = arith.constant 0 : i32
          %dma_wait3A_152 = tpu.memref_slice %arg17[%dma_wait3A_150, %dma_wait3A_151] : memref<10240x128xf32, #tpu.memory_space<vmem_shared>> -> memref<400x128xf32, #tpu.memory_space<vmem_shared>>
          tpu.wait_dma2 semaphore(%run_scoped3A_141 : memref<!tpu.dma_semaphore, #tpu.memory_space<semaphore_mem>>) src(%dma_wait3A_152 : memref<400x128xf32, #tpu.memory_space<vmem_shared>>) dst(%dma_wait3A_149 : memref<400x128xf32, #tpu.memory_space<hbm>>)
          tpu.yield
        }) : () -> ()
      } else {
      }
    } else {
    }
    %eq3A_36 = arith.constant 1 : i32
    %eq3A_37 = arith.cmpi eq, %arg0, %eq3A_36 : i32
    %convert_element_type3A_38 = arith.extui %eq3A_37 : i1 to i32
    %cond3A_39 = arith.constant 0 : i32
    %cond3A_40 = arith.cmpi ne, %convert_element_type3A_38, %cond3A_39 : i32
    scf.if %cond3A_40 {
      %lt3A = arith.constant 15 : i32
      %lt3A_132 = arith.cmpi slt, %arg1, %lt3A : i32
      %convert_element_type3A_133 = arith.extui %lt3A_132 : i1 to i32
      %cond3A_134 = arith.constant 0 : i32
      %cond3A_135 = arith.cmpi ne, %convert_element_type3A_133, %cond3A_134 : i32
      scf.if %cond3A_135 {
        %mul3A_141 = arith.constant 640 : i32
        %mul3A_142 = arith.muli %arg1, %mul3A_141 : i32
        %mul3A_143 = arith.constant 640 : i32
        %mul3A_144 = arith.muli %arg1, %mul3A_143 : i32
        "tpu.region"() ({
          %run_scoped3A_145 = tpu.sem_alloc : memref<!tpu.dma_semaphore, #tpu.memory_space<semaphore_mem>>
          %dma_start3A_146 = arith.constant 0 : i32
          %dma_start3A_147 = tpu.memref_slice %arg9[%mul3A_144, %dma_start3A_146] : memref<10000x128xf32, #tpu.memory_space<hbm>> -> memref<640x128xf32, #tpu.memory_space<hbm>>
          %dma_start3A_148 = arith.constant 0 : i32
          %dma_start3A_149 = tpu.memref_slice %arg17[%mul3A_142, %dma_start3A_148] : memref<10240x128xf32, #tpu.memory_space<vmem_shared>> -> memref<640x128xf32, #tpu.memory_space<vmem_shared>>
          tpu.enqueue_dma source(%dma_start3A_149 : memref<640x128xf32, #tpu.memory_space<vmem_shared>>) target(%dma_start3A_147 : memref<640x128xf32, #tpu.memory_space<hbm>>) target_semaphore(%run_scoped3A_145 : memref<!tpu.dma_semaphore, #tpu.memory_space<semaphore_mem>>)
          %dma_wait3A = arith.constant 0 : i32
          %dma_wait3A_150 = tpu.memref_slice %arg9[%mul3A_144, %dma_wait3A] : memref<10000x128xf32, #tpu.memory_space<hbm>> -> memref<640x128xf32, #tpu.memory_space<hbm>>
          %dma_wait3A_151 = arith.constant 0 : i32
          %dma_wait3A_152 = tpu.memref_slice %arg17[%mul3A_142, %dma_wait3A_151] : memref<10240x128xf32, #tpu.memory_space<vmem_shared>> -> memref<640x128xf32, #tpu.memory_space<vmem_shared>>
          tpu.wait_dma2 semaphore(%run_scoped3A_145 : memref<!tpu.dma_semaphore, #tpu.memory_space<semaphore_mem>>) src(%dma_wait3A_152 : memref<640x128xf32, #tpu.memory_space<vmem_shared>>) dst(%dma_wait3A_150 : memref<640x128xf32, #tpu.memory_space<hbm>>)
          tpu.yield
        }) : () -> ()
      } else {
      }
      %eq3A_136 = arith.constant 15 : i32
      %eq3A_137 = arith.cmpi eq, %arg1, %eq3A_136 : i32
      %convert_element_type3A_138 = arith.extui %eq3A_137 : i1 to i32
      %cond3A_139 = arith.constant 0 : i32
      %cond3A_140 = arith.cmpi ne, %convert_element_type3A_138, %cond3A_139 : i32
      scf.if %cond3A_140 {
        "tpu.region"() ({
          %run_scoped3A_141 = tpu.sem_alloc : memref<!tpu.dma_semaphore, #tpu.memory_space<semaphore_mem>>
          %dma_start3A_142 = arith.constant 9600 : i32
          %dma_start3A_143 = arith.constant 0 : i32
          %dma_start3A_144 = tpu.memref_slice %arg9[%dma_start3A_142, %dma_start3A_143] : memref<10000x128xf32, #tpu.memory_space<hbm>> -> memref<400x128xf32, #tpu.memory_space<hbm>>
          %dma_start3A_145 = arith.constant 9600 : i32
          %dma_start3A_146 = arith.constant 0 : i32
          %dma_start3A_147 = tpu.memref_slice %arg17[%dma_start3A_145, %dma_start3A_146] : memref<10240x128xf32, #tpu.memory_space<vmem_shared>> -> memref<400x128xf32, #tpu.memory_space<vmem_shared>>
          tpu.enqueue_dma source(%dma_start3A_147 : memref<400x128xf32, #tpu.memory_space<vmem_shared>>) target(%dma_start3A_144 : memref<400x128xf32, #tpu.memory_space<hbm>>) target_semaphore(%run_scoped3A_141 : memref<!tpu.dma_semaphore, #tpu.memory_space<semaphore_mem>>)
          %dma_wait3A = arith.constant 9600 : i32
          %dma_wait3A_148 = arith.constant 0 : i32
          %dma_wait3A_149 = tpu.memref_slice %arg9[%dma_wait3A, %dma_wait3A_148] : memref<10000x128xf32, #tpu.memory_space<hbm>> -> memref<400x128xf32, #tpu.memory_space<hbm>>
          %dma_wait3A_150 = arith.constant 9600 : i32
          %dma_wait3A_151 = arith.constant 0 : i32
          %dma_wait3A_152 = tpu.memref_slice %arg17[%dma_wait3A_150, %dma_wait3A_151] : memref<10240x128xf32, #tpu.memory_space<vmem_shared>> -> memref<400x128xf32, #tpu.memory_space<vmem_shared>>
          tpu.wait_dma2 semaphore(%run_scoped3A_141 : memref<!tpu.dma_semaphore, #tpu.memory_space<semaphore_mem>>) src(%dma_wait3A_152 : memref<400x128xf32, #tpu.memory_space<vmem_shared>>) dst(%dma_wait3A_149 : memref<400x128xf32, #tpu.memory_space<hbm>>)
          tpu.yield
        }) : () -> ()
      } else {
      }
    } else {
    }
    %barrier3A_41 = arith.constant 0 : index
    tpu.barrier barrier_id(%barrier3A_41)
    %mul3A_42 = arith.constant 640 : i32
    %mul3A_43 = arith.muli %arg1, %mul3A_42 : i32
    "tpu.region"() ({
      %run_scoped3A_132 = tpu.sem_alloc : memref<!tpu.dma_semaphore, #tpu.memory_space<semaphore_mem>>
      %dma_start3A_133 = arith.constant 0 : i32
      %dma_start3A_134 = tpu.memref_slice %arg17[%mul3A_43, %dma_start3A_133] : memref<10240x128xf32, #tpu.memory_space<vmem_shared>> -> memref<640x128xf32, #tpu.memory_space<vmem_shared>>
      tpu.enqueue_dma source(%arg6 : memref<640x128xf32, #tpu.memory_space<hbm>>) target(%dma_start3A_134 : memref<640x128xf32, #tpu.memory_space<vmem_shared>>) target_semaphore(%run_scoped3A_132 : memref<!tpu.dma_semaphore, #tpu.memory_space<semaphore_mem>>)
      %dma_wait3A = arith.constant 0 : i32
      %dma_wait3A_135 = tpu.memref_slice %arg17[%mul3A_43, %dma_wait3A] : memref<10240x128xf32, #tpu.memory_space<vmem_shared>> -> memref<640x128xf32, #tpu.memory_space<vmem_shared>>
      tpu.wait_dma2 semaphore(%run_scoped3A_132 : memref<!tpu.dma_semaphore, #tpu.memory_space<semaphore_mem>>) src(%arg6 : memref<640x128xf32, #tpu.memory_space<hbm>>) dst(%dma_wait3A_135 : memref<640x128xf32, #tpu.memory_space<vmem_shared>>)
      tpu.yield
    }) : () -> ()
    %barrier3A_44 = arith.constant 0 : index
    tpu.barrier barrier_id(%barrier3A_44)
    %dma_start3A_45 = arith.constant 0 : i32
    %dma_start3A_46 = arith.constant 0 : i32
    %dma_start3A_47 = arith.constant 0 : i32
    %dma_start3A_48 = arith.constant 0 : i32
    %dma_start3A_49 = tpu.memref_slice %arg16[%dma_start3A_46, %dma_start3A_47, %dma_start3A_48] : memref<2x128x128xf32, #tpu.memory_space<vmem>> -> memref<1x128x128xf32, #tpu.memory_space<vmem>>
    %dma_start3A_50 = tpu.memref_squeeze %dma_start3A_49 : memref<1x128x128xf32, #tpu.memory_space<vmem>> -> memref<128x128xf32, #tpu.memory_space<vmem>>
    %dma_start3A_51 = arith.constant 0 : i32
    %dma_start3A_52 = tpu.memref_slice %arg14[%dma_start3A_45, %dma_start3A_51] : memref<40x128xi32, #tpu.memory_space<vmem>> -> memref<1x128xi32, #tpu.memory_space<vmem>>
    %dma_start3A_53 = tpu.memref_squeeze %dma_start3A_52 : memref<1x128xi32, #tpu.memory_space<vmem>> -> memref<128xi32, #tpu.memory_space<vmem>>
    %dma_start3A_54 = arith.constant 0 : i32
    %dma_start3A_55 = arith.constant 0 : i32
    %dma_start3A_56 = tpu.memref_slice %arg3[%dma_start3A_54, %dma_start3A_55] : memref<10000x128xf32, #tpu.memory_space<hbm>> -> memref<10000x128xf32, #tpu.memory_space<hbm>>
    tpu.enqueue_indirect_dma source(%dma_start3A_56 : memref<10000x128xf32, #tpu.memory_space<hbm>>) target(%dma_start3A_50 : memref<128x128xf32, #tpu.memory_space<vmem>>) offsets(%dma_start3A_53 : memref<128xi32, #tpu.memory_space<vmem>>) semaphore(%arg18 : memref<!tpu.dma_semaphore, #tpu.memory_space<semaphore_mem>>)
    %dma_start3A_57 = arith.constant 1 : i32
    %dma_start3A_58 = arith.constant 1 : i32
    %dma_start3A_59 = arith.constant 0 : i32
    %dma_start3A_60 = arith.constant 0 : i32
    %dma_start3A_61 = tpu.memref_slice %arg16[%dma_start3A_58, %dma_start3A_59, %dma_start3A_60] : memref<2x128x128xf32, #tpu.memory_space<vmem>> -> memref<1x128x128xf32, #tpu.memory_space<vmem>>
    %dma_start3A_62 = tpu.memref_squeeze %dma_start3A_61 : memref<1x128x128xf32, #tpu.memory_space<vmem>> -> memref<128x128xf32, #tpu.memory_space<vmem>>
    %dma_start3A_63 = arith.constant 0 : i32
    %dma_start3A_64 = tpu.memref_slice %arg14[%dma_start3A_57, %dma_start3A_63] : memref<40x128xi32, #tpu.memory_space<vmem>> -> memref<1x128xi32, #tpu.memory_space<vmem>>
    %dma_start3A_65 = tpu.memref_squeeze %dma_start3A_64 : memref<1x128xi32, #tpu.memory_space<vmem>> -> memref<128xi32, #tpu.memory_space<vmem>>
    %dma_start3A_66 = arith.constant 0 : i32
    %dma_start3A_67 = arith.constant 0 : i32
    %dma_start3A_68 = tpu.memref_slice %arg3[%dma_start3A_66, %dma_start3A_67] : memref<10000x128xf32, #tpu.memory_space<hbm>> -> memref<10000x128xf32, #tpu.memory_space<hbm>>
    tpu.enqueue_indirect_dma source(%dma_start3A_68 : memref<10000x128xf32, #tpu.memory_space<hbm>>) target(%dma_start3A_62 : memref<128x128xf32, #tpu.memory_space<vmem>>) offsets(%dma_start3A_65 : memref<128xi32, #tpu.memory_space<vmem>>) semaphore(%arg19 : memref<!tpu.dma_semaphore, #tpu.memory_space<semaphore_mem>>)
    %scan3A_69 = arith.constant 0 : i32
    %scan3A_70 = arith.constant 0 : i32
    %scan3A_71 = arith.constant 20 : i32
    %scan3A_72 = arith.addi %scan3A_70, %scan3A_71 : i32
    %scan3A_73 = arith.constant 1 : i32
    scf.for %scan3A_132 = %scan3A_70 to %scan3A_72 step %scan3A_73  : i32 {
      %mul3A_133 = arith.constant 2 : i32
      %mul3A_134 = arith.muli %scan3A_132, %mul3A_133 : i32
      %add3A_135 = arith.constant 0 : i32
      %add3A_136 = arith.addi %mul3A_134, %add3A_135 : i32
      %dma_wait3A = arith.constant 0 : i32
      %dma_wait3A_137 = arith.constant 0 : i32
      %dma_wait3A_138 = arith.constant 0 : i32
      %dma_wait3A_139 = tpu.memref_slice %arg16[%dma_wait3A, %dma_wait3A_137, %dma_wait3A_138] : memref<2x128x128xf32, #tpu.memory_space<vmem>> -> memref<1x128x128xf32, #tpu.memory_space<vmem>>
      %dma_wait3A_140 = tpu.memref_squeeze %dma_wait3A_139 : memref<1x128x128xf32, #tpu.memory_space<vmem>> -> memref<128x128xf32, #tpu.memory_space<vmem>>
      %dma_wait3A_141 = arith.constant 0 : i32
      %dma_wait3A_142 = tpu.memref_slice %arg14[%add3A_136, %dma_wait3A_141] : memref<40x128xi32, #tpu.memory_space<vmem>> -> memref<1x128xi32, #tpu.memory_space<vmem>>
      %dma_wait3A_143 = tpu.memref_squeeze %dma_wait3A_142 : memref<1x128xi32, #tpu.memory_space<vmem>> -> memref<128xi32, #tpu.memory_space<vmem>>
      %dma_wait3A_144 = arith.constant 0 : i32
      %dma_wait3A_145 = arith.constant 0 : i32
      %dma_wait3A_146 = tpu.memref_slice %arg3[%dma_wait3A_144, %dma_wait3A_145] : memref<10000x128xf32, #tpu.memory_space<hbm>> -> memref<10000x128xf32, #tpu.memory_space<hbm>>
      tpu.wait_indirect_dma semaphore(%arg18 : memref<!tpu.dma_semaphore, #tpu.memory_space<semaphore_mem>>) src(%dma_wait3A_146 : memref<10000x128xf32, #tpu.memory_space<hbm>>) dst(%dma_wait3A_140 : memref<128x128xf32, #tpu.memory_space<vmem>>)
      %dma_start3A_147 = arith.constant 0 : i32
      %dma_start3A_148 = arith.constant 0 : i32
      %dma_start3A_149 = arith.constant 0 : i32
      %dma_start3A_150 = tpu.memref_slice %arg16[%dma_start3A_147, %dma_start3A_148, %dma_start3A_149] : memref<2x128x128xf32, #tpu.memory_space<vmem>> -> memref<1x128x128xf32, #tpu.memory_space<vmem>>
      %dma_start3A_151 = tpu.memref_squeeze %dma_start3A_150 : memref<1x128x128xf32, #tpu.memory_space<vmem>> -> memref<128x128xf32, #tpu.memory_space<vmem>>
      %dma_start3A_152 = arith.constant 0 : i32
      %dma_start3A_153 = tpu.memref_slice %arg15[%add3A_136, %dma_start3A_152] : memref<40x128xi32, #tpu.memory_space<vmem>> -> memref<1x128xi32, #tpu.memory_space<vmem>>
      %dma_start3A_154 = tpu.memref_squeeze %dma_start3A_153 : memref<1x128xi32, #tpu.memory_space<vmem>> -> memref<128xi32, #tpu.memory_space<vmem>>
      %dma_start3A_155 = arith.constant 0 : i32
      %dma_start3A_156 = arith.constant 0 : i32
      %dma_start3A_157 = tpu.memref_slice %arg17[%dma_start3A_155, %dma_start3A_156] : memref<10240x128xf32, #tpu.memory_space<vmem_shared>> -> memref<10240x128xf32, #tpu.memory_space<vmem_shared>>
      tpu.enqueue_indirect_dma source(%dma_start3A_151 : memref<128x128xf32, #tpu.memory_space<vmem>>) target(%dma_start3A_157 : memref<10240x128xf32, #tpu.memory_space<vmem_shared>>) offsets(%dma_start3A_154 : memref<128xi32, #tpu.memory_space<vmem>>) semaphore(%arg20 : memref<!tpu.dma_semaphore, #tpu.memory_space<semaphore_mem>>) {add = true}
      %dma_wait3A_158 = arith.constant 0 : i32
      %dma_wait3A_159 = arith.constant 0 : i32
      %dma_wait3A_160 = arith.constant 0 : i32
      %dma_wait3A_161 = tpu.memref_slice %arg16[%dma_wait3A_158, %dma_wait3A_159, %dma_wait3A_160] : memref<2x128x128xf32, #tpu.memory_space<vmem>> -> memref<1x128x128xf32, #tpu.memory_space<vmem>>
      %dma_wait3A_162 = tpu.memref_squeeze %dma_wait3A_161 : memref<1x128x128xf32, #tpu.memory_space<vmem>> -> memref<128x128xf32, #tpu.memory_space<vmem>>
      %dma_wait3A_163 = arith.constant 0 : i32
      %dma_wait3A_164 = tpu.memref_slice %arg15[%add3A_136, %dma_wait3A_163] : memref<40x128xi32, #tpu.memory_space<vmem>> -> memref<1x128xi32, #tpu.memory_space<vmem>>
      %dma_wait3A_165 = tpu.memref_squeeze %dma_wait3A_164 : memref<1x128xi32, #tpu.memory_space<vmem>> -> memref<128xi32, #tpu.memory_space<vmem>>
      %dma_wait3A_166 = arith.constant 0 : i32
      %dma_wait3A_167 = arith.constant 0 : i32
      %dma_wait3A_168 = tpu.memref_slice %arg17[%dma_wait3A_166, %dma_wait3A_167] : memref<10240x128xf32, #tpu.memory_space<vmem_shared>> -> memref<10240x128xf32, #tpu.memory_space<vmem_shared>>
      tpu.wait_indirect_dma semaphore(%arg20 : memref<!tpu.dma_semaphore, #tpu.memory_space<semaphore_mem>>) src(%dma_wait3A_162 : memref<128x128xf32, #tpu.memory_space<vmem>>) dst(%dma_wait3A_168 : memref<10240x128xf32, #tpu.memory_space<vmem_shared>>)
      %add3A_169 = arith.constant 2 : i32
      %add3A_170 = arith.addi %add3A_136, %add3A_169 : i32
      %lt3A = arith.constant 40 : i32
      %lt3A_171 = arith.cmpi slt, %add3A_170, %lt3A : i32
      %convert_element_type3A_172 = arith.extui %lt3A_171 : i1 to i32
      %cond3A_173 = arith.constant 0 : i32
      %cond3A_174 = arith.cmpi ne, %convert_element_type3A_172, %cond3A_173 : i32
      scf.if %cond3A_174 {
        %add3A_219 = arith.constant 2 : i32
        %add3A_220 = arith.addi %add3A_136, %add3A_219 : i32
        %dma_start3A_221 = arith.constant 0 : i32
        %dma_start3A_222 = arith.constant 0 : i32
        %dma_start3A_223 = arith.constant 0 : i32
        %dma_start3A_224 = tpu.memref_slice %arg16[%dma_start3A_221, %dma_start3A_222, %dma_start3A_223] : memref<2x128x128xf32, #tpu.memory_space<vmem>> -> memref<1x128x128xf32, #tpu.memory_space<vmem>>
        %dma_start3A_225 = tpu.memref_squeeze %dma_start3A_224 : memref<1x128x128xf32, #tpu.memory_space<vmem>> -> memref<128x128xf32, #tpu.memory_space<vmem>>
        %dma_start3A_226 = arith.constant 0 : i32
        %dma_start3A_227 = tpu.memref_slice %arg14[%add3A_220, %dma_start3A_226] : memref<40x128xi32, #tpu.memory_space<vmem>> -> memref<1x128xi32, #tpu.memory_space<vmem>>
        %dma_start3A_228 = tpu.memref_squeeze %dma_start3A_227 : memref<1x128xi32, #tpu.memory_space<vmem>> -> memref<128xi32, #tpu.memory_space<vmem>>
        %dma_start3A_229 = arith.constant 0 : i32
        %dma_start3A_230 = arith.constant 0 : i32
        %dma_start3A_231 = tpu.memref_slice %arg3[%dma_start3A_229, %dma_start3A_230] : memref<10000x128xf32, #tpu.memory_space<hbm>> -> memref<10000x128xf32, #tpu.memory_space<hbm>>
        tpu.enqueue_indirect_dma source(%dma_start3A_231 : memref<10000x128xf32, #tpu.memory_space<hbm>>) target(%dma_start3A_225 : memref<128x128xf32, #tpu.memory_space<vmem>>) offsets(%dma_start3A_228 : memref<128xi32, #tpu.memory_space<vmem>>) semaphore(%arg18 : memref<!tpu.dma_semaphore, #tpu.memory_space<semaphore_mem>>)
      } else {
      }
      %mul3A_175 = arith.constant 2 : i32
      %mul3A_176 = arith.muli %scan3A_132, %mul3A_175 : i32
      %add3A_177 = arith.constant 1 : i32
      %add3A_178 = arith.addi %mul3A_176, %add3A_177 : i32
      %dma_wait3A_179 = arith.constant 1 : i32
      %dma_wait3A_180 = arith.constant 0 : i32
      %dma_wait3A_181 = arith.constant 0 : i32
      %dma_wait3A_182 = tpu.memref_slice %arg16[%dma_wait3A_179, %dma_wait3A_180, %dma_wait3A_181] : memref<2x128x128xf32, #tpu.memory_space<vmem>> -> memref<1x128x128xf32, #tpu.memory_space<vmem>>
      %dma_wait3A_183 = tpu.memref_squeeze %dma_wait3A_182 : memref<1x128x128xf32, #tpu.memory_space<vmem>> -> memref<128x128xf32, #tpu.memory_space<vmem>>
      %dma_wait3A_184 = arith.constant 0 : i32
      %dma_wait3A_185 = tpu.memref_slice %arg14[%add3A_178, %dma_wait3A_184] : memref<40x128xi32, #tpu.memory_space<vmem>> -> memref<1x128xi32, #tpu.memory_space<vmem>>
      %dma_wait3A_186 = tpu.memref_squeeze %dma_wait3A_185 : memref<1x128xi32, #tpu.memory_space<vmem>> -> memref<128xi32, #tpu.memory_space<vmem>>
      %dma_wait3A_187 = arith.constant 0 : i32
      %dma_wait3A_188 = arith.constant 0 : i32
      %dma_wait3A_189 = tpu.memref_slice %arg3[%dma_wait3A_187, %dma_wait3A_188] : memref<10000x128xf32, #tpu.memory_space<hbm>> -> memref<10000x128xf32, #tpu.memory_space<hbm>>
      tpu.wait_indirect_dma semaphore(%arg19 : memref<!tpu.dma_semaphore, #tpu.memory_space<semaphore_mem>>) src(%dma_wait3A_189 : memref<10000x128xf32, #tpu.memory_space<hbm>>) dst(%dma_wait3A_183 : memref<128x128xf32, #tpu.memory_space<vmem>>)
      %dma_start3A_190 = arith.constant 1 : i32
      %dma_start3A_191 = arith.constant 0 : i32
      %dma_start3A_192 = arith.constant 0 : i32
      %dma_start3A_193 = tpu.memref_slice %arg16[%dma_start3A_190, %dma_start3A_191, %dma_start3A_192] : memref<2x128x128xf32, #tpu.memory_space<vmem>> -> memref<1x128x128xf32, #tpu.memory_space<vmem>>
      %dma_start3A_194 = tpu.memref_squeeze %dma_start3A_193 : memref<1x128x128xf32, #tpu.memory_space<vmem>> -> memref<128x128xf32, #tpu.memory_space<vmem>>
      %dma_start3A_195 = arith.constant 0 : i32
      %dma_start3A_196 = tpu.memref_slice %arg15[%add3A_178, %dma_start3A_195] : memref<40x128xi32, #tpu.memory_space<vmem>> -> memref<1x128xi32, #tpu.memory_space<vmem>>
      %dma_start3A_197 = tpu.memref_squeeze %dma_start3A_196 : memref<1x128xi32, #tpu.memory_space<vmem>> -> memref<128xi32, #tpu.memory_space<vmem>>
      %dma_start3A_198 = arith.constant 0 : i32
      %dma_start3A_199 = arith.constant 0 : i32
      %dma_start3A_200 = tpu.memref_slice %arg17[%dma_start3A_198, %dma_start3A_199] : memref<10240x128xf32, #tpu.memory_space<vmem_shared>> -> memref<10240x128xf32, #tpu.memory_space<vmem_shared>>
      tpu.enqueue_indirect_dma source(%dma_start3A_194 : memref<128x128xf32, #tpu.memory_space<vmem>>) target(%dma_start3A_200 : memref<10240x128xf32, #tpu.memory_space<vmem_shared>>) offsets(%dma_start3A_197 : memref<128xi32, #tpu.memory_space<vmem>>) semaphore(%arg21 : memref<!tpu.dma_semaphore, #tpu.memory_space<semaphore_mem>>) {add = true}
      %dma_wait3A_201 = arith.constant 1 : i32
      %dma_wait3A_202 = arith.constant 0 : i32
      %dma_wait3A_203 = arith.constant 0 : i32
      %dma_wait3A_204 = tpu.memref_slice %arg16[%dma_wait3A_201, %dma_wait3A_202, %dma_wait3A_203] : memref<2x128x128xf32, #tpu.memory_space<vmem>> -> memref<1x128x128xf32, #tpu.memory_space<vmem>>
      %dma_wait3A_205 = tpu.memref_squeeze %dma_wait3A_204 : memref<1x128x128xf32, #tpu.memory_space<vmem>> -> memref<128x128xf32, #tpu.memory_space<vmem>>
      %dma_wait3A_206 = arith.constant 0 : i32
      %dma_wait3A_207 = tpu.memref_slice %arg15[%add3A_178, %dma_wait3A_206] : memref<40x128xi32, #tpu.memory_space<vmem>> -> memref<1x128xi32, #tpu.memory_space<vmem>>
      %dma_wait3A_208 = tpu.memref_squeeze %dma_wait3A_207 : memref<1x128xi32, #tpu.memory_space<vmem>> -> memref<128xi32, #tpu.memory_space<vmem>>
      %dma_wait3A_209 = arith.constant 0 : i32
      %dma_wait3A_210 = arith.constant 0 : i32
      %dma_wait3A_211 = tpu.memref_slice %arg17[%dma_wait3A_209, %dma_wait3A_210] : memref<10240x128xf32, #tpu.memory_space<vmem_shared>> -> memref<10240x128xf32, #tpu.memory_space<vmem_shared>>
      tpu.wait_indirect_dma semaphore(%arg21 : memref<!tpu.dma_semaphore, #tpu.memory_space<semaphore_mem>>) src(%dma_wait3A_205 : memref<128x128xf32, #tpu.memory_space<vmem>>) dst(%dma_wait3A_211 : memref<10240x128xf32, #tpu.memory_space<vmem_shared>>)
      %add3A_212 = arith.constant 2 : i32
      %add3A_213 = arith.addi %add3A_178, %add3A_212 : i32
      %lt3A_214 = arith.constant 40 : i32
      %lt3A_215 = arith.cmpi slt, %add3A_213, %lt3A_214 : i32
      %convert_element_type3A_216 = arith.extui %lt3A_215 : i1 to i32
      %cond3A_217 = arith.constant 0 : i32
      %cond3A_218 = arith.cmpi ne, %convert_element_type3A_216, %cond3A_217 : i32
      scf.if %cond3A_218 {
        %add3A_219 = arith.constant 2 : i32
        %add3A_220 = arith.addi %add3A_178, %add3A_219 : i32
        %dma_start3A_221 = arith.constant 1 : i32
        %dma_start3A_222 = arith.constant 0 : i32
        %dma_start3A_223 = arith.constant 0 : i32
        %dma_start3A_224 = tpu.memref_slice %arg16[%dma_start3A_221, %dma_start3A_222, %dma_start3A_223] : memref<2x128x128xf32, #tpu.memory_space<vmem>> -> memref<1x128x128xf32, #tpu.memory_space<vmem>>
        %dma_start3A_225 = tpu.memref_squeeze %dma_start3A_224 : memref<1x128x128xf32, #tpu.memory_space<vmem>> -> memref<128x128xf32, #tpu.memory_space<vmem>>
        %dma_start3A_226 = arith.constant 0 : i32
        %dma_start3A_227 = tpu.memref_slice %arg14[%add3A_220, %dma_start3A_226] : memref<40x128xi32, #tpu.memory_space<vmem>> -> memref<1x128xi32, #tpu.memory_space<vmem>>
        %dma_start3A_228 = tpu.memref_squeeze %dma_start3A_227 : memref<1x128xi32, #tpu.memory_space<vmem>> -> memref<128xi32, #tpu.memory_space<vmem>>
        %dma_start3A_229 = arith.constant 0 : i32
        %dma_start3A_230 = arith.constant 0 : i32
        %dma_start3A_231 = tpu.memref_slice %arg3[%dma_start3A_229, %dma_start3A_230] : memref<10000x128xf32, #tpu.memory_space<hbm>> -> memref<10000x128xf32, #tpu.memory_space<hbm>>
        tpu.enqueue_indirect_dma source(%dma_start3A_231 : memref<10000x128xf32, #tpu.memory_space<hbm>>) target(%dma_start3A_225 : memref<128x128xf32, #tpu.memory_space<vmem>>) offsets(%dma_start3A_228 : memref<128xi32, #tpu.memory_space<vmem>>) semaphore(%arg19 : memref<!tpu.dma_semaphore, #tpu.memory_space<semaphore_mem>>)
      } else {
      }
    }
    %scan3A_74 = arith.constant 20 : i32
    %barrier3A_75 = arith.constant 0 : index
    tpu.barrier barrier_id(%barrier3A_75)
    %eq3A_76 = arith.constant 0 : i32
    %eq3A_77 = arith.cmpi eq, %arg0, %eq3A_76 : i32
    %convert_element_type3A_78 = arith.extui %eq3A_77 : i1 to i32
    %cond3A_79 = arith.constant 0 : i32
    %cond3A_80 = arith.cmpi ne, %convert_element_type3A_78, %cond3A_79 : i32
    scf.if %cond3A_80 {
      %lt3A = arith.constant 15 : i32
      %lt3A_132 = arith.cmpi slt, %arg1, %lt3A : i32
      %convert_element_type3A_133 = arith.extui %lt3A_132 : i1 to i32
      %cond3A_134 = arith.constant 0 : i32
      %cond3A_135 = arith.cmpi ne, %convert_element_type3A_133, %cond3A_134 : i32
      scf.if %cond3A_135 {
        %mul3A_141 = arith.constant 640 : i32
        %mul3A_142 = arith.muli %arg1, %mul3A_141 : i32
        %mul3A_143 = arith.constant 640 : i32
        %mul3A_144 = arith.muli %arg1, %mul3A_143 : i32
        "tpu.region"() ({
          %run_scoped3A_145 = tpu.sem_alloc : memref<!tpu.dma_semaphore, #tpu.memory_space<semaphore_mem>>
          %dma_start3A_146 = arith.constant 0 : i32
          %dma_start3A_147 = tpu.memref_slice %arg10[%mul3A_144, %dma_start3A_146] : memref<10000x128xf32, #tpu.memory_space<hbm>> -> memref<640x128xf32, #tpu.memory_space<hbm>>
          %dma_start3A_148 = arith.constant 0 : i32
          %dma_start3A_149 = tpu.memref_slice %arg17[%mul3A_142, %dma_start3A_148] : memref<10240x128xf32, #tpu.memory_space<vmem_shared>> -> memref<640x128xf32, #tpu.memory_space<vmem_shared>>
          tpu.enqueue_dma source(%dma_start3A_149 : memref<640x128xf32, #tpu.memory_space<vmem_shared>>) target(%dma_start3A_147 : memref<640x128xf32, #tpu.memory_space<hbm>>) target_semaphore(%run_scoped3A_145 : memref<!tpu.dma_semaphore, #tpu.memory_space<semaphore_mem>>)
          %dma_wait3A = arith.constant 0 : i32
          %dma_wait3A_150 = tpu.memref_slice %arg10[%mul3A_144, %dma_wait3A] : memref<10000x128xf32, #tpu.memory_space<hbm>> -> memref<640x128xf32, #tpu.memory_space<hbm>>
          %dma_wait3A_151 = arith.constant 0 : i32
          %dma_wait3A_152 = tpu.memref_slice %arg17[%mul3A_142, %dma_wait3A_151] : memref<10240x128xf32, #tpu.memory_space<vmem_shared>> -> memref<640x128xf32, #tpu.memory_space<vmem_shared>>
          tpu.wait_dma2 semaphore(%run_scoped3A_145 : memref<!tpu.dma_semaphore, #tpu.memory_space<semaphore_mem>>) src(%dma_wait3A_152 : memref<640x128xf32, #tpu.memory_space<vmem_shared>>) dst(%dma_wait3A_150 : memref<640x128xf32, #tpu.memory_space<hbm>>)
          tpu.yield
        }) : () -> ()
      } else {
      }
      %eq3A_136 = arith.constant 15 : i32
      %eq3A_137 = arith.cmpi eq, %arg1, %eq3A_136 : i32
      %convert_element_type3A_138 = arith.extui %eq3A_137 : i1 to i32
      %cond3A_139 = arith.constant 0 : i32
      %cond3A_140 = arith.cmpi ne, %convert_element_type3A_138, %cond3A_139 : i32
      scf.if %cond3A_140 {
        "tpu.region"() ({
          %run_scoped3A_141 = tpu.sem_alloc : memref<!tpu.dma_semaphore, #tpu.memory_space<semaphore_mem>>
          %dma_start3A_142 = arith.constant 9600 : i32
          %dma_start3A_143 = arith.constant 0 : i32
          %dma_start3A_144 = tpu.memref_slice %arg10[%dma_start3A_142, %dma_start3A_143] : memref<10000x128xf32, #tpu.memory_space<hbm>> -> memref<400x128xf32, #tpu.memory_space<hbm>>
          %dma_start3A_145 = arith.constant 9600 : i32
          %dma_start3A_146 = arith.constant 0 : i32
          %dma_start3A_147 = tpu.memref_slice %arg17[%dma_start3A_145, %dma_start3A_146] : memref<10240x128xf32, #tpu.memory_space<vmem_shared>> -> memref<400x128xf32, #tpu.memory_space<vmem_shared>>
          tpu.enqueue_dma source(%dma_start3A_147 : memref<400x128xf32, #tpu.memory_space<vmem_shared>>) target(%dma_start3A_144 : memref<400x128xf32, #tpu.memory_space<hbm>>) target_semaphore(%run_scoped3A_141 : memref<!tpu.dma_semaphore, #tpu.memory_space<semaphore_mem>>)
          %dma_wait3A = arith.constant 9600 : i32
          %dma_wait3A_148 = arith.constant 0 : i32
          %dma_wait3A_149 = tpu.memref_slice %arg10[%dma_wait3A, %dma_wait3A_148] : memref<10000x128xf32, #tpu.memory_space<hbm>> -> memref<400x128xf32, #tpu.memory_space<hbm>>
          %dma_wait3A_150 = arith.constant 9600 : i32
          %dma_wait3A_151 = arith.constant 0 : i32
          %dma_wait3A_152 = tpu.memref_slice %arg17[%dma_wait3A_150, %dma_wait3A_151] : memref<10240x128xf32, #tpu.memory_space<vmem_shared>> -> memref<400x128xf32, #tpu.memory_space<vmem_shared>>
          tpu.wait_dma2 semaphore(%run_scoped3A_141 : memref<!tpu.dma_semaphore, #tpu.memory_space<semaphore_mem>>) src(%dma_wait3A_152 : memref<400x128xf32, #tpu.memory_space<vmem_shared>>) dst(%dma_wait3A_149 : memref<400x128xf32, #tpu.memory_space<hbm>>)
          tpu.yield
        }) : () -> ()
      } else {
      }
    } else {
    }
    %eq3A_81 = arith.constant 1 : i32
    %eq3A_82 = arith.cmpi eq, %arg0, %eq3A_81 : i32
    %convert_element_type3A_83 = arith.extui %eq3A_82 : i1 to i32
    %cond3A_84 = arith.constant 0 : i32
    %cond3A_85 = arith.cmpi ne, %convert_element_type3A_83, %cond3A_84 : i32
    scf.if %cond3A_85 {
      %lt3A = arith.constant 15 : i32
      %lt3A_132 = arith.cmpi slt, %arg1, %lt3A : i32
      %convert_element_type3A_133 = arith.extui %lt3A_132 : i1 to i32
      %cond3A_134 = arith.constant 0 : i32
      %cond3A_135 = arith.cmpi ne, %convert_element_type3A_133, %cond3A_134 : i32
      scf.if %cond3A_135 {
        %mul3A_141 = arith.constant 640 : i32
        %mul3A_142 = arith.muli %arg1, %mul3A_141 : i32
        %mul3A_143 = arith.constant 640 : i32
        %mul3A_144 = arith.muli %arg1, %mul3A_143 : i32
        "tpu.region"() ({
          %run_scoped3A_145 = tpu.sem_alloc : memref<!tpu.dma_semaphore, #tpu.memory_space<semaphore_mem>>
          %dma_start3A_146 = arith.constant 0 : i32
          %dma_start3A_147 = tpu.memref_slice %arg11[%mul3A_144, %dma_start3A_146] : memref<10000x128xf32, #tpu.memory_space<hbm>> -> memref<640x128xf32, #tpu.memory_space<hbm>>
          %dma_start3A_148 = arith.constant 0 : i32
          %dma_start3A_149 = tpu.memref_slice %arg17[%mul3A_142, %dma_start3A_148] : memref<10240x128xf32, #tpu.memory_space<vmem_shared>> -> memref<640x128xf32, #tpu.memory_space<vmem_shared>>
          tpu.enqueue_dma source(%dma_start3A_149 : memref<640x128xf32, #tpu.memory_space<vmem_shared>>) target(%dma_start3A_147 : memref<640x128xf32, #tpu.memory_space<hbm>>) target_semaphore(%run_scoped3A_145 : memref<!tpu.dma_semaphore, #tpu.memory_space<semaphore_mem>>)
          %dma_wait3A = arith.constant 0 : i32
          %dma_wait3A_150 = tpu.memref_slice %arg11[%mul3A_144, %dma_wait3A] : memref<10000x128xf32, #tpu.memory_space<hbm>> -> memref<640x128xf32, #tpu.memory_space<hbm>>
          %dma_wait3A_151 = arith.constant 0 : i32
          %dma_wait3A_152 = tpu.memref_slice %arg17[%mul3A_142, %dma_wait3A_151] : memref<10240x128xf32, #tpu.memory_space<vmem_shared>> -> memref<640x128xf32, #tpu.memory_space<vmem_shared>>
          tpu.wait_dma2 semaphore(%run_scoped3A_145 : memref<!tpu.dma_semaphore, #tpu.memory_space<semaphore_mem>>) src(%dma_wait3A_152 : memref<640x128xf32, #tpu.memory_space<vmem_shared>>) dst(%dma_wait3A_150 : memref<640x128xf32, #tpu.memory_space<hbm>>)
          tpu.yield
        }) : () -> ()
      } else {
      }
      %eq3A_136 = arith.constant 15 : i32
      %eq3A_137 = arith.cmpi eq, %arg1, %eq3A_136 : i32
      %convert_element_type3A_138 = arith.extui %eq3A_137 : i1 to i32
      %cond3A_139 = arith.constant 0 : i32
      %cond3A_140 = arith.cmpi ne, %convert_element_type3A_138, %cond3A_139 : i32
      scf.if %cond3A_140 {
        "tpu.region"() ({
          %run_scoped3A_141 = tpu.sem_alloc : memref<!tpu.dma_semaphore, #tpu.memory_space<semaphore_mem>>
          %dma_start3A_142 = arith.constant 9600 : i32
          %dma_start3A_143 = arith.constant 0 : i32
          %dma_start3A_144 = tpu.memref_slice %arg11[%dma_start3A_142, %dma_start3A_143] : memref<10000x128xf32, #tpu.memory_space<hbm>> -> memref<400x128xf32, #tpu.memory_space<hbm>>
          %dma_start3A_145 = arith.constant 9600 : i32
          %dma_start3A_146 = arith.constant 0 : i32
          %dma_start3A_147 = tpu.memref_slice %arg17[%dma_start3A_145, %dma_start3A_146] : memref<10240x128xf32, #tpu.memory_space<vmem_shared>> -> memref<400x128xf32, #tpu.memory_space<vmem_shared>>
          tpu.enqueue_dma source(%dma_start3A_147 : memref<400x128xf32, #tpu.memory_space<vmem_shared>>) target(%dma_start3A_144 : memref<400x128xf32, #tpu.memory_space<hbm>>) target_semaphore(%run_scoped3A_141 : memref<!tpu.dma_semaphore, #tpu.memory_space<semaphore_mem>>)
          %dma_wait3A = arith.constant 9600 : i32
          %dma_wait3A_148 = arith.constant 0 : i32
          %dma_wait3A_149 = tpu.memref_slice %arg11[%dma_wait3A, %dma_wait3A_148] : memref<10000x128xf32, #tpu.memory_space<hbm>> -> memref<400x128xf32, #tpu.memory_space<hbm>>
          %dma_wait3A_150 = arith.constant 9600 : i32
          %dma_wait3A_151 = arith.constant 0 : i32
          %dma_wait3A_152 = tpu.memref_slice %arg17[%dma_wait3A_150, %dma_wait3A_151] : memref<10240x128xf32, #tpu.memory_space<vmem_shared>> -> memref<400x128xf32, #tpu.memory_space<vmem_shared>>
          tpu.wait_dma2 semaphore(%run_scoped3A_141 : memref<!tpu.dma_semaphore, #tpu.memory_space<semaphore_mem>>) src(%dma_wait3A_152 : memref<400x128xf32, #tpu.memory_space<vmem_shared>>) dst(%dma_wait3A_149 : memref<400x128xf32, #tpu.memory_space<hbm>>)
          tpu.yield
        }) : () -> ()
      } else {
      }
    } else {
    }
    %barrier3A_86 = arith.constant 0 : index
    tpu.barrier barrier_id(%barrier3A_86)
    %mul3A_87 = arith.constant 640 : i32
    %mul3A_88 = arith.muli %arg1, %mul3A_87 : i32
    "tpu.region"() ({
      %run_scoped3A_132 = tpu.sem_alloc : memref<!tpu.dma_semaphore, #tpu.memory_space<semaphore_mem>>
      %dma_start3A_133 = arith.constant 0 : i32
      %dma_start3A_134 = tpu.memref_slice %arg17[%mul3A_88, %dma_start3A_133] : memref<10240x128xf32, #tpu.memory_space<vmem_shared>> -> memref<640x128xf32, #tpu.memory_space<vmem_shared>>
      tpu.enqueue_dma source(%arg6 : memref<640x128xf32, #tpu.memory_space<hbm>>) target(%dma_start3A_134 : memref<640x128xf32, #tpu.memory_space<vmem_shared>>) target_semaphore(%run_scoped3A_132 : memref<!tpu.dma_semaphore, #tpu.memory_space<semaphore_mem>>)
      %dma_wait3A = arith.constant 0 : i32
      %dma_wait3A_135 = tpu.memref_slice %arg17[%mul3A_88, %dma_wait3A] : memref<10240x128xf32, #tpu.memory_space<vmem_shared>> -> memref<640x128xf32, #tpu.memory_space<vmem_shared>>
      tpu.wait_dma2 semaphore(%run_scoped3A_132 : memref<!tpu.dma_semaphore, #tpu.memory_space<semaphore_mem>>) src(%arg6 : memref<640x128xf32, #tpu.memory_space<hbm>>) dst(%dma_wait3A_135 : memref<640x128xf32, #tpu.memory_space<vmem_shared>>)
      tpu.yield
    }) : () -> ()
    %run_scoped3A = arith.constant 0 : i32
    "tpu.region"() ({
      %run_scoped3A_132 = tpu.sem_alloc : memref<!tpu.dma_semaphore, #tpu.memory_space<semaphore_mem>>
      %dma_start3A_133 = arith.constant 0 : i32
      %dma_start3A_134 = arith.constant 0 : i32
      %dma_start3A_135 = tpu.memref_slice %arg16[%run_scoped3A, %dma_start3A_133, %dma_start3A_134] : memref<2x128x128xf32, #tpu.memory_space<vmem>> -> memref<1x128x128xf32, #tpu.memory_space<vmem>>
      %dma_start3A_136 = tpu.memref_squeeze %dma_start3A_135 : memref<1x128x128xf32, #tpu.memory_space<vmem>> -> memref<128x128xf32, #tpu.memory_space<vmem>>
      %dma_start3A_137 = arith.constant 0 : i32
      %dma_start3A_138 = arith.constant 0 : i32
      %dma_start3A_139 = tpu.memref_slice %arg16[%run_scoped3A, %dma_start3A_137, %dma_start3A_138] : memref<2x128x128xf32, #tpu.memory_space<vmem>> -> memref<1x128x128xf32, #tpu.memory_space<vmem>>
      %dma_start3A_140 = tpu.memref_squeeze %dma_start3A_139 : memref<1x128x128xf32, #tpu.memory_space<vmem>> -> memref<128x128xf32, #tpu.memory_space<vmem>>
      tpu.enqueue_dma source(%arg7 : memref<128x128xf32, #tpu.memory_space<hbm>>) target(%dma_start3A_140 : memref<128x128xf32, #tpu.memory_space<vmem>>) target_semaphore(%run_scoped3A_132 : memref<!tpu.dma_semaphore, #tpu.memory_space<semaphore_mem>>)
      %dma_wait3A = arith.constant 0 : i32
      %dma_wait3A_141 = arith.constant 0 : i32
      %dma_wait3A_142 = tpu.memref_slice %arg16[%run_scoped3A, %dma_wait3A, %dma_wait3A_141] : memref<2x128x128xf32, #tpu.memory_space<vmem>> -> memref<1x128x128xf32, #tpu.memory_space<vmem>>
      %dma_wait3A_143 = tpu.memref_squeeze %dma_wait3A_142 : memref<1x128x128xf32, #tpu.memory_space<vmem>> -> memref<128x128xf32, #tpu.memory_space<vmem>>
      %dma_wait3A_144 = arith.constant 0 : i32
      %dma_wait3A_145 = arith.constant 0 : i32
      %dma_wait3A_146 = tpu.memref_slice %arg16[%run_scoped3A, %dma_wait3A_144, %dma_wait3A_145] : memref<2x128x128xf32, #tpu.memory_space<vmem>> -> memref<1x128x128xf32, #tpu.memory_space<vmem>>
      %dma_wait3A_147 = tpu.memref_squeeze %dma_wait3A_146 : memref<1x128x128xf32, #tpu.memory_space<vmem>> -> memref<128x128xf32, #tpu.memory_space<vmem>>
      tpu.wait_dma2 semaphore(%run_scoped3A_132 : memref<!tpu.dma_semaphore, #tpu.memory_space<semaphore_mem>>) src(%arg7 : memref<128x128xf32, #tpu.memory_space<hbm>>) dst(%dma_wait3A_147 : memref<128x128xf32, #tpu.memory_space<vmem>>)
      tpu.yield
    }) : () -> ()
    %barrier3A_89 = arith.constant 0 : index
    tpu.barrier barrier_id(%barrier3A_89)
    %dma_start3A_90 = arith.constant 0 : i32
    %dma_start3A_91 = arith.constant 0 : i32
    %dma_start3A_92 = arith.constant 0 : i32
    %dma_start3A_93 = arith.constant 0 : i32
    %dma_start3A_94 = tpu.memref_slice %arg16[%dma_start3A_90, %dma_start3A_92, %dma_start3A_93] : memref<2x128x128xf32, #tpu.memory_space<vmem>> -> memref<1x128x128xf32, #tpu.memory_space<vmem>>
    %dma_start3A_95 = tpu.memref_squeeze %dma_start3A_94 : memref<1x128x128xf32, #tpu.memory_space<vmem>> -> memref<128x128xf32, #tpu.memory_space<vmem>>
    %dma_start3A_96 = arith.constant 0 : i32
    %dma_start3A_97 = tpu.memref_slice %arg15[%dma_start3A_91, %dma_start3A_96] : memref<40x128xi32, #tpu.memory_space<vmem>> -> memref<1x128xi32, #tpu.memory_space<vmem>>
    %dma_start3A_98 = tpu.memref_squeeze %dma_start3A_97 : memref<1x128xi32, #tpu.memory_space<vmem>> -> memref<128xi32, #tpu.memory_space<vmem>>
    %dma_start3A_99 = arith.constant 0 : i32
    %dma_start3A_100 = arith.constant 0 : i32
    %dma_start3A_101 = tpu.memref_slice %arg17[%dma_start3A_99, %dma_start3A_100] : memref<10240x128xf32, #tpu.memory_space<vmem_shared>> -> memref<10240x128xf32, #tpu.memory_space<vmem_shared>>
    tpu.enqueue_indirect_dma source(%dma_start3A_95 : memref<128x128xf32, #tpu.memory_space<vmem>>) target(%dma_start3A_101 : memref<10240x128xf32, #tpu.memory_space<vmem_shared>>) offsets(%dma_start3A_98 : memref<128xi32, #tpu.memory_space<vmem>>) semaphore(%arg20 : memref<!tpu.dma_semaphore, #tpu.memory_space<semaphore_mem>>) {add = true}
    %dma_start3A_102 = arith.constant 0 : i32
    %dma_start3A_103 = arith.constant 1 : i32
    %dma_start3A_104 = arith.constant 0 : i32
    %dma_start3A_105 = arith.constant 0 : i32
    %dma_start3A_106 = tpu.memref_slice %arg16[%dma_start3A_102, %dma_start3A_104, %dma_start3A_105] : memref<2x128x128xf32, #tpu.memory_space<vmem>> -> memref<1x128x128xf32, #tpu.memory_space<vmem>>
    %dma_start3A_107 = tpu.memref_squeeze %dma_start3A_106 : memref<1x128x128xf32, #tpu.memory_space<vmem>> -> memref<128x128xf32, #tpu.memory_space<vmem>>
    %dma_start3A_108 = arith.constant 0 : i32
    %dma_start3A_109 = tpu.memref_slice %arg15[%dma_start3A_103, %dma_start3A_108] : memref<40x128xi32, #tpu.memory_space<vmem>> -> memref<1x128xi32, #tpu.memory_space<vmem>>
    %dma_start3A_110 = tpu.memref_squeeze %dma_start3A_109 : memref<1x128xi32, #tpu.memory_space<vmem>> -> memref<128xi32, #tpu.memory_space<vmem>>
    %dma_start3A_111 = arith.constant 0 : i32
    %dma_start3A_112 = arith.constant 0 : i32
    %dma_start3A_113 = tpu.memref_slice %arg17[%dma_start3A_111, %dma_start3A_112] : memref<10240x128xf32, #tpu.memory_space<vmem_shared>> -> memref<10240x128xf32, #tpu.memory_space<vmem_shared>>
    tpu.enqueue_indirect_dma source(%dma_start3A_107 : memref<128x128xf32, #tpu.memory_space<vmem>>) target(%dma_start3A_113 : memref<10240x128xf32, #tpu.memory_space<vmem_shared>>) offsets(%dma_start3A_110 : memref<128xi32, #tpu.memory_space<vmem>>) semaphore(%arg21 : memref<!tpu.dma_semaphore, #tpu.memory_space<semaphore_mem>>) {add = true}
    %scan3A_114 = arith.constant 0 : i32
    %scan3A_115 = arith.constant 0 : i32
    %scan3A_116 = arith.constant 0 : i32
    %scan3A_117 = arith.constant 20 : i32
    %scan3A_118 = arith.addi %scan3A_116, %scan3A_117 : i32
    %scan3A_119 = arith.constant 1 : i32
    scf.for %scan3A_132 = %scan3A_116 to %scan3A_118 step %scan3A_119  : i32 {
      %mul3A_133 = arith.constant 2 : i32
      %mul3A_134 = arith.muli %scan3A_132, %mul3A_133 : i32
      %add3A_135 = arith.constant 0 : i32
      %add3A_136 = arith.addi %mul3A_134, %add3A_135 : i32
      %dma_wait3A = arith.constant 0 : i32
      %dma_wait3A_137 = arith.constant 0 : i32
      %dma_wait3A_138 = tpu.memref_slice %arg16[%scan3A_115, %dma_wait3A, %dma_wait3A_137] : memref<2x128x128xf32, #tpu.memory_space<vmem>> -> memref<1x128x128xf32, #tpu.memory_space<vmem>>
      %dma_wait3A_139 = tpu.memref_squeeze %dma_wait3A_138 : memref<1x128x128xf32, #tpu.memory_space<vmem>> -> memref<128x128xf32, #tpu.memory_space<vmem>>
      %dma_wait3A_140 = arith.constant 0 : i32
      %dma_wait3A_141 = tpu.memref_slice %arg15[%add3A_136, %dma_wait3A_140] : memref<40x128xi32, #tpu.memory_space<vmem>> -> memref<1x128xi32, #tpu.memory_space<vmem>>
      %dma_wait3A_142 = tpu.memref_squeeze %dma_wait3A_141 : memref<1x128xi32, #tpu.memory_space<vmem>> -> memref<128xi32, #tpu.memory_space<vmem>>
      %dma_wait3A_143 = arith.constant 0 : i32
      %dma_wait3A_144 = arith.constant 0 : i32
      %dma_wait3A_145 = tpu.memref_slice %arg17[%dma_wait3A_143, %dma_wait3A_144] : memref<10240x128xf32, #tpu.memory_space<vmem_shared>> -> memref<10240x128xf32, #tpu.memory_space<vmem_shared>>
      tpu.wait_indirect_dma semaphore(%arg20 : memref<!tpu.dma_semaphore, #tpu.memory_space<semaphore_mem>>) src(%dma_wait3A_139 : memref<128x128xf32, #tpu.memory_space<vmem>>) dst(%dma_wait3A_145 : memref<10240x128xf32, #tpu.memory_space<vmem_shared>>)
      %add3A_146 = arith.constant 2 : i32
      %add3A_147 = arith.addi %add3A_136, %add3A_146 : i32
      %lt3A = arith.constant 40 : i32
      %lt3A_148 = arith.cmpi slt, %add3A_147, %lt3A : i32
      %convert_element_type3A_149 = arith.extui %lt3A_148 : i1 to i32
      %cond3A_150 = arith.constant 0 : i32
      %cond3A_151 = arith.cmpi ne, %convert_element_type3A_149, %cond3A_150 : i32
      scf.if %cond3A_151 {
        %add3A_173 = arith.constant 2 : i32
        %add3A_174 = arith.addi %add3A_136, %add3A_173 : i32
        %dma_start3A_175 = arith.constant 0 : i32
        %dma_start3A_176 = arith.constant 0 : i32
        %dma_start3A_177 = tpu.memref_slice %arg16[%scan3A_115, %dma_start3A_175, %dma_start3A_176] : memref<2x128x128xf32, #tpu.memory_space<vmem>> -> memref<1x128x128xf32, #tpu.memory_space<vmem>>
        %dma_start3A_178 = tpu.memref_squeeze %dma_start3A_177 : memref<1x128x128xf32, #tpu.memory_space<vmem>> -> memref<128x128xf32, #tpu.memory_space<vmem>>
        %dma_start3A_179 = arith.constant 0 : i32
        %dma_start3A_180 = tpu.memref_slice %arg15[%add3A_174, %dma_start3A_179] : memref<40x128xi32, #tpu.memory_space<vmem>> -> memref<1x128xi32, #tpu.memory_space<vmem>>
        %dma_start3A_181 = tpu.memref_squeeze %dma_start3A_180 : memref<1x128xi32, #tpu.memory_space<vmem>> -> memref<128xi32, #tpu.memory_space<vmem>>
        %dma_start3A_182 = arith.constant 0 : i32
        %dma_start3A_183 = arith.constant 0 : i32
        %dma_start3A_184 = tpu.memref_slice %arg17[%dma_start3A_182, %dma_start3A_183] : memref<10240x128xf32, #tpu.memory_space<vmem_shared>> -> memref<10240x128xf32, #tpu.memory_space<vmem_shared>>
        tpu.enqueue_indirect_dma source(%dma_start3A_178 : memref<128x128xf32, #tpu.memory_space<vmem>>) target(%dma_start3A_184 : memref<10240x128xf32, #tpu.memory_space<vmem_shared>>) offsets(%dma_start3A_181 : memref<128xi32, #tpu.memory_space<vmem>>) semaphore(%arg20 : memref<!tpu.dma_semaphore, #tpu.memory_space<semaphore_mem>>) {add = true}
      } else {
      }
      %mul3A_152 = arith.constant 2 : i32
      %mul3A_153 = arith.muli %scan3A_132, %mul3A_152 : i32
      %add3A_154 = arith.constant 1 : i32
      %add3A_155 = arith.addi %mul3A_153, %add3A_154 : i32
      %dma_wait3A_156 = arith.constant 0 : i32
      %dma_wait3A_157 = arith.constant 0 : i32
      %dma_wait3A_158 = tpu.memref_slice %arg16[%scan3A_115, %dma_wait3A_156, %dma_wait3A_157] : memref<2x128x128xf32, #tpu.memory_space<vmem>> -> memref<1x128x128xf32, #tpu.memory_space<vmem>>
      %dma_wait3A_159 = tpu.memref_squeeze %dma_wait3A_158 : memref<1x128x128xf32, #tpu.memory_space<vmem>> -> memref<128x128xf32, #tpu.memory_space<vmem>>
      %dma_wait3A_160 = arith.constant 0 : i32
      %dma_wait3A_161 = tpu.memref_slice %arg15[%add3A_155, %dma_wait3A_160] : memref<40x128xi32, #tpu.memory_space<vmem>> -> memref<1x128xi32, #tpu.memory_space<vmem>>
      %dma_wait3A_162 = tpu.memref_squeeze %dma_wait3A_161 : memref<1x128xi32, #tpu.memory_space<vmem>> -> memref<128xi32, #tpu.memory_space<vmem>>
      %dma_wait3A_163 = arith.constant 0 : i32
      %dma_wait3A_164 = arith.constant 0 : i32
      %dma_wait3A_165 = tpu.memref_slice %arg17[%dma_wait3A_163, %dma_wait3A_164] : memref<10240x128xf32, #tpu.memory_space<vmem_shared>> -> memref<10240x128xf32, #tpu.memory_space<vmem_shared>>
      tpu.wait_indirect_dma semaphore(%arg21 : memref<!tpu.dma_semaphore, #tpu.memory_space<semaphore_mem>>) src(%dma_wait3A_159 : memref<128x128xf32, #tpu.memory_space<vmem>>) dst(%dma_wait3A_165 : memref<10240x128xf32, #tpu.memory_space<vmem_shared>>)
      %add3A_166 = arith.constant 2 : i32
      %add3A_167 = arith.addi %add3A_155, %add3A_166 : i32
      %lt3A_168 = arith.constant 40 : i32
      %lt3A_169 = arith.cmpi slt, %add3A_167, %lt3A_168 : i32
      %convert_element_type3A_170 = arith.extui %lt3A_169 : i1 to i32
      %cond3A_171 = arith.constant 0 : i32
      %cond3A_172 = arith.cmpi ne, %convert_element_type3A_170, %cond3A_171 : i32
      scf.if %cond3A_172 {
        %add3A_173 = arith.constant 2 : i32
        %add3A_174 = arith.addi %add3A_155, %add3A_173 : i32
        %dma_start3A_175 = arith.constant 0 : i32
        %dma_start3A_176 = arith.constant 0 : i32
        %dma_start3A_177 = tpu.memref_slice %arg16[%scan3A_115, %dma_start3A_175, %dma_start3A_176] : memref<2x128x128xf32, #tpu.memory_space<vmem>> -> memref<1x128x128xf32, #tpu.memory_space<vmem>>
        %dma_start3A_178 = tpu.memref_squeeze %dma_start3A_177 : memref<1x128x128xf32, #tpu.memory_space<vmem>> -> memref<128x128xf32, #tpu.memory_space<vmem>>
        %dma_start3A_179 = arith.constant 0 : i32
        %dma_start3A_180 = tpu.memref_slice %arg15[%add3A_174, %dma_start3A_179] : memref<40x128xi32, #tpu.memory_space<vmem>> -> memref<1x128xi32, #tpu.memory_space<vmem>>
        %dma_start3A_181 = tpu.memref_squeeze %dma_start3A_180 : memref<1x128xi32, #tpu.memory_space<vmem>> -> memref<128xi32, #tpu.memory_space<vmem>>
        %dma_start3A_182 = arith.constant 0 : i32
        %dma_start3A_183 = arith.constant 0 : i32
        %dma_start3A_184 = tpu.memref_slice %arg17[%dma_start3A_182, %dma_start3A_183] : memref<10240x128xf32, #tpu.memory_space<vmem_shared>> -> memref<10240x128xf32, #tpu.memory_space<vmem_shared>>
        tpu.enqueue_indirect_dma source(%dma_start3A_178 : memref<128x128xf32, #tpu.memory_space<vmem>>) target(%dma_start3A_184 : memref<10240x128xf32, #tpu.memory_space<vmem_shared>>) offsets(%dma_start3A_181 : memref<128xi32, #tpu.memory_space<vmem>>) semaphore(%arg21 : memref<!tpu.dma_semaphore, #tpu.memory_space<semaphore_mem>>) {add = true}
      } else {
      }
    }
    %scan3A_120 = arith.constant 20 : i32
    %barrier3A_121 = arith.constant 0 : index
    tpu.barrier barrier_id(%barrier3A_121)
    %eq3A_122 = arith.constant 0 : i32
    %eq3A_123 = arith.cmpi eq, %arg0, %eq3A_122 : i32
    %convert_element_type3A_124 = arith.extui %eq3A_123 : i1 to i32
    %cond3A_125 = arith.constant 0 : i32
    %cond3A_126 = arith.cmpi ne, %convert_element_type3A_124, %cond3A_125 : i32
    scf.if %cond3A_126 {
      %lt3A = arith.constant 15 : i32
      %lt3A_132 = arith.cmpi slt, %arg1, %lt3A : i32
      %convert_element_type3A_133 = arith.extui %lt3A_132 : i1 to i32
      %cond3A_134 = arith.constant 0 : i32
      %cond3A_135 = arith.cmpi ne, %convert_element_type3A_133, %cond3A_134 : i32
      scf.if %cond3A_135 {
        %mul3A_141 = arith.constant 640 : i32
        %mul3A_142 = arith.muli %arg1, %mul3A_141 : i32
        %mul3A_143 = arith.constant 640 : i32
        %mul3A_144 = arith.muli %arg1, %mul3A_143 : i32
        "tpu.region"() ({
          %run_scoped3A_145 = tpu.sem_alloc : memref<!tpu.dma_semaphore, #tpu.memory_space<semaphore_mem>>
          %dma_start3A_146 = arith.constant 0 : i32
          %dma_start3A_147 = tpu.memref_slice %arg12[%mul3A_144, %dma_start3A_146] : memref<10000x128xf32, #tpu.memory_space<hbm>> -> memref<640x128xf32, #tpu.memory_space<hbm>>
          %dma_start3A_148 = arith.constant 0 : i32
          %dma_start3A_149 = tpu.memref_slice %arg17[%mul3A_142, %dma_start3A_148] : memref<10240x128xf32, #tpu.memory_space<vmem_shared>> -> memref<640x128xf32, #tpu.memory_space<vmem_shared>>
          tpu.enqueue_dma source(%dma_start3A_149 : memref<640x128xf32, #tpu.memory_space<vmem_shared>>) target(%dma_start3A_147 : memref<640x128xf32, #tpu.memory_space<hbm>>) target_semaphore(%run_scoped3A_145 : memref<!tpu.dma_semaphore, #tpu.memory_space<semaphore_mem>>)
          %dma_wait3A = arith.constant 0 : i32
          %dma_wait3A_150 = tpu.memref_slice %arg12[%mul3A_144, %dma_wait3A] : memref<10000x128xf32, #tpu.memory_space<hbm>> -> memref<640x128xf32, #tpu.memory_space<hbm>>
          %dma_wait3A_151 = arith.constant 0 : i32
          %dma_wait3A_152 = tpu.memref_slice %arg17[%mul3A_142, %dma_wait3A_151] : memref<10240x128xf32, #tpu.memory_space<vmem_shared>> -> memref<640x128xf32, #tpu.memory_space<vmem_shared>>
          tpu.wait_dma2 semaphore(%run_scoped3A_145 : memref<!tpu.dma_semaphore, #tpu.memory_space<semaphore_mem>>) src(%dma_wait3A_152 : memref<640x128xf32, #tpu.memory_space<vmem_shared>>) dst(%dma_wait3A_150 : memref<640x128xf32, #tpu.memory_space<hbm>>)
          tpu.yield
        }) : () -> ()
      } else {
      }
      %eq3A_136 = arith.constant 15 : i32
      %eq3A_137 = arith.cmpi eq, %arg1, %eq3A_136 : i32
      %convert_element_type3A_138 = arith.extui %eq3A_137 : i1 to i32
      %cond3A_139 = arith.constant 0 : i32
      %cond3A_140 = arith.cmpi ne, %convert_element_type3A_138, %cond3A_139 : i32
      scf.if %cond3A_140 {
        "tpu.region"() ({
          %run_scoped3A_141 = tpu.sem_alloc : memref<!tpu.dma_semaphore, #tpu.memory_space<semaphore_mem>>
          %dma_start3A_142 = arith.constant 9600 : i32
          %dma_start3A_143 = arith.constant 0 : i32
          %dma_start3A_144 = tpu.memref_slice %arg12[%dma_start3A_142, %dma_start3A_143] : memref<10000x128xf32, #tpu.memory_space<hbm>> -> memref<400x128xf32, #tpu.memory_space<hbm>>
          %dma_start3A_145 = arith.constant 9600 : i32
          %dma_start3A_146 = arith.constant 0 : i32
          %dma_start3A_147 = tpu.memref_slice %arg17[%dma_start3A_145, %dma_start3A_146] : memref<10240x128xf32, #tpu.memory_space<vmem_shared>> -> memref<400x128xf32, #tpu.memory_space<vmem_shared>>
          tpu.enqueue_dma source(%dma_start3A_147 : memref<400x128xf32, #tpu.memory_space<vmem_shared>>) target(%dma_start3A_144 : memref<400x128xf32, #tpu.memory_space<hbm>>) target_semaphore(%run_scoped3A_141 : memref<!tpu.dma_semaphore, #tpu.memory_space<semaphore_mem>>)
          %dma_wait3A = arith.constant 9600 : i32
          %dma_wait3A_148 = arith.constant 0 : i32
          %dma_wait3A_149 = tpu.memref_slice %arg12[%dma_wait3A, %dma_wait3A_148] : memref<10000x128xf32, #tpu.memory_space<hbm>> -> memref<400x128xf32, #tpu.memory_space<hbm>>
          %dma_wait3A_150 = arith.constant 9600 : i32
          %dma_wait3A_151 = arith.constant 0 : i32
          %dma_wait3A_152 = tpu.memref_slice %arg17[%dma_wait3A_150, %dma_wait3A_151] : memref<10240x128xf32, #tpu.memory_space<vmem_shared>> -> memref<400x128xf32, #tpu.memory_space<vmem_shared>>
          tpu.wait_dma2 semaphore(%run_scoped3A_141 : memref<!tpu.dma_semaphore, #tpu.memory_space<semaphore_mem>>) src(%dma_wait3A_152 : memref<400x128xf32, #tpu.memory_space<vmem_shared>>) dst(%dma_wait3A_149 : memref<400x128xf32, #tpu.memory_space<hbm>>)
          tpu.yield
        }) : () -> ()
      } else {
      }
    } else {
    }
    %eq3A_127 = arith.constant 1 : i32
    %eq3A_128 = arith.cmpi eq, %arg0, %eq3A_127 : i32
    %convert_element_type3A_129 = arith.extui %eq3A_128 : i1 to i32
    %cond3A_130 = arith.constant 0 : i32
    %cond3A_131 = arith.cmpi ne, %convert_element_type3A_129, %cond3A_130 : i32
    scf.if %cond3A_131 {
      %lt3A = arith.constant 15 : i32
      %lt3A_132 = arith.cmpi slt, %arg1, %lt3A : i32
      %convert_element_type3A_133 = arith.extui %lt3A_132 : i1 to i32
      %cond3A_134 = arith.constant 0 : i32
      %cond3A_135 = arith.cmpi ne, %convert_element_type3A_133, %cond3A_134 : i32
      scf.if %cond3A_135 {
        %mul3A_141 = arith.constant 640 : i32
        %mul3A_142 = arith.muli %arg1, %mul3A_141 : i32
        %mul3A_143 = arith.constant 640 : i32
        %mul3A_144 = arith.muli %arg1, %mul3A_143 : i32
        "tpu.region"() ({
          %run_scoped3A_145 = tpu.sem_alloc : memref<!tpu.dma_semaphore, #tpu.memory_space<semaphore_mem>>
          %dma_start3A_146 = arith.constant 0 : i32
          %dma_start3A_147 = tpu.memref_slice %arg13[%mul3A_144, %dma_start3A_146] : memref<10000x128xf32, #tpu.memory_space<hbm>> -> memref<640x128xf32, #tpu.memory_space<hbm>>
          %dma_start3A_148 = arith.constant 0 : i32
          %dma_start3A_149 = tpu.memref_slice %arg17[%mul3A_142, %dma_start3A_148] : memref<10240x128xf32, #tpu.memory_space<vmem_shared>> -> memref<640x128xf32, #tpu.memory_space<vmem_shared>>
          tpu.enqueue_dma source(%dma_start3A_149 : memref<640x128xf32, #tpu.memory_space<vmem_shared>>) target(%dma_start3A_147 : memref<640x128xf32, #tpu.memory_space<hbm>>) target_semaphore(%run_scoped3A_145 : memref<!tpu.dma_semaphore, #tpu.memory_space<semaphore_mem>>)
          %dma_wait3A = arith.constant 0 : i32
          %dma_wait3A_150 = tpu.memref_slice %arg13[%mul3A_144, %dma_wait3A] : memref<10000x128xf32, #tpu.memory_space<hbm>> -> memref<640x128xf32, #tpu.memory_space<hbm>>
          %dma_wait3A_151 = arith.constant 0 : i32
          %dma_wait3A_152 = tpu.memref_slice %arg17[%mul3A_142, %dma_wait3A_151] : memref<10240x128xf32, #tpu.memory_space<vmem_shared>> -> memref<640x128xf32, #tpu.memory_space<vmem_shared>>
          tpu.wait_dma2 semaphore(%run_scoped3A_145 : memref<!tpu.dma_semaphore, #tpu.memory_space<semaphore_mem>>) src(%dma_wait3A_152 : memref<640x128xf32, #tpu.memory_space<vmem_shared>>) dst(%dma_wait3A_150 : memref<640x128xf32, #tpu.memory_space<hbm>>)
          tpu.yield
        }) : () -> ()
      } else {
      }
      %eq3A_136 = arith.constant 15 : i32
      %eq3A_137 = arith.cmpi eq, %arg1, %eq3A_136 : i32
      %convert_element_type3A_138 = arith.extui %eq3A_137 : i1 to i32
      %cond3A_139 = arith.constant 0 : i32
      %cond3A_140 = arith.cmpi ne, %convert_element_type3A_138, %cond3A_139 : i32
      scf.if %cond3A_140 {
        "tpu.region"() ({
          %run_scoped3A_141 = tpu.sem_alloc : memref<!tpu.dma_semaphore, #tpu.memory_space<semaphore_mem>>
          %dma_start3A_142 = arith.constant 9600 : i32
          %dma_start3A_143 = arith.constant 0 : i32
          %dma_start3A_144 = tpu.memref_slice %arg13[%dma_start3A_142, %dma_start3A_143] : memref<10000x128xf32, #tpu.memory_space<hbm>> -> memref<400x128xf32, #tpu.memory_space<hbm>>
          %dma_start3A_145 = arith.constant 9600 : i32
          %dma_start3A_146 = arith.constant 0 : i32
          %dma_start3A_147 = tpu.memref_slice %arg17[%dma_start3A_145, %dma_start3A_146] : memref<10240x128xf32, #tpu.memory_space<vmem_shared>> -> memref<400x128xf32, #tpu.memory_space<vmem_shared>>
          tpu.enqueue_dma source(%dma_start3A_147 : memref<400x128xf32, #tpu.memory_space<vmem_shared>>) target(%dma_start3A_144 : memref<400x128xf32, #tpu.memory_space<hbm>>) target_semaphore(%run_scoped3A_141 : memref<!tpu.dma_semaphore, #tpu.memory_space<semaphore_mem>>)
          %dma_wait3A = arith.constant 9600 : i32
          %dma_wait3A_148 = arith.constant 0 : i32
          %dma_wait3A_149 = tpu.memref_slice %arg13[%dma_wait3A, %dma_wait3A_148] : memref<10000x128xf32, #tpu.memory_space<hbm>> -> memref<400x128xf32, #tpu.memory_space<hbm>>
          %dma_wait3A_150 = arith.constant 9600 : i32
          %dma_wait3A_151 = arith.constant 0 : i32
          %dma_wait3A_152 = tpu.memref_slice %arg17[%dma_wait3A_150, %dma_wait3A_151] : memref<10240x128xf32, #tpu.memory_space<vmem_shared>> -> memref<400x128xf32, #tpu.memory_space<vmem_shared>>
          tpu.wait_dma2 semaphore(%run_scoped3A_141 : memref<!tpu.dma_semaphore, #tpu.memory_space<semaphore_mem>>) src(%dma_wait3A_152 : memref<400x128xf32, #tpu.memory_space<vmem_shared>>) dst(%dma_wait3A_149 : memref<400x128xf32, #tpu.memory_space<hbm>>)
          tpu.yield
        }) : () -> ()
      } else {
      }
    } else {
    }
    return
  }
}

module attributes {stable_mosaic.version = 14 : i64} {
  func.func @body(%arg0: i32, %arg1: memref<1000x128xf32, #tpu.memory_space<vmem>>, %arg2: memref<1000x128xf32, #tpu.memory_space<vmem>>, %arg3: memref<1000x128xf32, #tpu.memory_space<vmem>>, %arg4: memref<1000x128xf32, #tpu.memory_space<vmem>>, %arg5: memref<1000x128xf32, #tpu.memory_space<vmem>>, %arg6: memref<1000x128xf32, #tpu.memory_space<vmem>>, %arg7: memref<1000x256xf32, #tpu.memory_space<vmem>>, %arg8: memref<256x512xf32, #tpu.memory_space<vmem>>, %arg9: memref<256x512xf32, #tpu.memory_space<vmem>>, %arg10: memref<1x512xf32, #tpu.memory_space<vmem>>, %arg11: memref<1x512xf32, #tpu.memory_space<vmem>>, %arg12: memref<1x512xf32, #tpu.memory_space<vmem>>, %arg13: memref<1000x512xf32, #tpu.memory_space<vmem>>, %arg14: memref<1000x128xf32, #tpu.memory_space<vmem>>, %arg15: memref<1000x128xf32, #tpu.memory_space<vmem>>, %arg16: memref<1000x128xf32, #tpu.memory_space<vmem>>, %arg17: memref<1000x128xf32, #tpu.memory_space<vmem>>) attributes {dimension_semantics = [#tpu.dimension_semantics<arbitrary>], iteration_bounds = array<i64: 10>, scalar_prefetch = 0 : i64, scratch_operands = 0 : i64, tpu.core_type = #tpu.core_type<tc>, window_params = [{transform_indices = @transform_0, window_bounds = array<i64: 1000, 128>}, {transform_indices = @transform_1, window_bounds = array<i64: 1000, 128>}, {transform_indices = @transform_2, window_bounds = array<i64: 1000, 128>}, {transform_indices = @transform_3, window_bounds = array<i64: 1000, 128>}, {transform_indices = @transform_4, window_bounds = array<i64: 1000, 128>}, {transform_indices = @transform_5, window_bounds = array<i64: 1000, 128>}, {transform_indices = @transform_6, window_bounds = array<i64: 1000, 256>}, {pipeline_mode = #tpu.pipeline_mode<synchronous>, transform_indices = @transform_7, window_bounds = array<i64: 256, 512>}, {pipeline_mode = #tpu.pipeline_mode<synchronous>, transform_indices = @transform_8, window_bounds = array<i64: 256, 512>}, {pipeline_mode = #tpu.pipeline_mode<synchronous>, transform_indices = @transform_9, window_bounds = array<i64: 1, 512>}, {pipeline_mode = #tpu.pipeline_mode<synchronous>, transform_indices = @transform_10, window_bounds = array<i64: 1, 512>}, {pipeline_mode = #tpu.pipeline_mode<synchronous>, transform_indices = @transform_11, window_bounds = array<i64: 1, 512>}, {transform_indices = @transform_12, window_bounds = array<i64: 1000, 512>}, {transform_indices = @transform_13, window_bounds = array<i64: 1000, 128>}, {transform_indices = @transform_14, window_bounds = array<i64: 1000, 128>}, {transform_indices = @transform_15, window_bounds = array<i64: 1000, 128>}, {transform_indices = @transform_16, window_bounds = array<i64: 1000, 128>}]} {
    %get3A = arith.constant 0 : index
    %get3A_0 = arith.constant 0 : index
    %get3A_1 = vector.load %arg5[%get3A, %get3A_0] : memref<1000x128xf32, #tpu.memory_space<vmem>>, vector<1000x128xf32>
    %get3A_2 = arith.constant 0 : index
    %get3A_3 = arith.constant 0 : index
    %get3A_4 = vector.load %arg6[%get3A_2, %get3A_3] : memref<1000x128xf32, #tpu.memory_space<vmem>>, vector<1000x128xf32>
    %add3A = arith.addf %get3A_1, %get3A_4 : vector<1000x128xf32>
    %max3A = arith.constant 1.000000e+00 : f32
    %max3A_5 = vector.broadcast %max3A : f32 to vector<1000x128xf32>
    %max3A_6 = arith.maximumf %add3A, %max3A_5 : vector<1000x128xf32>
    %div3A = arith.constant 1.000000e+00 : f32
    %div3A_7 = vector.broadcast %div3A : f32 to vector<1000x128xf32>
    %div3A_8 = arith.divf %div3A_7, %max3A_6 : vector<1000x128xf32>
    %get3A_9 = arith.constant 0 : index
    %get3A_10 = arith.constant 0 : index
    %get3A_11 = vector.load %arg1[%get3A_9, %get3A_10] : memref<1000x128xf32, #tpu.memory_space<vmem>>, vector<1000x128xf32>
    %get3A_12 = arith.constant 0 : index
    %get3A_13 = arith.constant 0 : index
    %get3A_14 = vector.load %arg2[%get3A_12, %get3A_13] : memref<1000x128xf32, #tpu.memory_space<vmem>>, vector<1000x128xf32>
    %add3A_15 = arith.addf %get3A_11, %get3A_14 : vector<1000x128xf32>
    %get3A_16 = arith.constant 0 : index
    %get3A_17 = arith.constant 0 : index
    %get3A_18 = vector.load %arg3[%get3A_16, %get3A_17] : memref<1000x128xf32, #tpu.memory_space<vmem>>, vector<1000x128xf32>
    %get3A_19 = arith.constant 0 : index
    %get3A_20 = arith.constant 0 : index
    %get3A_21 = vector.load %arg4[%get3A_19, %get3A_20] : memref<1000x128xf32, #tpu.memory_space<vmem>>, vector<1000x128xf32>
    %add3A_22 = arith.addf %get3A_18, %get3A_21 : vector<1000x128xf32>
    %concatenate3A = tpu.concatenate %add3A_15, %add3A_22 in 1 : vector<1000x128xf32>, vector<1000x128xf32> -> vector<1000x256xf32>
    %get3A_23 = arith.constant 0 : index
    %get3A_24 = arith.constant 0 : index
    %get3A_25 = vector.load %arg8[%get3A_23, %get3A_24] : memref<256x512xf32, #tpu.memory_space<vmem>>, vector<256x512xf32>
    %dot_general3A = arith.constant dense<0.000000e+00> : vector<1000x512xf32>
    %dot_general3A_26 = tpu.matmul %concatenate3A, %get3A_25, %dot_general3A {dimension_numbers = #tpu.dot_dimension_numbers<[1], [0], [0], [1], [0, 0, 1, 1], [], []>, transpose_lhs_hint = false} : vector<1000x256xf32>, vector<256x512xf32>, vector<1000x512xf32> -> vector<1000x512xf32>
    %get3A_27 = arith.constant 0 : index
    %get3A_28 = arith.constant 0 : index
    %get3A_29 = vector.load %arg7[%get3A_27, %get3A_28] : memref<1000x256xf32, #tpu.memory_space<vmem>>, vector<1000x256xf32>
    %get3A_30 = arith.constant 0 : index
    %get3A_31 = arith.constant 0 : index
    %get3A_32 = vector.load %arg9[%get3A_30, %get3A_31] : memref<256x512xf32, #tpu.memory_space<vmem>>, vector<256x512xf32>
    %dot_general3A_33 = arith.constant dense<0.000000e+00> : vector<1000x512xf32>
    %dot_general3A_34 = tpu.matmul %get3A_29, %get3A_32, %dot_general3A_33 {dimension_numbers = #tpu.dot_dimension_numbers<[1], [0], [0], [1], [0, 0, 1, 1], [], []>, transpose_lhs_hint = false} : vector<1000x256xf32>, vector<256x512xf32>, vector<1000x512xf32> -> vector<1000x512xf32>
    %slice3A = vector.extract_strided_slice %dot_general3A_26 {offsets = [0, 0], sizes = [1000, 128], strides = [1, 1]} : vector<1000x512xf32> to vector<1000x128xf32>
    %mul3A = arith.mulf %slice3A, %div3A_8 : vector<1000x128xf32>
    %slice3A_35 = vector.extract_strided_slice %dot_general3A_26 {offsets = [0, 128], sizes = [1000, 128], strides = [1, 1]} : vector<1000x512xf32> to vector<1000x128xf32>
    %mul3A_36 = arith.mulf %slice3A_35, %div3A_8 : vector<1000x128xf32>
    %slice3A_37 = vector.extract_strided_slice %dot_general3A_26 {offsets = [0, 256], sizes = [1000, 128], strides = [1, 1]} : vector<1000x512xf32> to vector<1000x128xf32>
    %mul3A_38 = arith.mulf %slice3A_37, %div3A_8 : vector<1000x128xf32>
    %slice3A_39 = vector.extract_strided_slice %dot_general3A_26 {offsets = [0, 384], sizes = [1000, 128], strides = [1, 1]} : vector<1000x512xf32> to vector<1000x128xf32>
    %mul3A_40 = arith.mulf %slice3A_39, %div3A_8 : vector<1000x128xf32>
    %concatenate3A_41 = tpu.concatenate %mul3A, %mul3A_36, %mul3A_38, %mul3A_40 in 1 : vector<1000x128xf32>, vector<1000x128xf32>, vector<1000x128xf32>, vector<1000x128xf32> -> vector<1000x512xf32>
    %add3A_42 = arith.addf %concatenate3A_41, %dot_general3A_34 : vector<1000x512xf32>
    %get3A_43 = arith.constant 0 : index
    %get3A_44 = arith.constant 0 : index
    %get3A_45 = vector.load %arg10[%get3A_43, %get3A_44] : memref<1x512xf32, #tpu.memory_space<vmem>>, vector<1x512xf32>
    %add3A_46 = vector.broadcast %get3A_45 : vector<1x512xf32> to vector<1000x512xf32>
    %add3A_47 = arith.addf %add3A_42, %add3A_46 : vector<1000x512xf32>
    %get3A_48 = arith.constant 0 : index
    %get3A_49 = arith.constant 0 : index
    %get3A_50 = vector.load %arg11[%get3A_48, %get3A_49] : memref<1x512xf32, #tpu.memory_space<vmem>>, vector<1x512xf32>
    %mul3A_51 = arith.constant 0.999994993 : f32
    %mul3A_52 = vector.broadcast %mul3A_51 : f32 to vector<1x512xf32>
    %mul3A_53 = arith.mulf %get3A_50, %mul3A_52 : vector<1x512xf32>
    %mul3A_54 = vector.broadcast %mul3A_53 : vector<1x512xf32> to vector<1000x512xf32>
    %mul3A_55 = arith.mulf %add3A_47, %mul3A_54 : vector<1000x512xf32>
    %get3A_56 = arith.constant 0 : index
    %get3A_57 = arith.constant 0 : index
    %get3A_58 = vector.load %arg12[%get3A_56, %get3A_57] : memref<1x512xf32, #tpu.memory_space<vmem>>, vector<1x512xf32>
    %add3A_59 = vector.broadcast %get3A_58 : vector<1x512xf32> to vector<1000x512xf32>
    %add3A_60 = arith.addf %mul3A_55, %add3A_59 : vector<1000x512xf32>
    %max3A_61 = arith.constant 0.000000e+00 : f32
    %max3A_62 = vector.broadcast %max3A_61 : f32 to vector<1000x512xf32>
    %max3A_63 = arith.maximumf %add3A_60, %max3A_62 : vector<1000x512xf32>
    %swap3A = arith.constant 0 : index
    %swap3A_64 = arith.constant 0 : index
    %swap3A_65 = vector.load %arg13[%swap3A, %swap3A_64] : memref<1000x512xf32, #tpu.memory_space<vmem>>, vector<1000x512xf32>
    tpu.vector_store %arg13[%swap3A, %swap3A_64], %max3A_63 {strides = array<i32>} : memref<1000x512xf32, #tpu.memory_space<vmem>>, vector<1000x512xf32>,
    %slice3A_66 = vector.extract_strided_slice %max3A_63 {offsets = [0, 0], sizes = [1000, 128], strides = [1, 1]} : vector<1000x512xf32> to vector<1000x128xf32>
    %swap3A_67 = arith.constant 0 : index
    %swap3A_68 = arith.constant 0 : index
    %swap3A_69 = vector.load %arg14[%swap3A_67, %swap3A_68] : memref<1000x128xf32, #tpu.memory_space<vmem>>, vector<1000x128xf32>
    tpu.vector_store %arg14[%swap3A_67, %swap3A_68], %slice3A_66 {strides = array<i32>} : memref<1000x128xf32, #tpu.memory_space<vmem>>, vector<1000x128xf32>,
    %slice3A_70 = vector.extract_strided_slice %max3A_63 {offsets = [0, 128], sizes = [1000, 128], strides = [1, 1]} : vector<1000x512xf32> to vector<1000x128xf32>
    %swap3A_71 = arith.constant 0 : index
    %swap3A_72 = arith.constant 0 : index
    %swap3A_73 = vector.load %arg15[%swap3A_71, %swap3A_72] : memref<1000x128xf32, #tpu.memory_space<vmem>>, vector<1000x128xf32>
    tpu.vector_store %arg15[%swap3A_71, %swap3A_72], %slice3A_70 {strides = array<i32>} : memref<1000x128xf32, #tpu.memory_space<vmem>>, vector<1000x128xf32>,
    %slice3A_74 = vector.extract_strided_slice %max3A_63 {offsets = [0, 256], sizes = [1000, 128], strides = [1, 1]} : vector<1000x512xf32> to vector<1000x128xf32>
    %swap3A_75 = arith.constant 0 : index
    %swap3A_76 = arith.constant 0 : index
    %swap3A_77 = vector.load %arg16[%swap3A_75, %swap3A_76] : memref<1000x128xf32, #tpu.memory_space<vmem>>, vector<1000x128xf32>
    tpu.vector_store %arg16[%swap3A_75, %swap3A_76], %slice3A_74 {strides = array<i32>} : memref<1000x128xf32, #tpu.memory_space<vmem>>, vector<1000x128xf32>,
    %slice3A_78 = vector.extract_strided_slice %max3A_63 {offsets = [0, 384], sizes = [1000, 128], strides = [1, 1]} : vector<1000x512xf32> to vector<1000x128xf32>
    %swap3A_79 = arith.constant 0 : index
    %swap3A_80 = arith.constant 0 : index
    %swap3A_81 = vector.load %arg17[%swap3A_79, %swap3A_80] : memref<1000x128xf32, #tpu.memory_space<vmem>>, vector<1000x128xf32>
    tpu.vector_store %arg17[%swap3A_79, %swap3A_80], %slice3A_78 {strides = array<i32>} : memref<1000x128xf32, #tpu.memory_space<vmem>>, vector<1000x128xf32>,
    return
  }
  func.func @transform_0(%arg0: i32) -> (i32, i32) {
    %c0_i32 = arith.constant 0 : i32
    %c0_i32_0 = arith.constant 0 : i32
    return %arg0, %c0_i32 : i32, i32
  }
  func.func @transform_1(%arg0: i32) -> (i32, i32) {
    %c0_i32 = arith.constant 0 : i32
    %c0_i32_0 = arith.constant 0 : i32
    return %arg0, %c0_i32 : i32, i32
  }
  func.func @transform_2(%arg0: i32) -> (i32, i32) {
    %c0_i32 = arith.constant 0 : i32
    %c0_i32_0 = arith.constant 0 : i32
    return %arg0, %c0_i32 : i32, i32
  }
  func.func @transform_3(%arg0: i32) -> (i32, i32) {
    %c0_i32 = arith.constant 0 : i32
    %c0_i32_0 = arith.constant 0 : i32
    return %arg0, %c0_i32 : i32, i32
  }
  func.func @transform_4(%arg0: i32) -> (i32, i32) {
    %c0_i32 = arith.constant 0 : i32
    %c0_i32_0 = arith.constant 0 : i32
    return %arg0, %c0_i32 : i32, i32
  }
  func.func @transform_5(%arg0: i32) -> (i32, i32) {
    %c0_i32 = arith.constant 0 : i32
    %c0_i32_0 = arith.constant 0 : i32
    return %arg0, %c0_i32 : i32, i32
  }
  func.func @transform_6(%arg0: i32) -> (i32, i32) {
    %c0_i32 = arith.constant 0 : i32
    %c0_i32_0 = arith.constant 0 : i32
    return %arg0, %c0_i32 : i32, i32
  }
  func.func @transform_7(%arg0: i32) -> (i32, i32) {
    %c0_i32 = arith.constant 0 : i32
    %c0_i32_0 = arith.constant 0 : i32
    %c0_i32_1 = arith.constant 0 : i32
    return %c0_i32, %c0_i32_0 : i32, i32
  }
  func.func @transform_8(%arg0: i32) -> (i32, i32) {
    %c0_i32 = arith.constant 0 : i32
    %c0_i32_0 = arith.constant 0 : i32
    %c0_i32_1 = arith.constant 0 : i32
    return %c0_i32, %c0_i32_0 : i32, i32
  }
  func.func @transform_9(%arg0: i32) -> (i32, i32) {
    %c0_i32 = arith.constant 0 : i32
    %c0_i32_0 = arith.constant 0 : i32
    %c0_i32_1 = arith.constant 0 : i32
    return %c0_i32, %c0_i32_0 : i32, i32
  }
  func.func @transform_10(%arg0: i32) -> (i32, i32) {
    %c0_i32 = arith.constant 0 : i32
    %c0_i32_0 = arith.constant 0 : i32
    %c0_i32_1 = arith.constant 0 : i32
    return %c0_i32, %c0_i32_0 : i32, i32
  }
  func.func @transform_11(%arg0: i32) -> (i32, i32) {
    %c0_i32 = arith.constant 0 : i32
    %c0_i32_0 = arith.constant 0 : i32
    %c0_i32_1 = arith.constant 0 : i32
    return %c0_i32, %c0_i32_0 : i32, i32
  }
  func.func @transform_12(%arg0: i32) -> (i32, i32) {
    %c0_i32 = arith.constant 0 : i32
    %c0_i32_0 = arith.constant 0 : i32
    return %arg0, %c0_i32 : i32, i32
  }
  func.func @transform_13(%arg0: i32) -> (i32, i32) {
    %c0_i32 = arith.constant 0 : i32
    %c0_i32_0 = arith.constant 0 : i32
    return %arg0, %c0_i32 : i32, i32
  }
  func.func @transform_14(%arg0: i32) -> (i32, i32) {
    %c0_i32 = arith.constant 0 : i32
    %c0_i32_0 = arith.constant 0 : i32
    return %arg0, %c0_i32 : i32, i32
  }
  func.func @transform_15(%arg0: i32) -> (i32, i32) {
    %c0_i32 = arith.constant 0 : i32
    %c0_i32_0 = arith.constant 0 : i32
    return %arg0, %c0_i32 : i32, i32
  }
  func.func @transform_16(%arg0: i32) -> (i32, i32) {
    %c0_i32 = arith.constant 0 : i32
    %c0_i32_0 = arith.constant 0 : i32
    return %arg0, %c0_i32 : i32, i32
  }
}

module attributes {stable_mosaic.version = 14 : i64} {
  func.func @body(%arg0: i32, %arg1: memref<1000x128xf32, #tpu.memory_space<vmem>>, %arg2: memref<1000x128xf32, #tpu.memory_space<vmem>>, %arg3: memref<1000x128xf32, #tpu.memory_space<vmem>>, %arg4: memref<1000x128xf32, #tpu.memory_space<vmem>>, %arg5: memref<1000x128xf32, #tpu.memory_space<vmem>>, %arg6: memref<1000x128xf32, #tpu.memory_space<vmem>>, %arg7: memref<1000x128xf32, #tpu.memory_space<vmem>>, %arg8: memref<1000x128xf32, #tpu.memory_space<vmem>>, %arg9: memref<1000x512xf32, #tpu.memory_space<vmem>>, %arg10: memref<1000x128xf32, #tpu.memory_space<vmem>>, %arg11: memref<1000x128xf32, #tpu.memory_space<vmem>>, %arg12: memref<1x1x1000xi32, #tpu.memory_space<vmem>>, %arg13: memref<512x512xf32, #tpu.memory_space<vmem>>, %arg14: memref<512x512xf32, #tpu.memory_space<vmem>>, %arg15: memref<1x512xf32, #tpu.memory_space<vmem>>, %arg16: memref<1x512xf32, #tpu.memory_space<vmem>>, %arg17: memref<1x512xf32, #tpu.memory_space<vmem>>, %arg18: memref<512x128xf32, #tpu.memory_space<vmem>>, %arg19: memref<1x128xf32, #tpu.memory_space<vmem>>, %arg20: memref<64x128xf32, #tpu.memory_space<vmem>>, %arg21: memref<64x512xf32, #tpu.memory_space<vmem>>, %arg22: memref<64x128xf32, #tpu.memory_space<vmem>>) attributes {dimension_semantics = [#tpu.dimension_semantics<arbitrary>], iteration_bounds = array<i64: 10>, scalar_prefetch = 0 : i64, scratch_operands = 2 : i64, tpu.core_type = #tpu.core_type<tc>, window_params = [{transform_indices = @transform_0, window_bounds = array<i64: 1000, 128>}, {transform_indices = @transform_1, window_bounds = array<i64: 1000, 128>}, {transform_indices = @transform_2, window_bounds = array<i64: 1000, 128>}, {transform_indices = @transform_3, window_bounds = array<i64: 1000, 128>}, {transform_indices = @transform_4, window_bounds = array<i64: 1000, 128>}, {transform_indices = @transform_5, window_bounds = array<i64: 1000, 128>}, {transform_indices = @transform_6, window_bounds = array<i64: 1000, 128>}, {transform_indices = @transform_7, window_bounds = array<i64: 1000, 128>}, {transform_indices = @transform_8, window_bounds = array<i64: 1000, 512>}, {transform_indices = @transform_9, window_bounds = array<i64: 1000, 128>}, {transform_indices = @transform_10, window_bounds = array<i64: 1000, 128>}, {transform_indices = @transform_11, window_bounds = array<i64: 1, 1, 1000>}, {pipeline_mode = #tpu.pipeline_mode<synchronous>, transform_indices = @transform_12, window_bounds = array<i64: 512, 512>}, {pipeline_mode = #tpu.pipeline_mode<synchronous>, transform_indices = @transform_13, window_bounds = array<i64: 512, 512>}, {pipeline_mode = #tpu.pipeline_mode<synchronous>, transform_indices = @transform_14, window_bounds = array<i64: 1, 512>}, {pipeline_mode = #tpu.pipeline_mode<synchronous>, transform_indices = @transform_15, window_bounds = array<i64: 1, 512>}, {pipeline_mode = #tpu.pipeline_mode<synchronous>, transform_indices = @transform_16, window_bounds = array<i64: 1, 512>}, {pipeline_mode = #tpu.pipeline_mode<synchronous>, transform_indices = @transform_17, window_bounds = array<i64: 512, 128>}, {pipeline_mode = #tpu.pipeline_mode<synchronous>, transform_indices = @transform_18, window_bounds = array<i64: 1, 128>}, {pipeline_mode = #tpu.pipeline_mode<synchronous>, transform_indices = @transform_19, window_bounds = array<i64: 64, 128>}]} {
    %get3A = arith.constant 0 : index
    %get3A_0 = arith.constant 0 : index
    %get3A_1 = vector.load %arg10[%get3A, %get3A_0] : memref<1000x128xf32, #tpu.memory_space<vmem>>, vector<1000x128xf32>
    %get3A_2 = arith.constant 0 : index
    %get3A_3 = arith.constant 0 : index
    %get3A_4 = vector.load %arg11[%get3A_2, %get3A_3] : memref<1000x128xf32, #tpu.memory_space<vmem>>, vector<1000x128xf32>
    %add3A = arith.addf %get3A_1, %get3A_4 : vector<1000x128xf32>
    %max3A = arith.constant 1.000000e+00 : f32
    %max3A_5 = vector.broadcast %max3A : f32 to vector<1000x128xf32>
    %max3A_6 = arith.maximumf %add3A, %max3A_5 : vector<1000x128xf32>
    %div3A = arith.constant 1.000000e+00 : f32
    %div3A_7 = vector.broadcast %div3A : f32 to vector<1000x128xf32>
    %div3A_8 = arith.divf %div3A_7, %max3A_6 : vector<1000x128xf32>
    %get3A_9 = arith.constant 0 : index
    %get3A_10 = arith.constant 0 : index
    %get3A_11 = vector.load %arg1[%get3A_9, %get3A_10] : memref<1000x128xf32, #tpu.memory_space<vmem>>, vector<1000x128xf32>
    %get3A_12 = arith.constant 0 : index
    %get3A_13 = arith.constant 0 : index
    %get3A_14 = vector.load %arg2[%get3A_12, %get3A_13] : memref<1000x128xf32, #tpu.memory_space<vmem>>, vector<1000x128xf32>
    %add3A_15 = arith.addf %get3A_11, %get3A_14 : vector<1000x128xf32>
    %get3A_16 = arith.constant 0 : index
    %get3A_17 = arith.constant 0 : index
    %get3A_18 = vector.load %arg3[%get3A_16, %get3A_17] : memref<1000x128xf32, #tpu.memory_space<vmem>>, vector<1000x128xf32>
    %get3A_19 = arith.constant 0 : index
    %get3A_20 = arith.constant 0 : index
    %get3A_21 = vector.load %arg4[%get3A_19, %get3A_20] : memref<1000x128xf32, #tpu.memory_space<vmem>>, vector<1000x128xf32>
    %add3A_22 = arith.addf %get3A_18, %get3A_21 : vector<1000x128xf32>
    %get3A_23 = arith.constant 0 : index
    %get3A_24 = arith.constant 0 : index
    %get3A_25 = vector.load %arg5[%get3A_23, %get3A_24] : memref<1000x128xf32, #tpu.memory_space<vmem>>, vector<1000x128xf32>
    %get3A_26 = arith.constant 0 : index
    %get3A_27 = arith.constant 0 : index
    %get3A_28 = vector.load %arg6[%get3A_26, %get3A_27] : memref<1000x128xf32, #tpu.memory_space<vmem>>, vector<1000x128xf32>
    %add3A_29 = arith.addf %get3A_25, %get3A_28 : vector<1000x128xf32>
    %get3A_30 = arith.constant 0 : index
    %get3A_31 = arith.constant 0 : index
    %get3A_32 = vector.load %arg7[%get3A_30, %get3A_31] : memref<1000x128xf32, #tpu.memory_space<vmem>>, vector<1000x128xf32>
    %get3A_33 = arith.constant 0 : index
    %get3A_34 = arith.constant 0 : index
    %get3A_35 = vector.load %arg8[%get3A_33, %get3A_34] : memref<1000x128xf32, #tpu.memory_space<vmem>>, vector<1000x128xf32>
    %add3A_36 = arith.addf %get3A_32, %get3A_35 : vector<1000x128xf32>
    %concatenate3A = tpu.concatenate %add3A_15, %add3A_22, %add3A_29, %add3A_36 in 1 : vector<1000x128xf32>, vector<1000x128xf32>, vector<1000x128xf32>, vector<1000x128xf32> -> vector<1000x512xf32>
    %get3A_37 = arith.constant 0 : index
    %get3A_38 = arith.constant 0 : index
    %get3A_39 = vector.load %arg13[%get3A_37, %get3A_38] : memref<512x512xf32, #tpu.memory_space<vmem>>, vector<512x512xf32>
    %dot_general3A = arith.constant dense<0.000000e+00> : vector<1000x512xf32>
    %dot_general3A_40 = tpu.matmul %concatenate3A, %get3A_39, %dot_general3A {dimension_numbers = #tpu.dot_dimension_numbers<[1], [0], [0], [1], [0, 0, 1, 1], [], []>, transpose_lhs_hint = false} : vector<1000x512xf32>, vector<512x512xf32>, vector<1000x512xf32> -> vector<1000x512xf32>
    %get3A_41 = arith.constant 0 : index
    %get3A_42 = arith.constant 0 : index
    %get3A_43 = vector.load %arg9[%get3A_41, %get3A_42] : memref<1000x512xf32, #tpu.memory_space<vmem>>, vector<1000x512xf32>
    %get3A_44 = arith.constant 0 : index
    %get3A_45 = arith.constant 0 : index
    %get3A_46 = vector.load %arg14[%get3A_44, %get3A_45] : memref<512x512xf32, #tpu.memory_space<vmem>>, vector<512x512xf32>
    %dot_general3A_47 = arith.constant dense<0.000000e+00> : vector<1000x512xf32>
    %dot_general3A_48 = tpu.matmul %get3A_43, %get3A_46, %dot_general3A_47 {dimension_numbers = #tpu.dot_dimension_numbers<[1], [0], [0], [1], [0, 0, 1, 1], [], []>, transpose_lhs_hint = false} : vector<1000x512xf32>, vector<512x512xf32>, vector<1000x512xf32> -> vector<1000x512xf32>
    %slice3A = vector.extract_strided_slice %dot_general3A_40 {offsets = [0, 0], sizes = [1000, 128], strides = [1, 1]} : vector<1000x512xf32> to vector<1000x128xf32>
    %mul3A = arith.mulf %slice3A, %div3A_8 : vector<1000x128xf32>
    %slice3A_49 = vector.extract_strided_slice %dot_general3A_40 {offsets = [0, 128], sizes = [1000, 128], strides = [1, 1]} : vector<1000x512xf32> to vector<1000x128xf32>
    %mul3A_50 = arith.mulf %slice3A_49, %div3A_8 : vector<1000x128xf32>
    %slice3A_51 = vector.extract_strided_slice %dot_general3A_40 {offsets = [0, 256], sizes = [1000, 128], strides = [1, 1]} : vector<1000x512xf32> to vector<1000x128xf32>
    %mul3A_52 = arith.mulf %slice3A_51, %div3A_8 : vector<1000x128xf32>
    %slice3A_53 = vector.extract_strided_slice %dot_general3A_40 {offsets = [0, 384], sizes = [1000, 128], strides = [1, 1]} : vector<1000x512xf32> to vector<1000x128xf32>
    %mul3A_54 = arith.mulf %slice3A_53, %div3A_8 : vector<1000x128xf32>
    %concatenate3A_55 = tpu.concatenate %mul3A, %mul3A_50, %mul3A_52, %mul3A_54 in 1 : vector<1000x128xf32>, vector<1000x128xf32>, vector<1000x128xf32>, vector<1000x128xf32> -> vector<1000x512xf32>
    %add3A_56 = arith.addf %concatenate3A_55, %dot_general3A_48 : vector<1000x512xf32>
    %get3A_57 = arith.constant 0 : index
    %get3A_58 = arith.constant 0 : index
    %get3A_59 = vector.load %arg15[%get3A_57, %get3A_58] : memref<1x512xf32, #tpu.memory_space<vmem>>, vector<1x512xf32>
    %add3A_60 = vector.broadcast %get3A_59 : vector<1x512xf32> to vector<1000x512xf32>
    %add3A_61 = arith.addf %add3A_56, %add3A_60 : vector<1000x512xf32>
    %get3A_62 = arith.constant 0 : index
    %get3A_63 = arith.constant 0 : index
    %get3A_64 = vector.load %arg16[%get3A_62, %get3A_63] : memref<1x512xf32, #tpu.memory_space<vmem>>, vector<1x512xf32>
    %mul3A_65 = arith.constant 0.999994993 : f32
    %mul3A_66 = vector.broadcast %mul3A_65 : f32 to vector<1x512xf32>
    %mul3A_67 = arith.mulf %get3A_64, %mul3A_66 : vector<1x512xf32>
    %mul3A_68 = vector.broadcast %mul3A_67 : vector<1x512xf32> to vector<1000x512xf32>
    %mul3A_69 = arith.mulf %add3A_61, %mul3A_68 : vector<1000x512xf32>
    %get3A_70 = arith.constant 0 : index
    %get3A_71 = arith.constant 0 : index
    %get3A_72 = vector.load %arg17[%get3A_70, %get3A_71] : memref<1x512xf32, #tpu.memory_space<vmem>>, vector<1x512xf32>
    %add3A_73 = vector.broadcast %get3A_72 : vector<1x512xf32> to vector<1000x512xf32>
    %add3A_74 = arith.addf %mul3A_69, %add3A_73 : vector<1000x512xf32>
    %max3A_75 = arith.constant 0.000000e+00 : f32
    %max3A_76 = vector.broadcast %max3A_75 : f32 to vector<1000x512xf32>
    %max3A_77 = arith.maximumf %add3A_74, %max3A_76 : vector<1000x512xf32>
    %get3A_78 = arith.constant 0 : index
    %get3A_79 = arith.constant 0 : index
    %get3A_80 = arith.constant 0 : index
    %get3A_81 = vector.load %arg12[%get3A_78, %get3A_79, %get3A_80] : memref<1x1x1000xi32, #tpu.memory_space<vmem>>, vector<1x1x1000xi32>
    %get3A_82 = vector.shape_cast %get3A_81 : vector<1x1x1000xi32> to vector<1x1000xi32>
    %iota3A = tpu.iota {dimensions = array<i32: 0>} : vector<64x1000xi32>
    %eq3A = vector.broadcast %get3A_82 : vector<1x1000xi32> to vector<64x1000xi32>
    %eq3A_83 = arith.cmpi eq, %iota3A, %eq3A : vector<64x1000xi32>
    %convert_element_type3A = arith.extui %eq3A_83 : vector<64x1000xi1> to vector<64x1000xi32>
    %convert_element_type3A_84 = arith.sitofp %convert_element_type3A : vector<64x1000xi32> to vector<64x1000xf32>
    %dot_general3A_85 = arith.constant dense<0.000000e+00> : vector<64x512xf32>
    %dot_general3A_86 = tpu.matmul %convert_element_type3A_84, %max3A_77, %dot_general3A_85 {dimension_numbers = #tpu.dot_dimension_numbers<[1], [0], [0], [1], [0, 0, 1, 1], [], []>, transpose_lhs_hint = false} : vector<64x1000xf32>, vector<1000x512xf32>, vector<64x512xf32> -> vector<64x512xf32>
    %reduce_sum3A = arith.constant dense<0.000000e+00> : vector<64xf32>
    %reduce_sum3A_87 = vector.multi_reduction <add>, %convert_element_type3A_84, %reduce_sum3A [1] : vector<64x1000xf32> to vector<64xf32>
    %broadcast_in_dim3A = vector.shape_cast %reduce_sum3A_87 : vector<64xf32> to vector<64x1xf32>
    %eq3A_88 = arith.constant 0 : i32
    %eq3A_89 = arith.cmpi eq, %arg0, %eq3A_88 : i32
    %convert_element_type3A_90 = arith.extui %eq3A_89 : i1 to i32
    %cond3A = arith.constant 0 : i32
    %cond3A_91 = arith.cmpi ne, %convert_element_type3A_90, %cond3A : i32
    scf.if %cond3A_91 {
      %broadcast_in_dim3A_112 = arith.constant 0.000000e+00 : f32
      %broadcast_in_dim3A_113 = vector.broadcast %broadcast_in_dim3A_112 : f32 to vector<64x512xf32>
      %swap3A_114 = arith.constant 0 : index
      %swap3A_115 = arith.constant 0 : index
      %swap3A_116 = vector.load %arg21[%swap3A_114, %swap3A_115] : memref<64x512xf32, #tpu.memory_space<vmem>>, vector<64x512xf32>
      tpu.vector_store %arg21[%swap3A_114, %swap3A_115], %broadcast_in_dim3A_113 {strides = array<i32>} : memref<64x512xf32, #tpu.memory_space<vmem>>, vector<64x512xf32>,
      %broadcast_in_dim3A_117 = arith.constant 0.000000e+00 : f32
      %broadcast_in_dim3A_118 = vector.broadcast %broadcast_in_dim3A_117 : f32 to vector<64x128xf32>
      %swap3A_119 = arith.constant 0 : index
      %swap3A_120 = arith.constant 0 : index
      %swap3A_121 = vector.load %arg22[%swap3A_119, %swap3A_120] : memref<64x128xf32, #tpu.memory_space<vmem>>, vector<64x128xf32>
      tpu.vector_store %arg22[%swap3A_119, %swap3A_120], %broadcast_in_dim3A_118 {strides = array<i32>} : memref<64x128xf32, #tpu.memory_space<vmem>>, vector<64x128xf32>,
    } else {
    }
    %get3A_92 = arith.constant 0 : index
    %get3A_93 = arith.constant 0 : index
    %get3A_94 = vector.load %arg21[%get3A_92, %get3A_93] : memref<64x512xf32, #tpu.memory_space<vmem>>, vector<64x512xf32>
    %add3A_95 = arith.addf %get3A_94, %dot_general3A_86 : vector<64x512xf32>
    %swap3A = arith.constant 0 : index
    %swap3A_96 = arith.constant 0 : index
    %swap3A_97 = vector.load %arg21[%swap3A, %swap3A_96] : memref<64x512xf32, #tpu.memory_space<vmem>>, vector<64x512xf32>
    tpu.vector_store %arg21[%swap3A, %swap3A_96], %add3A_95 {strides = array<i32>} : memref<64x512xf32, #tpu.memory_space<vmem>>, vector<64x512xf32>,
    %get3A_98 = arith.constant 0 : index
    %get3A_99 = arith.constant 0 : index
    %get3A_100 = vector.load %arg22[%get3A_98, %get3A_99] : memref<64x128xf32, #tpu.memory_space<vmem>>, vector<64x128xf32>
    %broadcast_in_dim3A_101 = vector.shape_cast %broadcast_in_dim3A : vector<64x1xf32> to vector<64x1xf32>
    %broadcast_in_dim3A_102 = vector.broadcast %broadcast_in_dim3A_101 : vector<64x1xf32> to vector<64x128xf32>
    %add3A_103 = arith.addf %get3A_100, %broadcast_in_dim3A_102 : vector<64x128xf32>
    %swap3A_104 = arith.constant 0 : index
    %swap3A_105 = arith.constant 0 : index
    %swap3A_106 = vector.load %arg22[%swap3A_104, %swap3A_105] : memref<64x128xf32, #tpu.memory_space<vmem>>, vector<64x128xf32>
    tpu.vector_store %arg22[%swap3A_104, %swap3A_105], %add3A_103 {strides = array<i32>} : memref<64x128xf32, #tpu.memory_space<vmem>>, vector<64x128xf32>,
    %eq3A_107 = arith.constant 9 : i32
    %eq3A_108 = arith.cmpi eq, %arg0, %eq3A_107 : i32
    %convert_element_type3A_109 = arith.extui %eq3A_108 : i1 to i32
    %cond3A_110 = arith.constant 0 : i32
    %cond3A_111 = arith.cmpi ne, %convert_element_type3A_109, %cond3A_110 : i32
    scf.if %cond3A_111 {
      %get3A_112 = arith.constant 0 : index
      %get3A_113 = arith.constant 0 : index
      %get3A_114 = vector.load %arg22[%get3A_112, %get3A_113] : memref<64x128xf32, #tpu.memory_space<vmem>>, vector<64x128xf32>
      %max3A_115 = arith.constant 1.000000e+00 : f32
      %max3A_116 = vector.broadcast %max3A_115 : f32 to vector<64x128xf32>
      %max3A_117 = arith.maximumf %get3A_114, %max3A_116 : vector<64x128xf32>
      %div3A_118 = arith.constant 1.000000e+00 : f32
      %div3A_119 = vector.broadcast %div3A_118 : f32 to vector<64x128xf32>
      %div3A_120 = arith.divf %div3A_119, %max3A_117 : vector<64x128xf32>
      %get3A_121 = arith.constant 0 : index
      %get3A_122 = arith.constant 0 : index
      %get3A_123 = vector.load %arg19[%get3A_121, %get3A_122] : memref<1x128xf32, #tpu.memory_space<vmem>>, vector<1x128xf32>
      %get3A_124 = arith.constant 0 : index
      %get3A_125 = arith.constant 0 : index
      %get3A_126 = vector.load %arg21[%get3A_124, %get3A_125] : memref<64x512xf32, #tpu.memory_space<vmem>>, vector<64x128xf32>
      %mul3A_127 = arith.mulf %get3A_126, %div3A_120 : vector<64x128xf32>
      %get3A_128 = arith.constant 0 : index
      %get3A_129 = arith.constant 0 : index
      %get3A_130 = vector.load %arg18[%get3A_128, %get3A_129] : memref<512x128xf32, #tpu.memory_space<vmem>>, vector<128x128xf32>
      %dot_general3A_131 = arith.constant dense<0.000000e+00> : vector<64x128xf32>
      %dot_general3A_132 = tpu.matmul %mul3A_127, %get3A_130, %dot_general3A_131 {dimension_numbers = #tpu.dot_dimension_numbers<[1], [0], [0], [1], [0, 0, 1, 1], [], []>, transpose_lhs_hint = false} : vector<64x128xf32>, vector<128x128xf32>, vector<64x128xf32> -> vector<64x128xf32>
      %add3A_133 = vector.broadcast %get3A_123 : vector<1x128xf32> to vector<64x128xf32>
      %add3A_134 = arith.addf %add3A_133, %dot_general3A_132 : vector<64x128xf32>
      %get3A_135 = arith.constant 0 : index
      %get3A_136 = arith.constant 128 : index
      %get3A_137 = vector.load %arg21[%get3A_135, %get3A_136] : memref<64x512xf32, #tpu.memory_space<vmem>>, vector<64x128xf32>
      %mul3A_138 = arith.mulf %get3A_137, %div3A_120 : vector<64x128xf32>
      %get3A_139 = arith.constant 128 : index
      %get3A_140 = arith.constant 0 : index
      %get3A_141 = vector.load %arg18[%get3A_139, %get3A_140] : memref<512x128xf32, #tpu.memory_space<vmem>>, vector<128x128xf32>
      %dot_general3A_142 = arith.constant dense<0.000000e+00> : vector<64x128xf32>
      %dot_general3A_143 = tpu.matmul %mul3A_138, %get3A_141, %dot_general3A_142 {dimension_numbers = #tpu.dot_dimension_numbers<[1], [0], [0], [1], [0, 0, 1, 1], [], []>, transpose_lhs_hint = false} : vector<64x128xf32>, vector<128x128xf32>, vector<64x128xf32> -> vector<64x128xf32>
      %add3A_144 = arith.addf %add3A_134, %dot_general3A_143 : vector<64x128xf32>
      %get3A_145 = arith.constant 0 : index
      %get3A_146 = arith.constant 256 : index
      %get3A_147 = vector.load %arg21[%get3A_145, %get3A_146] : memref<64x512xf32, #tpu.memory_space<vmem>>, vector<64x128xf32>
      %mul3A_148 = arith.mulf %get3A_147, %div3A_120 : vector<64x128xf32>
      %get3A_149 = arith.constant 256 : index
      %get3A_150 = arith.constant 0 : index
      %get3A_151 = vector.load %arg18[%get3A_149, %get3A_150] : memref<512x128xf32, #tpu.memory_space<vmem>>, vector<128x128xf32>
      %dot_general3A_152 = arith.constant dense<0.000000e+00> : vector<64x128xf32>
      %dot_general3A_153 = tpu.matmul %mul3A_148, %get3A_151, %dot_general3A_152 {dimension_numbers = #tpu.dot_dimension_numbers<[1], [0], [0], [1], [0, 0, 1, 1], [], []>, transpose_lhs_hint = false} : vector<64x128xf32>, vector<128x128xf32>, vector<64x128xf32> -> vector<64x128xf32>
      %add3A_154 = arith.addf %add3A_144, %dot_general3A_153 : vector<64x128xf32>
      %get3A_155 = arith.constant 0 : index
      %get3A_156 = arith.constant 384 : index
      %get3A_157 = vector.load %arg21[%get3A_155, %get3A_156] : memref<64x512xf32, #tpu.memory_space<vmem>>, vector<64x128xf32>
      %mul3A_158 = arith.mulf %get3A_157, %div3A_120 : vector<64x128xf32>
      %get3A_159 = arith.constant 384 : index
      %get3A_160 = arith.constant 0 : index
      %get3A_161 = vector.load %arg18[%get3A_159, %get3A_160] : memref<512x128xf32, #tpu.memory_space<vmem>>, vector<128x128xf32>
      %dot_general3A_162 = arith.constant dense<0.000000e+00> : vector<64x128xf32>
      %dot_general3A_163 = tpu.matmul %mul3A_158, %get3A_161, %dot_general3A_162 {dimension_numbers = #tpu.dot_dimension_numbers<[1], [0], [0], [1], [0, 0, 1, 1], [], []>, transpose_lhs_hint = false} : vector<64x128xf32>, vector<128x128xf32>, vector<64x128xf32> -> vector<64x128xf32>
      %add3A_164 = arith.addf %add3A_154, %dot_general3A_163 : vector<64x128xf32>
      %swap3A_165 = arith.constant 0 : index
      %swap3A_166 = arith.constant 0 : index
      %swap3A_167 = vector.load %arg20[%swap3A_165, %swap3A_166] : memref<64x128xf32, #tpu.memory_space<vmem>>, vector<64x128xf32>
      tpu.vector_store %arg20[%swap3A_165, %swap3A_166], %add3A_164 {strides = array<i32>} : memref<64x128xf32, #tpu.memory_space<vmem>>, vector<64x128xf32>,
    } else {
    }
    return
  }
  func.func @transform_0(%arg0: i32) -> (i32, i32) {
    %c0_i32 = arith.constant 0 : i32
    %c0_i32_0 = arith.constant 0 : i32
    return %arg0, %c0_i32 : i32, i32
  }
  func.func @transform_1(%arg0: i32) -> (i32, i32) {
    %c0_i32 = arith.constant 0 : i32
    %c0_i32_0 = arith.constant 0 : i32
    return %arg0, %c0_i32 : i32, i32
  }
  func.func @transform_2(%arg0: i32) -> (i32, i32) {
    %c0_i32 = arith.constant 0 : i32
    %c0_i32_0 = arith.constant 0 : i32
    return %arg0, %c0_i32 : i32, i32
  }
  func.func @transform_3(%arg0: i32) -> (i32, i32) {
    %c0_i32 = arith.constant 0 : i32
    %c0_i32_0 = arith.constant 0 : i32
    return %arg0, %c0_i32 : i32, i32
  }
  func.func @transform_4(%arg0: i32) -> (i32, i32) {
    %c0_i32 = arith.constant 0 : i32
    %c0_i32_0 = arith.constant 0 : i32
    return %arg0, %c0_i32 : i32, i32
  }
  func.func @transform_5(%arg0: i32) -> (i32, i32) {
    %c0_i32 = arith.constant 0 : i32
    %c0_i32_0 = arith.constant 0 : i32
    return %arg0, %c0_i32 : i32, i32
  }
  func.func @transform_6(%arg0: i32) -> (i32, i32) {
    %c0_i32 = arith.constant 0 : i32
    %c0_i32_0 = arith.constant 0 : i32
    return %arg0, %c0_i32 : i32, i32
  }
  func.func @transform_7(%arg0: i32) -> (i32, i32) {
    %c0_i32 = arith.constant 0 : i32
    %c0_i32_0 = arith.constant 0 : i32
    return %arg0, %c0_i32 : i32, i32
  }
  func.func @transform_8(%arg0: i32) -> (i32, i32) {
    %c0_i32 = arith.constant 0 : i32
    %c0_i32_0 = arith.constant 0 : i32
    return %arg0, %c0_i32 : i32, i32
  }
  func.func @transform_9(%arg0: i32) -> (i32, i32) {
    %c0_i32 = arith.constant 0 : i32
    %c0_i32_0 = arith.constant 0 : i32
    return %arg0, %c0_i32 : i32, i32
  }
  func.func @transform_10(%arg0: i32) -> (i32, i32) {
    %c0_i32 = arith.constant 0 : i32
    %c0_i32_0 = arith.constant 0 : i32
    return %arg0, %c0_i32 : i32, i32
  }
  func.func @transform_11(%arg0: i32) -> (i32, i32, i32) {
    %c0_i32 = arith.constant 0 : i32
    %c0_i32_0 = arith.constant 0 : i32
    %c0_i32_1 = arith.constant 0 : i32
    return %arg0, %c0_i32, %c0_i32_0 : i32, i32, i32
  }
  func.func @transform_12(%arg0: i32) -> (i32, i32) {
    %c0_i32 = arith.constant 0 : i32
    %c0_i32_0 = arith.constant 0 : i32
    %c0_i32_1 = arith.constant 0 : i32
    return %c0_i32, %c0_i32_0 : i32, i32
  }
  func.func @transform_13(%arg0: i32) -> (i32, i32) {
    %c0_i32 = arith.constant 0 : i32
    %c0_i32_0 = arith.constant 0 : i32
    %c0_i32_1 = arith.constant 0 : i32
    return %c0_i32, %c0_i32_0 : i32, i32
  }
  func.func @transform_14(%arg0: i32) -> (i32, i32) {
    %c0_i32 = arith.constant 0 : i32
    %c0_i32_0 = arith.constant 0 : i32
    %c0_i32_1 = arith.constant 0 : i32
    return %c0_i32, %c0_i32_0 : i32, i32
  }
  func.func @transform_15(%arg0: i32) -> (i32, i32) {
    %c0_i32 = arith.constant 0 : i32
    %c0_i32_0 = arith.constant 0 : i32
    %c0_i32_1 = arith.constant 0 : i32
    return %c0_i32, %c0_i32_0 : i32, i32
  }
  func.func @transform_16(%arg0: i32) -> (i32, i32) {
    %c0_i32 = arith.constant 0 : i32
    %c0_i32_0 = arith.constant 0 : i32
    %c0_i32_1 = arith.constant 0 : i32
    return %c0_i32, %c0_i32_0 : i32, i32
  }
  func.func @transform_17(%arg0: i32) -> (i32, i32) {
    %c0_i32 = arith.constant 0 : i32
    %c0_i32_0 = arith.constant 0 : i32
    %c0_i32_1 = arith.constant 0 : i32
    return %c0_i32, %c0_i32_0 : i32, i32
  }
  func.func @transform_18(%arg0: i32) -> (i32, i32) {
    %c0_i32 = arith.constant 0 : i32
    %c0_i32_0 = arith.constant 0 : i32
    %c0_i32_1 = arith.constant 0 : i32
    return %c0_i32, %c0_i32_0 : i32, i32
  }
  func.func @transform_19(%arg0: i32) -> (i32, i32) {
    %c0_i32 = arith.constant 0 : i32
    %c0_i32_0 = arith.constant 0 : i32
    %c0_i32_1 = arith.constant 0 : i32
    return %c0_i32, %c0_i32_0 : i32, i32
  }
}

</mosaic_0001>

<sc_bundles>
// kernel: kernel.6.cloned.1.call-start
scs
__scs_entry_jumppad:
0x0: {  	(pc) =	sbr.rel $0x88, $3  }
0x1: {  	(tag) =	ssettag $0x0;
	lr =	simm.s32 $0x1  }
0x2: {  	[smem:$0x3F92] =	sst lr;
	_ =	strace $0xD0000000  }
0x3: {  	_ = 	snop  }
0x4: {  	_ = 	snop  }
0x5: {  	_ = 	snop  }
0x6: {  	_ = 	snop  }
0x7: {  	_ = 	snop  }
__scs_overlays_trampoline_lowered:
0x8: {  	[smem:$0x3FA1] =	sst s0  }
0x9: {  	[smem:$0x3FA2] =	sst s1  }
0xa: {  	[smem:$0x3FA3] =	sst s2  }
0xb: {  	[smem:$0x3FA4] =	sst s3  }
0xc: {  	[smem:$0x3FA5] =	sst s4  }
0xd: {  	[smem:$0x3FA6] =	sst s5  }
0xe: {  	[smem:$0x3FA7] =	sst s6  }
0xf: {  	[smem:$0x3FA8] =	sst s7  }
0x10: {  	[smem:$0x3FA9] =	sst s8  }
0x11: {  	[smem:$0x3FAA] =	sst s9;
	s0 =	simm.s32 @!p0 $0x0  }
0x12: {  	s1 =	sld [smem:$0x3F90];
	s0 =	simm.s32 @p0 $0x1  }
0x13: {  	[smem:$0x3FAB] =	sst s0;
	s0 =	simm.s32 @!p1 $0x0  }
0x14: {  	s2 =	sld [smem:$0x3F8F];
	s0 =	simm.s32 @p1 $0x1  }
0x15: {  	[smem:$0x3FAC] =	sst s0;
	s0 =	simm.s32 @!p2 $0x0  }
0x16: {  	s3 =	sld [smem:$0x3FDB];
	s0 =	simm.s32 @p2 $0x1  }
0x17: {  	s4 =	simm.s32 $0x1BF5;
	[smem:$0x3FAE] =	sst s0  }
0x18: {  	s0 =	sld [smem:$0x3F91];
	_ =	swait.ge [sflag:s4], $0x0  }
0x19: {  	s7 =	sld [smem:$0x3F92]  }
0x1a: {  	s8 =	sadd.s32 $0xFFFFE003, lr  }
0x1b: {  	s9 =	sadd.s32 $0xFFFFFEF7, lr;
	s5 =	simm.s32 $0xFFFFFFFF;
	p2 =	slt.u32 s8, $0xFFFFF086  }
0x1c: {  	p1 =	slt.u32 s9, $0xF7A;
	s5 =	simm.s32 @!p2 $0x0  }
0x1d: {  	s5 =	simm.s32 @p1 $0x1;
	p0 =	seq.s32 s7, s2  }
0x1e: {  	s7 =	smul.u32 @!p0 $0xF7A, s2;
	p2 =	seq.s32 @!p0 s5, $0x0  }
0x1f: {  	s9 =	smul.u32 $0xF7A, s1;
	s8 =	simm.s32 @!p0 $0x1BF5;
	p2 =	por !p2, p0  }
0x20: {  	[sflag:s8] =	ssyncset.s32 @!p0 $0xFFFFF086;
	s6 =	sadd.s32 @!p0 s3, s7;
	s7 =	simm.s32 @!p0 $0x108  }
0x21: {  	s3 =	sadd.s32 s3, s9;
	s6 =	sadd.s32 @!p0 $0x88, s6;
	s7 =	simm.s32 @p2 $0x1082  }
0x22: {  	[simem:s7], [sflag:s8] =	dma.local @!p0 [hbm:s6], $0xF7A  }
0x23: {  	s9 =	sor.u32 $0xD0000000, s2;
	s6 =	simm.s32 $0x108;
	_ =	swait.ge @!p0 [sflag:s8], $0x0  }
0x24: {  	s3 =	sadd.s32 $0x88, s3;
	s6 =	simm.s32 @!p1 $0x1082;
	[sflag:s4] =	ssyncset.s32 $0xFFFFF086  }
0x25: {  	[simem:s6], [sflag:s4] =	dma.local [hbm:s3], $0xF7A  }
0x26: {  	[smem:$0x3F92] =	sst s1;
	(tag) =	ssettag s2;
	_ =	strace s9  }
0x27: {  	s1 =	sld [smem:$0x3FA2]  }
0x28: {  	s2 =	sld [smem:$0x3FA3]  }
0x29: {  	s4 =	sld [smem:$0x3FA5]  }
0x2a: {  	p0 =	seq.s32 s5, $0x0;
	s5 =	sld [smem:$0x3FA6]  }
0x2b: {  	s6 =	sld [smem:$0x3FA7]  }
0x2c: {  	s7 =	sld [smem:$0x3FA8]  }
0x2d: {  	s3 =	simm.s32 $0x108;
	s8 =	sld [smem:$0x3FA9]  }
0x2e: {  	s3 =	simm.s32 @!p0 $0x1082;
	s9 =	sld [smem:$0x3FAA]  }
0x2f: {  	lr =	sadd.s32 s0, s3;
	s0 =	sld [smem:$0x3FA1]  }
0x30: {  	s3 =	sld [smem:$0x3FA4]  }
0x31: {  	[smem:$0x3FAD] =	sst s10  }
0x32: {  	s10 =	sld [smem:$0x3FAB];
	_ =	sdelay $0x3  }
0x33: {  	p0 =	seq.s32 s10, $0x1;
	s10 =	sld [smem:$0x3FAD];
	_ =	sdelay $0x3  }
0x34: {  	[smem:$0x3FAD] =	sst s10  }
0x35: {  	s10 =	sld [smem:$0x3FAC];
	_ =	sdelay $0x3  }
0x36: {  	p1 =	seq.s32 s10, $0x1;
	s10 =	sld [smem:$0x3FAD];
	_ =	sdelay $0x3  }
0x37: {  	[smem:$0x3FAD] =	sst s10  }
0x38: {  	s10 =	sld [smem:$0x3FAE]  }
0x39: {  	_ = 	snop;
	(pc) =	sbr.ind lr, $3  }
0x3a: {  	_ = 	snop  }
0x3b: {  	_ = 	snop  }
0x3c: {  	p2 =	seq.s32 s10, $0x1;
	s10 =	sld [smem:$0x3FAD]  }
0x3d: {  	_ =	shalt  }
0x3e: {  	_ =	shalt  }
0x3f: {  	_ =	shalt  }
0x40: {  	_ =	shalt  }
0x41: {  	_ =	shalt  }
0x42: {  	_ =	shalt  }
0x43: {  	_ =	shalt  }
0x44: {  	_ =	shalt  }
0x45: {  	_ =	shalt  }
0x46: {  	_ =	shalt  }
0x47: {  	_ =	shalt  }
0x48: {  	_ =	shalt  }
0x49: {  	_ =	shalt  }
0x4a: {  	_ =	shalt  }
0x4b: {  	_ =	shalt  }
0x4c: {  	_ =	shalt  }
0x4d: {  	_ =	shalt  }
0x4e: {  	_ =	shalt  }
0x4f: {  	_ =	shalt  }
0x50: {  	_ =	shalt  }
0x51: {  	_ =	shalt  }
0x52: {  	_ =	shalt  }
0x53: {  	_ =	shalt  }
0x54: {  	_ =	shalt  }
0x55: {  	_ =	shalt  }
0x56: {  	_ =	shalt  }
0x57: {  	_ =	shalt  }
0x58: {  	_ =	shalt  }
0x59: {  	_ =	shalt  }
0x5a: {  	_ =	shalt  }
0x5b: {  	_ =	shalt  }
0x5c: {  	_ =	shalt  }
0x5d: {  	_ =	shalt  }
0x5e: {  	_ =	shalt  }
0x5f: {  	_ =	shalt  }
0x60: {  	_ =	shalt  }
0x61: {  	_ =	shalt  }
0x62: {  	_ =	shalt  }
0x63: {  	_ =	shalt  }
0x64: {  	_ =	shalt  }
0x65: {  	_ =	shalt  }
0x66: {  	_ =	shalt  }
0x67: {  	_ =	shalt  }
0x68: {  	_ =	shalt  }
0x69: {  	_ =	shalt  }
0x6a: {  	_ =	shalt  }
0x6b: {  	_ =	shalt  }
0x6c: {  	_ =	shalt  }
0x6d: {  	_ =	shalt  }
0x6e: {  	_ =	shalt  }
0x6f: {  	_ =	shalt  }
0x70: {  	_ =	shalt  }
0x71: {  	_ =	shalt  }
0x72: {  	_ =	shalt  }
0x73: {  	_ =	shalt  }
0x74: {  	_ =	shalt  }
0x75: {  	_ =	shalt  }
0x76: {  	_ =	shalt  }
0x77: {  	_ =	shalt  }
0x78: {  	_ =	shalt  }
0x79: {  	_ =	shalt  }
0x7a: {  	_ =	shalt  }
0x7b: {  	_ =	shalt  }
0x7c: {  	_ =	shalt  }
0x7d: {  	_ =	shalt  }
0x7e: {  	_ =	shalt  }
0x7f: {  	_ =	shalt  }
0x80: {  	_ =	shalt  }
0x81: {  	_ =	shalt  }
0x82: {  	_ =	shalt  }
0x83: {  	_ =	shalt  }
0x84: {  	_ =	shalt  }
0x85: {  	_ =	shalt  }
0x86: {  	_ =	shalt  }
0x87: {  	_ =	shalt  }
.Lfunc_end0:
.L_simem_size_0:
called_computation_lowered:
.L_overlay_start_0:
0x88: {  	s2 =	sld [smem:$0x3FD9]  }
0x89: {  	s3 =	sld [smem:$0x3FFE];
	_ =	sdelay $0x1  }
0x8a: {  	s1 =	srdreg.scid  }
0x8b: {  	s0 =	sand.u32 $0x1, s1  }
0x8c: {  	s16 =	sshll.u32 s0, $0xA;
	s2 =	sadd.s32 s3, s2  }
0x8d: {  	s2 =	sadd.s32 s2, s16  }
0x8e: {  	[smem:$0x3FB9] =	sst s2  }
0x8f: {  	_ = 	snop  }
0x90: {  	(tm) =	ssettm $0x1  }
0x91: {  	s17 =	sld [smem:$0x3FFB];
	_ =	sdelay $0x3  }
0x92: {  	_ =	strace s17  }
0x93: {  	s2 =	sld [smem:$0x3FFC];
	_ =	sdelay $0x3  }
0x94: {  	_ =	strace s2  }
0x95: {  	s2 =	sld [smem:$0x3FFD];
	_ =	sdelay $0x3  }
0x96: {  	_ =	strace s2  }
0x97: {  	_ =	strace $0x8FFFFFFF  }
0x98: {  	s18 =	sld [smem:$0x3FDB];
	_ =	sdelay $0x1  }
0x99: {  	s19 =	simm.s32 $_scs_section_size  }
0x9a: {  	s4 =	simm.s32 $_size__tile_overlayer_lowered;
	s5 =	simm.s32 $_tile_overlayer_lowered  }
0x9b: {  	s22 =	simm.s32 $0x1BFF;
	s21 =	sshll.u32 s5, $0x1;
	s2 =	sadd.s32 s19, s18  }
0x9c: {  	s6 =	simm.s32 $0x0;
	s20 =	sshll.u32 s4, $0x1;
	s4 =	sadd.s32 s21, s2  }
0x9d: {  	[timem:s6], [sflag:s22] =	dma.local [hbm:s4], s20  }
0x9e: {  	_ =	swait.ge [sflag:s22], s20  }
0x9f: {  	s3 =	ssub.s32 $0x0, s20;
	[sflag:s22] =	ssyncset.done $0x0  }
0xa0: {  	[sflag:s22] =	ssyncadd.s32 s3;
	_ =	sdelay $0x1  }
0xa1: {  	s23 =	simm.s32 $0x1B8B  }
0xa2: {  	_ =	swait.ge [sflag:s23], $0x1  }
0xa3: {  	[sflag:s23] =	ssyncset.done $0x0  }
0xa4: {  	s25 =	simm.s32 $0x1B8E;
	s24 =	sld [smem:$0x3FFE];
	[sflag:s23] =	ssyncadd.s32 $0xFFFFFFFF  }
0xa5: {  	s26 =	simm.s32 $execute0_lowered;
	[smem:$0x3FD2] =	sst s25  }
0xa6: {  	s4 =	sshll.u32 s26, $0x1;
	_ =	strace $0x80000046;
	[dreg:$0x1] =	wrdreg $0xFFFFFFFF  }
0xa7: {  	s28 =	simm.s32 $_size_execute0_lowered;
	s2 =	sadd.s32 s2, s4;
	[dreg:$0x0] =	wrdreg $0x0  }
0xa8: {  	s4 =	sshll.u32 s28, $0x1;
	[dreg:$0x2] =	wrdreg s2  }
0xa9: {  	[dreg:$0x3] =	wrdreg s4  }
0xaa: {  	[dreg:$0x4] =	wrdreg $0xC0  }
0xab: {  	_ =	task [dreg:s6], $0x5FFFF  }
0xac: {  	[dreg:$0x1] =	wrdreg $0xFFFFFFFF  }
0xad: {  	[dreg:$0x0] =	wrdreg $0x60  }
0xae: {  	[dreg:$0x2] =	wrdreg s24  }
0xaf: {  	[dreg:$0x3] =	wrdreg $0xA8000  }
0xb0: {  	[dreg:$0x4] =	wrdreg $0x9  }
0xb1: {  	_ =	task.clear_ibuf [dreg:s6], $0x5FFFF;
	_ =	strace $0x90000046  }
0xb2: {  	s29 =	simm.s32 $0x9;
	_ =	strace $0x80000048  }
0xb3: {  	_ =	swait.ge [sflag:s29], $0x1  }
0xb4: {  	[sflag:s29] =	ssyncadd.s32 $0xFFFFFFFF  }
0xb5: {  	_ =	strace $0x90000048  }
0xb6: {  	_ =	sfence  }
0xb7: {  	s30 =	sld [smem:$0x0];
	_ =	sdelay $0x2  }
0xb8: {  	s31 =	sshll.u32 s1, $0xD;
	s1 =	sshrl.u32 s1, $0x2  }
0xb9: {  	s3 =	sand.u32 $0x4000, s31;
	s1 =	sadd.s32 s1, s30  }
0xba: {  	s0 =	sor.u32 s3, s0;
	s1 =	sshll.u32 s1, $0x11  }
0xbb: {  	s0 =	sor.u32 s1, s0  }
0xbc: {  	s0 =	sadd.s32 $0x8F2B, s0  }
0xbd: {  	[sflag:s0] =	ssyncadd.remote.s32 $0x1  }
0xbe: {  	_ =	sfence.sel $0xFFFF  }
0xbf: {  	[dreg:$0x0] =	wrdreg $0xFFFFFFFF;
	(pc) =	sbr.abs _section_cstart, $3  }
0xc0: {  	[dreg:$0x1] =	wrdreg $0xFFFFFFFF  }
0xc1: {  	_ =	task.clear_ibuf [dreg:s6], $0x2FFFF;
	_ =	strace $0x9FFFFFFF  }
0xc2: {  	(tm) =	ssettm $0x7FFFFFFF  }
0xc3: {  	_ =	shalt  }
tec
execute0_lowered:
.L_overlay_start_1:
0x0: {  	(tag) =	ssettag $0x1  }
0x1: {  	s1 =	rddreg [dreg:$0x0]  }
0x2: {  	s0 =	srdreg.scid;
	s2 =	rddreg [dreg:$0x1]  }
0x3: {  	s13 =	stileid.u32;
	s3 =	simm.s32 $0x0;
	s28 =	simm.s32 $0x80  }
0x4: {  	s29 =	simm.s32 $0x2800;
	s30 =	simm.s32 $0x6800;
	s31 =	simm.s32 $0x1  }
0x5: {  	s0 =	sand.u32 $0x1, s0;
	[smem:$0x7FF] =	sst s3;
	s11 =	sadd.s32 $0x5E400, s1  }
0x6: {  	s18 =	sadd.s32 $0xAB600, s1;
	_ =	strace $0x80000047;
	[dreg:$0x3] =	wrdreg s11  }
0x7: {  	s5 =	sadd.s32 $0x3800, s1;
	s20 =	sadd.s32 $0x84400, s1;
	[dreg:$0x7] =	wrdreg s18  }
0x8: {  	s8 =	smul.u32 $0x2800, s13;
	s22 =	sadd.s32 $0xF9A00, s1;
	[dreg:$0x9] =	wrdreg s20  }
0x9: {  	s10 =	smul.u32 $0x50000, s13;
	s24 =	sadd.s32 $0xD2800, s1;
	[dreg:$0xb] =	wrdreg s22  }
0xa: {  	s12 =	sadd.s32 $0x12C000, s2;
	s26 =	sadd.s32 $0x147E00, s1;
	[dreg:$0xd] =	wrdreg s24  }
0xb: {  	s4 =	sshll.u32 s0, $0x4;
	s9 =	ssub.s32 $0x2, s0;
	[dreg:$0xf] =	wrdreg s26  }
0xc: {  	p3 =	sne.s32 s0, $0x0;
	s26 =	simm.s32 $0x1400;
	s0 =	simm.s32 $0x3  }
0xd: {  	s11 =	simm.s32 $0x0;
	s4 =	sor.u32 s13, s4;
	s8 =	sadd.s32 s8, s1  }
0xe: {  	s15 =	sshrl.u32 s9, $0x1;
	s10 =	sshrl.u32 s10, $0x2;
	p1 =	seq.s32 @p3 s13, $0xF  }
0xf: {  	p4 =	seq.s32 @!p3 s13, $0xF;
	s6 =	smul.u32 $0x280, s4;
	s4 =	sadd.s32 $0x2AA00, s1  }
0x10: {  	s9 =	ssub.s32 s9, s15;
	s10 =	sadd.s32 s10, s2;
	s17 =	sadd.s32 $0x85E00, s8  }
0x11: {  	s19 =	sadd.s32 $0x5EC00, s8;
	s21 =	sadd.s32 $0xD4200, s8;
	[dreg:$0x6] =	wrdreg s17  }
0x12: {  	s23 =	sadd.s32 $0xAD000, s8;
	s25 =	sadd.s32 $0x122600, s8;
	[dreg:$0x8] =	wrdreg s19  }
0x13: {  	s22 =	sadd.s32 $0xFB400, s8;
	p0 =	por !p1, !p3;
	[dreg:$0xa] =	wrdreg s21  }
0x14: {  	p1 =	por p1, !p3;
	p2 =	por !p4, p3;
	[dreg:$0xc] =	wrdreg s23  }
0x15: {  	p3 =	por p4, p3;
	s8 =	simm.s32 $0x2700;
	[dreg:$0xe] =	wrdreg s25  }
0x16: {  	s23 =	sadd.s32 $0x120C00, s1;
	s24 =	smax.u32 s9, $0x1;
	s7 =	sadd.s32 s6, s1  }
0x17: {  	s25 =	simm.s32 $0x5;
	s9 =	simm.s32 $0x2780;
	s16 =	sadd.s32 $0x56C00, s7  }
0x18: {  	s6 =	sadd.s32 $0x5BC00, s1;
	s7 =	sadd.s32 $0x51C00, s7;
	[dreg:$0x4] =	wrdreg s16  }
0x19: {  	s1 =	simm.s32 $0x2;
	[dreg:$0x5] =	wrdreg s7;
	s7 =	simm.s32 $0x4  }
.LBB2_1:
0x1a: {  	s13 =	rddreg [dreg:$0x4]  }
0x1b: {  	[tilespmem:s3], [sflag:$0x5] =	stream.linear.gather [hbm4b:s13+s3], $0x1400, $0x38;
	[tilespmem:$0x1E800] =	vst v63  }
0x1c: {  	_ =	swait.ge [sflag:s25], $0x1400  }
0x1d: {  	[sflag:s25] =	ssyncset.done $0x0  }
0x1e: {  	s18 =	rddreg [dreg:$0x5];
	[sflag:s25] =	ssyncadd.s32 $0xFFFFEC00  }
0x1f: {  	[tilespmem:s26], [sflag:$0x5] =	stream.linear.gather [hbm4b:s18+s3], $0x1400, $0x38;
	[tilespmem:$0x1E800] =	vst v63  }
0x20: {  	s19 =	stileid.u32;
	_ =	swait.ge [sflag:s25], $0x1400  }
0x21: {  	s13 =	sshll.u32 s19, $0x6;
	[sflag:s25] =	ssyncset.done $0x0  }
0x22: {  	s14 =	sshrl.u32 s10, $0x3;
	s13 =	sor.u32 $0x1C05, s13;
	[sflag:s25] =	ssyncadd.s32 $0xFFFFEC00  }
0x23: {  	[spmem:s14], [sflag:s13] =	dma.local [hbm:s6], $0x2800  }
0x24: {  	_ =	swait.ge [sflag:s25], $0x2800  }
0x25: {  	[sflag:s25] =	ssyncset.done $0x0  }
0x26: {  	[sflag:s25] =	ssyncadd.s32 $0xFFFFD800  }
0x27: {  	[bflag:$0x0] =	sbarrier.arrive $0xFFFF  }
0x28: {  	[tilespmem:s29], [sflag:$0x1] =	stream.indirect.gather [hbm4b:s4+s28], $0x80, s3, s28, $0xb8;
	[tilespmem:$0x1E800] =	vst v63  }
0x29: {  	_ = 	snop  }
0x2a: {  	[tilespmem:s30], [sflag:$0x2] =	stream.indirect.gather [hbm4b:s4+s28], $0x80, s28, s28, $0xb8;
	[tilespmem:$0x1E800] =	vst v63  }
0x2b: {  	_ =	swait.ge [sflag:s31], $0x4000  }
0x2c: {  	[sflag:s31] =	ssyncset.done $0x0  }
0x2d: {  	s15 =	simm.s32 $0x1400;
	[sflag:s31] =	ssyncadd.s32 $0xFFFFC000  }
0x2e: {  	[spmem:s2] =	stream.indirect.scatter.add.f32 [tilespmem:s29], [sflag:$0x3], $0x80, s15, s28, $0xb8;
	[tilespmem:$0x1E800] =	vst v63  }
0x2f: {  	_ =	swait.ge [sflag:s0], $0x4000  }
0x30: {  	[sflag:s0] =	ssyncset.done $0x0  }
0x31: {  	s20 =	simm.s32 $0x100;
	[sflag:s0] =	ssyncadd.s32 $0xFFFFC000  }
0x32: {  	[tilespmem:s29], [sflag:$0x1] =	stream.indirect.gather [hbm4b:s4+s28], $0x80, s20, s28, $0xb8;
	[tilespmem:$0x1E800] =	vst v63  }
0x33: {  	_ =	swait.ge [sflag:s1], $0x4000  }
0x34: {  	[sflag:s1] =	ssyncset.done $0x0  }
0x35: {  	s21 =	simm.s32 $0x1480;
	[sflag:s1] =	ssyncadd.s32 $0xFFFFC000  }
0x36: {  	[spmem:s2] =	stream.indirect.scatter.add.f32 [tilespmem:s30], [sflag:$0x4], $0x80, s21, s28, $0xb8;
	[tilespmem:$0x1E800] =	vst v63  }
0x37: {  	_ =	swait.ge [sflag:s7], $0x4000  }
0x38: {  	[sflag:s7] =	ssyncset.done $0x0  }
0x39: {  	s16 =	simm.s32 $0x180;
	s15 =	simm.s32 $0x400;
	[sflag:s7] =	ssyncadd.s32 $0xFFFFC000  }
.LBB2_2:
0x3a: {  	[tilespmem:s30], [sflag:$0x2] =	stream.indirect.gather [hbm4b:s4+s28], $0x80, s16, s28, $0xb8;
	[tilespmem:$0x1E800] =	vst v63  }
0x3b: {  	s16 =	smov.u32 s15  }
0x3c: {  	p4 =	sne.s32 s15, $0x4800;
	s15 =	sadd.s32 $0x400, s15;
	_ =	swait.ge [sflag:s31], $0x4000  }
0x3d: {  	s16 =	sshra.s32 s16, $0x2;
	[sflag:s31] =	ssyncset.done $0x0  }
0x3e: {  	s17 =	sadd.s32 $0x1400, s16;
	[sflag:s31] =	ssyncadd.s32 $0xFFFFC000  }
0x3f: {  	[spmem:s2] =	stream.indirect.scatter.add.f32 [tilespmem:s29], [sflag:$0x3], $0x80, s17, s28, $0xb8;
	[tilespmem:$0x1E800] =	vst v63  }
0x40: {  	_ =	swait.ge [sflag:s0], $0x4000  }
0x41: {  	[sflag:s0] =	ssyncset.done $0x0  }
0x42: {  	s17 =	sadd.s32 $0x100, s16;
	[sflag:s0] =	ssyncadd.s32 $0xFFFFC000  }
0x43: {  	[tilespmem:s29], [sflag:$0x1] =	stream.indirect.gather [hbm4b:s4+s28], $0x80, s17, s28, $0xb8;
	[tilespmem:$0x1E800] =	vst v63  }
0x44: {  	_ =	swait.ge [sflag:s1], $0x4000  }
0x45: {  	[sflag:s1] =	ssyncset.done $0x0  }
.Ltmp0:
0x46: {  	s17 =	sadd.s32 $0x1480, s16;
	[sflag:s1] =	ssyncadd.s32 $0xFFFFC000;
	(pc) =	sbr.rel @p4 .LBB2_2-.Ltmp0, $4  }
0x47: {  	[spmem:s2] =	stream.indirect.scatter.add.f32 [tilespmem:s30], [sflag:$0x4], $0x80, s17, s28, $0xb8;
	[tilespmem:$0x1E800] =	vst v63  }
0x48: {  	_ =	swait.ge [sflag:s7], $0x4000  }
0x49: {  	[sflag:s7] =	ssyncset.done $0x0  }
0x4a: {  	s16 =	sadd.s32 $0x180, s16;
	[sflag:s7] =	ssyncadd.s32 $0xFFFFC000  }
0x4b: {  	[tilespmem:s30], [sflag:$0x2] =	stream.indirect.gather [hbm4b:s4+s28], $0x80, s16, s28, $0xb8;
	[tilespmem:$0x1E800] =	vst v63  }
0x4c: {  	_ =	swait.ge [sflag:s31], $0x4000  }
0x4d: {  	[sflag:s31] =	ssyncset.done $0x0  }
0x4e: {  	[sflag:s31] =	ssyncadd.s32 $0xFFFFC000  }
0x4f: {  	[spmem:s2] =	stream.indirect.scatter.add.f32 [tilespmem:s29], [sflag:$0x3], $0x80, s8, s28, $0xb8;
	[tilespmem:$0x1E800] =	vst v63  }
0x50: {  	_ =	swait.ge [sflag:s0], $0x4000  }
0x51: {  	[sflag:s0] =	ssyncset.done $0x0  }
0x52: {  	[sflag:s0] =	ssyncadd.s32 $0xFFFFC000  }
0x53: {  	_ =	swait.ge [sflag:s1], $0x4000  }
0x54: {  	[sflag:s1] =	ssyncset.done $0x0  }
0x55: {  	[sflag:s1] =	ssyncadd.s32 $0xFFFFC000  }
0x56: {  	[spmem:s2] =	stream.indirect.scatter.add.f32 [tilespmem:s30], [sflag:$0x4], $0x80, s9, s28, $0xb8;
	[tilespmem:$0x1E800] =	vst v63  }
0x57: {  	_ =	swait.ge [sflag:s7], $0x4000  }
0x58: {  	[sflag:s7] =	ssyncset.done $0x0  }
0x59: {  	[sflag:s7] =	ssyncadd.s32 $0xFFFFC000  }
0x5a: {  	[bflag:$0x0] =	sbarrier.arrive $0xFFFF  }
0x5b: {  	s15 =	sshrl.u32 @!p0 s12, $0x3;
	s16 =	rddreg [dreg:$0x7]  }
0x5c: {  	[hbm:s16], [sflag:s13] =	dma.local @!p0 [spmem:s15], $0x1900  }
0x5d: {  	s16 =	simm.s32 @!p0 $0x5  }
0x5e: {  	_ =	swait.ge @!p0 [sflag:s16], $0x1900  }
0x5f: {  	[sflag:s16] =	ssyncset.done @!p0 $0x0  }
0x60: {  	s17 =	rddreg [dreg:$0x6];
	[sflag:s16] =	ssyncadd.s32 @!p0 $0xFFFFE700;
	s16 =	sshrl.u32 @!p1 s10, $0x3  }
0x61: {  	[hbm:s17], [sflag:s13] =	dma.local @!p1 [spmem:s16], $0x2800  }
0x62: {  	s17 =	simm.s32 @!p1 $0x5  }
0x63: {  	_ =	swait.ge @!p1 [sflag:s17], $0x2800  }
0x64: {  	[sflag:s17] =	ssyncset.done @!p1 $0x0  }
0x65: {  	s18 =	rddreg [dreg:$0x9];
	[sflag:s17] =	ssyncadd.s32 @!p1 $0xFFFFD800;
	s17 =	sshrl.u32 @!p2 s12, $0x3  }
0x66: {  	[hbm:s18], [sflag:s13] =	dma.local @!p2 [spmem:s17], $0x1900  }
0x67: {  	s18 =	simm.s32 @!p2 $0x5  }
0x68: {  	_ =	swait.ge @!p2 [sflag:s18], $0x1900  }
0x69: {  	[sflag:s18] =	ssyncset.done @!p2 $0x0  }
0x6a: {  	s19 =	rddreg [dreg:$0x8];
	[sflag:s18] =	ssyncadd.s32 @!p2 $0xFFFFE700;
	s18 =	sshrl.u32 @!p3 s10, $0x3  }
0x6b: {  	[hbm:s19], [sflag:s13] =	dma.local @!p3 [spmem:s18], $0x2800  }
0x6c: {  	s19 =	simm.s32 @!p3 $0x5  }
0x6d: {  	_ =	swait.ge @!p3 [sflag:s19], $0x2800  }
0x6e: {  	[sflag:s19] =	ssyncset.done @!p3 $0x0  }
0x6f: {  	[sflag:s19] =	ssyncadd.s32 @!p3 $0xFFFFD800  }
0x70: {  	[bflag:$0x0] =	sbarrier.arrive $0xFFFF  }
0x71: {  	[spmem:s14], [sflag:s13] =	dma.local [hbm:s6], $0x2800  }
0x72: {  	_ =	swait.ge [sflag:s25], $0x2800  }
0x73: {  	[sflag:s25] =	ssyncset.done $0x0  }
0x74: {  	[sflag:s25] =	ssyncadd.s32 $0xFFFFD800  }
0x75: {  	s20 =	simm.s32 $0x0;
	[bflag:$0x0] =	sbarrier.arrive $0xFFFF  }
0x76: {  	[tilespmem:s29], [sflag:$0x1] =	stream.indirect.gather [hbm4b:s5+s28], $0x80, s20, s28, $0xb8;
	[tilespmem:$0x1E800] =	vst v63  }
0x77: {  	_ = 	snop  }
0x78: {  	[tilespmem:s30], [sflag:$0x2] =	stream.indirect.gather [hbm4b:s5+s28], $0x80, s28, s28, $0xb8;
	[tilespmem:$0x1E800] =	vst v63  }
0x79: {  	_ =	swait.ge [sflag:s31], $0x4000  }
0x7a: {  	[sflag:s31] =	ssyncset.done $0x0  }
0x7b: {  	s21 =	simm.s32 $0x1400;
	[sflag:s31] =	ssyncadd.s32 $0xFFFFC000  }
0x7c: {  	[spmem:s2] =	stream.indirect.scatter.add.f32 [tilespmem:s29], [sflag:$0x3], $0x80, s21, s28, $0xb8;
	[tilespmem:$0x1E800] =	vst v63  }
0x7d: {  	_ =	swait.ge [sflag:s0], $0x4000  }
0x7e: {  	[sflag:s0] =	ssyncset.done $0x0  }
0x7f: {  	s20 =	simm.s32 $0x100;
	[sflag:s0] =	ssyncadd.s32 $0xFFFFC000  }
0x80: {  	[tilespmem:s29], [sflag:$0x1] =	stream.indirect.gather [hbm4b:s5+s28], $0x80, s20, s28, $0xb8;
	[tilespmem:$0x1E800] =	vst v63  }
0x81: {  	_ =	swait.ge [sflag:s1], $0x4000  }
0x82: {  	[sflag:s1] =	ssyncset.done $0x0  }
0x83: {  	s21 =	simm.s32 $0x1480;
	[sflag:s1] =	ssyncadd.s32 $0xFFFFC000  }
0x84: {  	[spmem:s2] =	stream.indirect.scatter.add.f32 [tilespmem:s30], [sflag:$0x4], $0x80, s21, s28, $0xb8;
	[tilespmem:$0x1E800] =	vst v63  }
0x85: {  	_ =	swait.ge [sflag:s7], $0x4000  }
0x86: {  	[sflag:s7] =	ssyncset.done $0x0  }
0x87: {  	s19 =	simm.s32 $0x400;
	s20 =	simm.s32 $0x180;
	[sflag:s7] =	ssyncadd.s32 $0xFFFFC000  }
.LBB2_4:
0x88: {  	[tilespmem:s30], [sflag:$0x2] =	stream.indirect.gather [hbm4b:s5+s28], $0x80, s20, s28, $0xb8;
	[tilespmem:$0x1E800] =	vst v63  }
0x89: {  	s20 =	smov.u32 s19  }
0x8a: {  	p4 =	sne.s32 s19, $0x4800;
	s19 =	sadd.s32 $0x400, s19;
	_ =	swait.ge [sflag:s31], $0x4000  }
0x8b: {  	s20 =	sshra.s32 s20, $0x2;
	[sflag:s31] =	ssyncset.done $0x0  }
0x8c: {  	s21 =	sadd.s32 $0x1400, s20;
	[sflag:s31] =	ssyncadd.s32 $0xFFFFC000  }
0x8d: {  	[spmem:s2] =	stream.indirect.scatter.add.f32 [tilespmem:s29], [sflag:$0x3], $0x80, s21, s28, $0xb8;
	[tilespmem:$0x1E800] =	vst v63  }
0x8e: {  	_ =	swait.ge [sflag:s0], $0x4000  }
0x8f: {  	[sflag:s0] =	ssyncset.done $0x0  }
0x90: {  	s21 =	sadd.s32 $0x100, s20;
	[sflag:s0] =	ssyncadd.s32 $0xFFFFC000  }
0x91: {  	[tilespmem:s29], [sflag:$0x1] =	stream.indirect.gather [hbm4b:s5+s28], $0x80, s21, s28, $0xb8;
	[tilespmem:$0x1E800] =	vst v63  }
0x92: {  	_ =	swait.ge [sflag:s1], $0x4000  }
0x93: {  	[sflag:s1] =	ssyncset.done $0x0  }
.Ltmp1:
0x94: {  	s21 =	sadd.s32 $0x1480, s20;
	[sflag:s1] =	ssyncadd.s32 $0xFFFFC000;
	(pc) =	sbr.rel @p4 .LBB2_4-.Ltmp1, $4  }
0x95: {  	[spmem:s2] =	stream.indirect.scatter.add.f32 [tilespmem:s30], [sflag:$0x4], $0x80, s21, s28, $0xb8;
	[tilespmem:$0x1E800] =	vst v63  }
0x96: {  	_ =	swait.ge [sflag:s7], $0x4000  }
0x97: {  	[sflag:s7] =	ssyncset.done $0x0  }
0x98: {  	s20 =	sadd.s32 $0x180, s20;
	[sflag:s7] =	ssyncadd.s32 $0xFFFFC000  }
0x99: {  	[tilespmem:s30], [sflag:$0x2] =	stream.indirect.gather [hbm4b:s5+s28], $0x80, s20, s28, $0xb8;
	[tilespmem:$0x1E800] =	vst v63  }
0x9a: {  	_ =	swait.ge [sflag:s31], $0x4000  }
0x9b: {  	[sflag:s31] =	ssyncset.done $0x0  }
0x9c: {  	[sflag:s31] =	ssyncadd.s32 $0xFFFFC000  }
0x9d: {  	[spmem:s2] =	stream.indirect.scatter.add.f32 [tilespmem:s29], [sflag:$0x3], $0x80, s8, s28, $0xb8;
	[tilespmem:$0x1E800] =	vst v63  }
0x9e: {  	_ =	swait.ge [sflag:s0], $0x4000  }
0x9f: {  	[sflag:s0] =	ssyncset.done $0x0  }
0xa0: {  	[sflag:s0] =	ssyncadd.s32 $0xFFFFC000  }
0xa1: {  	_ =	swait.ge [sflag:s1], $0x4000  }
0xa2: {  	[sflag:s1] =	ssyncset.done $0x0  }
0xa3: {  	[sflag:s1] =	ssyncadd.s32 $0xFFFFC000  }
0xa4: {  	[spmem:s2] =	stream.indirect.scatter.add.f32 [tilespmem:s30], [sflag:$0x4], $0x80, s9, s28, $0xb8;
	[tilespmem:$0x1E800] =	vst v63  }
0xa5: {  	_ =	swait.ge [sflag:s7], $0x4000  }
0xa6: {  	[sflag:s7] =	ssyncset.done $0x0  }
0xa7: {  	[sflag:s7] =	ssyncadd.s32 $0xFFFFC000  }
0xa8: {  	[bflag:$0x0] =	sbarrier.arrive $0xFFFF  }
0xa9: {  	s19 =	rddreg [dreg:$0xb]  }
0xaa: {  	[hbm:s19], [sflag:s13] =	dma.local @!p0 [spmem:s15], $0x1900  }
0xab: {  	s19 =	simm.s32 @!p0 $0x5  }
0xac: {  	_ =	swait.ge @!p0 [sflag:s19], $0x1900  }
0xad: {  	[sflag:s19] =	ssyncset.done @!p0 $0x0  }
0xae: {  	[sflag:s19] =	ssyncadd.s32 @!p0 $0xFFFFE700;
	s19 =	rddreg [dreg:$0xa]  }
0xaf: {  	[hbm:s19], [sflag:s13] =	dma.local @!p1 [spmem:s16], $0x2800  }
0xb0: {  	s19 =	simm.s32 @!p1 $0x5  }
0xb1: {  	_ =	swait.ge @!p1 [sflag:s19], $0x2800  }
0xb2: {  	[sflag:s19] =	ssyncset.done @!p1 $0x0  }
0xb3: {  	[sflag:s19] =	ssyncadd.s32 @!p1 $0xFFFFD800;
	s19 =	rddreg [dreg:$0xd]  }
0xb4: {  	[hbm:s19], [sflag:s13] =	dma.local @!p2 [spmem:s17], $0x1900  }
0xb5: {  	s19 =	simm.s32 @!p2 $0x5  }
0xb6: {  	_ =	swait.ge @!p2 [sflag:s19], $0x1900  }
0xb7: {  	[sflag:s19] =	ssyncset.done @!p2 $0x0  }
0xb8: {  	[sflag:s19] =	ssyncadd.s32 @!p2 $0xFFFFE700;
	s19 =	rddreg [dreg:$0xc]  }
0xb9: {  	[hbm:s19], [sflag:s13] =	dma.local @!p3 [spmem:s18], $0x2800  }
0xba: {  	s19 =	simm.s32 @!p3 $0x5  }
0xbb: {  	_ =	swait.ge @!p3 [sflag:s19], $0x2800  }
0xbc: {  	[sflag:s19] =	ssyncset.done @!p3 $0x0  }
0xbd: {  	[sflag:s19] =	ssyncadd.s32 @!p3 $0xFFFFD800  }
0xbe: {  	[bflag:$0x0] =	sbarrier.arrive $0xFFFF  }
0xbf: {  	[spmem:s14], [sflag:s13] =	dma.local [hbm:s6], $0x2800  }
0xc0: {  	_ =	swait.ge [sflag:s25], $0x2800  }
0xc1: {  	[sflag:s25] =	ssyncset.done $0x0  }
0xc2: {  	s19 =	rddreg [dreg:$0x3];
	[sflag:s25] =	ssyncadd.s32 $0xFFFFD800  }
0xc3: {  	[tilespmem:s29], [sflag:$0x5] =	stream.linear.gather [hbm4b:s19+s3], $0x4000, $0x38;
	[tilespmem:$0x1E800] =	vst v63  }
0xc4: {  	_ =	swait.ge [sflag:s25], $0x4000  }
0xc5: {  	[sflag:s25] =	ssyncset.done $0x0  }
0xc6: {  	[sflag:s25] =	ssyncadd.s32 $0xFFFFC000  }
0xc7: {  	[bflag:$0x0] =	sbarrier.arrive $0xFFFF  }
0xc8: {  	[spmem:s2] =	stream.indirect.scatter.add.f32 [tilespmem:s29], [sflag:$0x3], $0x80, s26, s28, $0xb8;
	[tilespmem:$0x1E800] =	vst v63  }
0xc9: {  	s20 =	simm.s32 $0x1480  }
0xca: {  	[spmem:s2] =	stream.indirect.scatter.add.f32 [tilespmem:s29], [sflag:$0x4], $0x80, s20, s28, $0xb8;
	[tilespmem:$0x1E800] =	vst v63  }
0xcb: {  	_ =	swait.ge [sflag:s0], $0x4000  }
0xcc: {  	[sflag:s0] =	ssyncset.done $0x0  }
0xcd: {  	s21 =	simm.s32 $0x1500;
	[sflag:s0] =	ssyncadd.s32 $0xFFFFC000  }
0xce: {  	[spmem:s2] =	stream.indirect.scatter.add.f32 [tilespmem:s29], [sflag:$0x3], $0x80, s21, s28, $0xb8;
	[tilespmem:$0x1E800] =	vst v63  }
0xcf: {  	_ =	swait.ge [sflag:s7], $0x4000  }
0xd0: {  	[sflag:s7] =	ssyncset.done $0x0  }
0xd1: {  	s14 =	simm.s32 $0xFFFFB800;
	s19 =	simm.s32 $0x1580;
	[sflag:s7] =	ssyncadd.s32 $0xFFFFC000  }
.LBB2_6:
0xd2: {  	[spmem:s2] =	stream.indirect.scatter.add.f32 [tilespmem:s29], [sflag:$0x4], $0x80, s19, s28, $0xb8;
	[tilespmem:$0x1E800] =	vst v63  }
0xd3: {  	s19 =	smov.u32 s14  }
0xd4: {  	p4 =	sne.s32 s14, $0xFFFFFC00;
	s14 =	sadd.s32 $0x400, s14;
	_ =	swait.ge [sflag:s0], $0x4000  }
0xd5: {  	s19 =	sshra.s32 s19, $0x2;
	[sflag:s0] =	ssyncset.done $0x0  }
.Ltmp2:
0xd6: {  	s20 =	sadd.s32 $0x2800, s19;
	[sflag:s0] =	ssyncadd.s32 $0xFFFFC000;
	(pc) =	sbr.rel @p4 .LBB2_6-.Ltmp2, $4  }
0xd7: {  	[spmem:s2] =	stream.indirect.scatter.add.f32 [tilespmem:s29], [sflag:$0x3], $0x80, s20, s28, $0xb8;
	[tilespmem:$0x1E800] =	vst v63  }
0xd8: {  	_ =	swait.ge [sflag:s7], $0x4000  }
0xd9: {  	[sflag:s7] =	ssyncset.done $0x0  }
0xda: {  	s19 =	sadd.s32 $0x2880, s19;
	[sflag:s7] =	ssyncadd.s32 $0xFFFFC000  }
0xdb: {  	[spmem:s2] =	stream.indirect.scatter.add.f32 [tilespmem:s29], [sflag:$0x4], $0x80, s19, s28, $0xb8;
	[tilespmem:$0x1E800] =	vst v63  }
0xdc: {  	_ =	swait.ge [sflag:s0], $0x4000  }
0xdd: {  	[sflag:s0] =	ssyncset.done $0x0  }
0xde: {  	[sflag:s0] =	ssyncadd.s32 $0xFFFFC000  }
0xdf: {  	_ =	swait.ge [sflag:s7], $0x4000  }
0xe0: {  	[sflag:s7] =	ssyncset.done $0x0  }
0xe1: {  	[sflag:s7] =	ssyncadd.s32 $0xFFFFC000  }
0xe2: {  	[bflag:$0x0] =	sbarrier.arrive $0xFFFF  }
0xe3: {  	s14 =	rddreg [dreg:$0xf]  }
0xe4: {  	[hbm:s14], [sflag:s13] =	dma.local @!p0 [spmem:s15], $0x1900  }
0xe5: {  	s14 =	simm.s32 @!p0 $0x5  }
0xe6: {  	_ =	swait.ge @!p0 [sflag:s14], $0x1900  }
0xe7: {  	[sflag:s14] =	ssyncset.done @!p0 $0x0  }
0xe8: {  	[sflag:s14] =	ssyncadd.s32 @!p0 $0xFFFFE700;
	s14 =	rddreg [dreg:$0xe]  }
0xe9: {  	[hbm:s14], [sflag:s13] =	dma.local @!p1 [spmem:s16], $0x2800  }
0xea: {  	s14 =	simm.s32 @!p1 $0x5  }
0xeb: {  	_ =	swait.ge @!p1 [sflag:s14], $0x2800  }
0xec: {  	[sflag:s14] =	ssyncset.done @!p1 $0x0  }
0xed: {  	[sflag:s14] =	ssyncadd.s32 @!p1 $0xFFFFD800;
	s14 =	simm.s32 @!p2 $0x5  }
0xee: {  	[hbm:s23], [sflag:s13] =	dma.local @!p2 [spmem:s17], $0x1900  }
0xef: {  	_ =	swait.ge @!p2 [sflag:s14], $0x1900  }
0xf0: {  	s11 =	sadd.s32 $0x1, s11;
	[sflag:s14] =	ssyncset.done @!p2 $0x0  }
0xf1: {  	p4 =	sne.s32 s11, s24;
	[sflag:s14] =	ssyncadd.s32 @!p2 $0xFFFFE700  }
0xf2: {  	[hbm:s22], [sflag:s13] =	dma.local @!p3 [spmem:s18], $0x2800  }
.Ltmp3:
0xf3: {  	_ = 	snop;
	(pc) =	sbr.rel @p4 .LBB2_1-.Ltmp3, $4  }
0xf4: {  	s13 =	simm.s32 @!p3 $0x5  }
0xf5: {  	_ =	swait.ge @!p3 [sflag:s13], $0x2800  }
0xf6: {  	[sflag:s13] =	ssyncset.done @!p3 $0x0  }
0xf7: {  	[sflag:s13] =	ssyncadd.s32 @!p3 $0xFFFFD800  }
0xf8: {  	_ =	sfence.sel $0x180000  }
0xf9: {  	[bflag:$0x0] =	sbarrier.arrive $0xFFFF  }
0xfa: {  	_ =	strace $0x90000047  }
0xfb: {  	s0 =	stileid.u32;
	[bflag:$0x2] =	sbarrier.arrive $0xFFFF  }
0xfc: {  	p0 =	sne.s32 s0, $0x0;
	s0 =	rddreg [dreg:$0x2]  }
0xfd: {  	s0 =	sadd.s32 @!p0 $0x100000, s0  }
0xfe: {  	[sflag:s0] =	ssyncadd.tile.s32 @!p0 $0x1;
	_ =	shalt  }
.Lfunc_end2:
_tile_overlayer_lowered:
.L_overlay_start_2:
0xff: {  	(tag) =	ssettag $0x2  }
0x100: {  	s0 =	rddreg [dreg:$0x0];
	s2 =	stileid.u32  }
0x101: {  	s1 =	rddreg [dreg:$0x1];
	p0 =	sne.s32 s2, $0x0  }
0x102: {  	s3 =	rddreg [dreg:$0x2];
	[bflag:$0x3] =	sbarrier.arrive $0xFFFF;
	s2 =	simm.s32 @!p0 $0x1C05  }
0x103: {  	[timem:s3], [sflag:s2] =	dma.local @!p0 [hbm:s0], s1  }
0x104: {  	s0 =	simm.s32 @!p0 $0x5  }
0x105: {  	_ =	swait.ge @!p0 [sflag:s0], s1  }
0x106: {  	s1 =	ssub.s32 @!p0 $0x0, s1;
	[sflag:s0] =	ssyncset.done @!p0 $0x0  }
0x107: {  	[sflag:s0] =	ssyncadd.s32 @!p0 s1  }
0x108: {  	[bflag:$0x3] =	sbarrier.arrive $0xFFFF  }
0x109: {  	_ =	shalt  }

// kernel: kernel.9.cloned.1.call-start
scs
__scs_entry_jumppad:
0x0: {  	(pc) =	sbr.rel $0x88, $3  }
0x1: {  	(tag) =	ssettag $0x0;
	lr =	simm.s32 $0x1  }
0x2: {  	[smem:$0x3F92] =	sst lr;
	_ =	strace $0xD0000000  }
0x3: {  	_ = 	snop  }
0x4: {  	_ = 	snop  }
0x5: {  	_ = 	snop  }
0x6: {  	_ = 	snop  }
0x7: {  	_ = 	snop  }
__scs_overlays_trampoline_lowered:
0x8: {  	[smem:$0x3FA1] =	sst s0  }
0x9: {  	[smem:$0x3FA2] =	sst s1  }
0xa: {  	[smem:$0x3FA3] =	sst s2  }
0xb: {  	[smem:$0x3FA4] =	sst s3  }
0xc: {  	[smem:$0x3FA5] =	sst s4  }
0xd: {  	[smem:$0x3FA6] =	sst s5  }
0xe: {  	[smem:$0x3FA7] =	sst s6  }
0xf: {  	[smem:$0x3FA8] =	sst s7  }
0x10: {  	[smem:$0x3FA9] =	sst s8  }
0x11: {  	[smem:$0x3FAA] =	sst s9;
	s0 =	simm.s32 @!p0 $0x0  }
0x12: {  	s1 =	sld [smem:$0x3F90];
	s0 =	simm.s32 @p0 $0x1  }
0x13: {  	[smem:$0x3FAB] =	sst s0;
	s0 =	simm.s32 @!p1 $0x0  }
0x14: {  	s2 =	sld [smem:$0x3F8F];
	s0 =	simm.s32 @p1 $0x1  }
0x15: {  	[smem:$0x3FAC] =	sst s0;
	s0 =	simm.s32 @!p2 $0x0  }
0x16: {  	s3 =	sld [smem:$0x3FDB];
	s0 =	simm.s32 @p2 $0x1  }
0x17: {  	s4 =	simm.s32 $0x1BF5;
	[smem:$0x3FAE] =	sst s0  }
0x18: {  	s0 =	sld [smem:$0x3F91];
	_ =	swait.ge [sflag:s4], $0x0  }
0x19: {  	s7 =	sld [smem:$0x3F92]  }
0x1a: {  	s8 =	sadd.s32 $0xFFFFE003, lr  }
0x1b: {  	s9 =	sadd.s32 $0xFFFFFEF7, lr;
	s5 =	simm.s32 $0xFFFFFFFF;
	p2 =	slt.u32 s8, $0xFFFFF086  }
0x1c: {  	p1 =	slt.u32 s9, $0xF7A;
	s5 =	simm.s32 @!p2 $0x0  }
0x1d: {  	s5 =	simm.s32 @p1 $0x1;
	p0 =	seq.s32 s7, s2  }
0x1e: {  	s7 =	smul.u32 @!p0 $0xF7A, s2;
	p2 =	seq.s32 @!p0 s5, $0x0  }
0x1f: {  	s9 =	smul.u32 $0xF7A, s1;
	s8 =	simm.s32 @!p0 $0x1BF5;
	p2 =	por !p2, p0  }
0x20: {  	[sflag:s8] =	ssyncset.s32 @!p0 $0xFFFFF086;
	s6 =	sadd.s32 @!p0 s3, s7;
	s7 =	simm.s32 @!p0 $0x108  }
0x21: {  	s3 =	sadd.s32 s3, s9;
	s6 =	sadd.s32 @!p0 $0x88, s6;
	s7 =	simm.s32 @p2 $0x1082  }
0x22: {  	[simem:s7], [sflag:s8] =	dma.local @!p0 [hbm:s6], $0xF7A  }
0x23: {  	s9 =	sor.u32 $0xD0000000, s2;
	s6 =	simm.s32 $0x108;
	_ =	swait.ge @!p0 [sflag:s8], $0x0  }
0x24: {  	s3 =	sadd.s32 $0x88, s3;
	s6 =	simm.s32 @!p1 $0x1082;
	[sflag:s4] =	ssyncset.s32 $0xFFFFF086  }
0x25: {  	[simem:s6], [sflag:s4] =	dma.local [hbm:s3], $0xF7A  }
0x26: {  	[smem:$0x3F92] =	sst s1;
	(tag) =	ssettag s2;
	_ =	strace s9  }
0x27: {  	s1 =	sld [smem:$0x3FA2]  }
0x28: {  	s2 =	sld [smem:$0x3FA3]  }
0x29: {  	s4 =	sld [smem:$0x3FA5]  }
0x2a: {  	p0 =	seq.s32 s5, $0x0;
	s5 =	sld [smem:$0x3FA6]  }
0x2b: {  	s6 =	sld [smem:$0x3FA7]  }
0x2c: {  	s7 =	sld [smem:$0x3FA8]  }
0x2d: {  	s3 =	simm.s32 $0x108;
	s8 =	sld [smem:$0x3FA9]  }
0x2e: {  	s3 =	simm.s32 @!p0 $0x1082;
	s9 =	sld [smem:$0x3FAA]  }
0x2f: {  	lr =	sadd.s32 s0, s3;
	s0 =	sld [smem:$0x3FA1]  }
0x30: {  	s3 =	sld [smem:$0x3FA4]  }
0x31: {  	[smem:$0x3FAD] =	sst s10  }
0x32: {  	s10 =	sld [smem:$0x3FAB];
	_ =	sdelay $0x3  }
0x33: {  	p0 =	seq.s32 s10, $0x1;
	s10 =	sld [smem:$0x3FAD];
	_ =	sdelay $0x3  }
0x34: {  	[smem:$0x3FAD] =	sst s10  }
0x35: {  	s10 =	sld [smem:$0x3FAC];
	_ =	sdelay $0x3  }
0x36: {  	p1 =	seq.s32 s10, $0x1;
	s10 =	sld [smem:$0x3FAD];
	_ =	sdelay $0x3  }
0x37: {  	[smem:$0x3FAD] =	sst s10  }
0x38: {  	s10 =	sld [smem:$0x3FAE]  }
0x39: {  	_ = 	snop;
	(pc) =	sbr.ind lr, $3  }
0x3a: {  	_ = 	snop  }
0x3b: {  	_ = 	snop  }
0x3c: {  	p2 =	seq.s32 s10, $0x1;
	s10 =	sld [smem:$0x3FAD]  }
0x3d: {  	_ =	shalt  }
0x3e: {  	_ =	shalt  }
0x3f: {  	_ =	shalt  }
0x40: {  	_ =	shalt  }
0x41: {  	_ =	shalt  }
0x42: {  	_ =	shalt  }
0x43: {  	_ =	shalt  }
0x44: {  	_ =	shalt  }
0x45: {  	_ =	shalt  }
0x46: {  	_ =	shalt  }
0x47: {  	_ =	shalt  }
0x48: {  	_ =	shalt  }
0x49: {  	_ =	shalt  }
0x4a: {  	_ =	shalt  }
0x4b: {  	_ =	shalt  }
0x4c: {  	_ =	shalt  }
0x4d: {  	_ =	shalt  }
0x4e: {  	_ =	shalt  }
0x4f: {  	_ =	shalt  }
0x50: {  	_ =	shalt  }
0x51: {  	_ =	shalt  }
0x52: {  	_ =	shalt  }
0x53: {  	_ =	shalt  }
0x54: {  	_ =	shalt  }
0x55: {  	_ =	shalt  }
0x56: {  	_ =	shalt  }
0x57: {  	_ =	shalt  }
0x58: {  	_ =	shalt  }
0x59: {  	_ =	shalt  }
0x5a: {  	_ =	shalt  }
0x5b: {  	_ =	shalt  }
0x5c: {  	_ =	shalt  }
0x5d: {  	_ =	shalt  }
0x5e: {  	_ =	shalt  }
0x5f: {  	_ =	shalt  }
0x60: {  	_ =	shalt  }
0x61: {  	_ =	shalt  }
0x62: {  	_ =	shalt  }
0x63: {  	_ =	shalt  }
0x64: {  	_ =	shalt  }
0x65: {  	_ =	shalt  }
0x66: {  	_ =	shalt  }
0x67: {  	_ =	shalt  }
0x68: {  	_ =	shalt  }
0x69: {  	_ =	shalt  }
0x6a: {  	_ =	shalt  }
0x6b: {  	_ =	shalt  }
0x6c: {  	_ =	shalt  }
0x6d: {  	_ =	shalt  }
0x6e: {  	_ =	shalt  }
0x6f: {  	_ =	shalt  }
0x70: {  	_ =	shalt  }
0x71: {  	_ =	shalt  }
0x72: {  	_ =	shalt  }
0x73: {  	_ =	shalt  }
0x74: {  	_ =	shalt  }
0x75: {  	_ =	shalt  }
0x76: {  	_ =	shalt  }
0x77: {  	_ =	shalt  }
0x78: {  	_ =	shalt  }
0x79: {  	_ =	shalt  }
0x7a: {  	_ =	shalt  }
0x7b: {  	_ =	shalt  }
0x7c: {  	_ =	shalt  }
0x7d: {  	_ =	shalt  }
0x7e: {  	_ =	shalt  }
0x7f: {  	_ =	shalt  }
0x80: {  	_ =	shalt  }
0x81: {  	_ =	shalt  }
0x82: {  	_ =	shalt  }
0x83: {  	_ =	shalt  }
0x84: {  	_ =	shalt  }
0x85: {  	_ =	shalt  }
0x86: {  	_ =	shalt  }
0x87: {  	_ =	shalt  }
.Lfunc_end0:
.L_simem_size_0:
called_computation.1_lowered:
.L_overlay_start_0:
0x88: {  	s2 =	sld [smem:$0x3FD9]  }
0x89: {  	s3 =	sld [smem:$0x3FFE];
	_ =	sdelay $0x1  }
0x8a: {  	s1 =	srdreg.scid  }
0x8b: {  	s0 =	sand.u32 $0x1, s1  }
0x8c: {  	s16 =	sshll.u32 s0, $0xA;
	s2 =	sadd.s32 s3, s2  }
0x8d: {  	s2 =	sadd.s32 s2, s16  }
0x8e: {  	[smem:$0x3FB9] =	sst s2  }
0x8f: {  	_ = 	snop  }
0x90: {  	(tm) =	ssettm $0x1  }
0x91: {  	s17 =	sld [smem:$0x3FFB];
	_ =	sdelay $0x3  }
0x92: {  	_ =	strace s17  }
0x93: {  	s2 =	sld [smem:$0x3FFC];
	_ =	sdelay $0x3  }
0x94: {  	_ =	strace s2  }
0x95: {  	s2 =	sld [smem:$0x3FFD];
	_ =	sdelay $0x3  }
0x96: {  	_ =	strace s2  }
0x97: {  	_ =	strace $0x8FFFFFFF  }
0x98: {  	s18 =	sld [smem:$0x3FDB];
	_ =	sdelay $0x1  }
0x99: {  	s19 =	simm.s32 $_scs_section_size  }
0x9a: {  	s4 =	simm.s32 $_size__tile_overlayer_lowered;
	s5 =	simm.s32 $_tile_overlayer_lowered  }
0x9b: {  	s22 =	simm.s32 $0x1BFF;
	s21 =	sshll.u32 s5, $0x1;
	s2 =	sadd.s32 s19, s18  }
0x9c: {  	s6 =	simm.s32 $0x0;
	s20 =	sshll.u32 s4, $0x1;
	s4 =	sadd.s32 s21, s2  }
0x9d: {  	[timem:s6], [sflag:s22] =	dma.local [hbm:s4], s20  }
0x9e: {  	_ =	swait.ge [sflag:s22], s20  }
0x9f: {  	s3 =	ssub.s32 $0x0, s20;
	[sflag:s22] =	ssyncset.done $0x0  }
0xa0: {  	[sflag:s22] =	ssyncadd.s32 s3;
	_ =	sdelay $0x1  }
0xa1: {  	s23 =	simm.s32 $0x1B8B  }
0xa2: {  	_ =	swait.ge [sflag:s23], $0x1  }
0xa3: {  	[sflag:s23] =	ssyncset.done $0x0  }
0xa4: {  	s25 =	simm.s32 $0x1B8E;
	s24 =	sld [smem:$0x3FFE];
	[sflag:s23] =	ssyncadd.s32 $0xFFFFFFFF  }
0xa5: {  	s26 =	simm.s32 $execute0_lowered;
	[smem:$0x3FD2] =	sst s25  }
0xa6: {  	s4 =	sshll.u32 s26, $0x1;
	_ =	strace $0x80000049;
	[dreg:$0x1] =	wrdreg $0xFFFFFFFF  }
0xa7: {  	s28 =	simm.s32 $_size_execute0_lowered;
	s2 =	sadd.s32 s2, s4;
	[dreg:$0x0] =	wrdreg $0x0  }
0xa8: {  	s4 =	sshll.u32 s28, $0x1;
	[dreg:$0x2] =	wrdreg s2  }
0xa9: {  	[dreg:$0x3] =	wrdreg s4  }
0xaa: {  	[dreg:$0x4] =	wrdreg $0xC0  }
0xab: {  	_ =	task [dreg:s6], $0x5FFFF  }
0xac: {  	[dreg:$0x1] =	wrdreg $0xFFFFFFFF  }
0xad: {  	[dreg:$0x0] =	wrdreg $0x60  }
0xae: {  	[dreg:$0x2] =	wrdreg s24  }
0xaf: {  	[dreg:$0x3] =	wrdreg $0xA8000  }
0xb0: {  	[dreg:$0x4] =	wrdreg $0x9  }
0xb1: {  	_ =	task.clear_ibuf [dreg:s6], $0x5FFFF;
	_ =	strace $0x90000049  }
0xb2: {  	s29 =	simm.s32 $0x9;
	_ =	strace $0x8000004B  }
0xb3: {  	_ =	swait.ge [sflag:s29], $0x1  }
0xb4: {  	[sflag:s29] =	ssyncadd.s32 $0xFFFFFFFF  }
0xb5: {  	_ =	strace $0x9000004B  }
0xb6: {  	_ =	sfence  }
0xb7: {  	s30 =	sld [smem:$0x0];
	_ =	sdelay $0x2  }
0xb8: {  	s31 =	sshll.u32 s1, $0xD;
	s1 =	sshrl.u32 s1, $0x2  }
0xb9: {  	s3 =	sand.u32 $0x4000, s31;
	s1 =	sadd.s32 s1, s30  }
0xba: {  	s0 =	sor.u32 s3, s0;
	s1 =	sshll.u32 s1, $0x11  }
0xbb: {  	s0 =	sor.u32 s1, s0  }
0xbc: {  	s0 =	sadd.s32 $0x8F2B, s0  }
0xbd: {  	[sflag:s0] =	ssyncadd.remote.s32 $0x1  }
0xbe: {  	_ =	sfence.sel $0xFFFF  }
0xbf: {  	[dreg:$0x0] =	wrdreg $0xFFFFFFFF;
	(pc) =	sbr.abs _section_cstart, $3  }
0xc0: {  	[dreg:$0x1] =	wrdreg $0xFFFFFFFF  }
0xc1: {  	_ =	task.clear_ibuf [dreg:s6], $0x2FFFF;
	_ =	strace $0x9FFFFFFF  }
0xc2: {  	(tm) =	ssettm $0x7FFFFFFF  }
0xc3: {  	_ =	shalt  }
tec
execute0_lowered:
.L_overlay_start_1:
0x0: {  	(tag) =	ssettag $0x1  }
0x1: {  	s0 =	srdreg.scid;
	s1 =	rddreg [dreg:$0x0]  }
0x2: {  	s2 =	rddreg [dreg:$0x1];
	s13 =	stileid.u32;
	s3 =	simm.s32 $0x0  }
0x3: {  	s31 =	simm.s32 $0x5;
	[smem:$0x7FF] =	sst s3;
	s9 =	smul.u32 $0x2800, s13  }
0x4: {  	s5 =	sadd.s32 $0x2AA00, s1;
	s6 =	sadd.s32 $0x5EC00, s1;
	s7 =	sadd.s32 $0x85E00, s1  }
0x5: {  	s24 =	smul.u32 $0x50000, s13;
	s26 =	sadd.s32 $0xF9A00, s1;
	s15 =	sadd.s32 $0xD2800, s1  }
0x6: {  	s0 =	sand.u32 $0x1, s0;
	s19 =	sadd.s32 $0x20B400, s1;
	s28 =	sadd.s32 $0x2A7C00, s1  }
0x7: {  	s30 =	sadd.s32 $0x12C000, s2;
	_ =	strace $0x8000004A;
	[dreg:$0x6] =	wrdreg s26  }
0x8: {  	s4 =	sshll.u32 s0, $0x4;
	s11 =	ssub.s32 $0x2, s0;
	[dreg:$0x8] =	wrdreg s15  }
0x9: {  	[dreg:$0xc] =	wrdreg s19;
	p3 =	sne.s32 s0, $0x0;
	s26 =	sadd.s32 $0x2CEE00, s1  }
0xa: {  	s0 =	simm.s32 $0x80;
	s15 =	simm.s32 $0x2780;
	s4 =	sor.u32 s13, s4  }
0xb: {  	s9 =	sadd.s32 s9, s1;
	s17 =	sshrl.u32 s11, $0x1;
	s23 =	sshrl.u32 s24, $0x2  }
0xc: {  	s24 =	sadd.s32 $0x280A00, s1;
	[dreg:$0x13] =	wrdreg s26;
	p1 =	seq.s32 @p3 s13, $0xF  }
0xd: {  	p4 =	seq.s32 @!p3 s13, $0xF;
	s13 =	simm.s32 $0x4;
	s8 =	smul.u32 $0x280, s4  }
0xe: {  	s4 =	sadd.s32 $0x3800, s1;
	s25 =	sadd.s32 $0xD4200, s9;
	[dreg:$0x11] =	wrdreg s24  }
0xf: {  	s14 =	sadd.s32 $0xAD000, s9;
	s16 =	sadd.s32 $0x20CE00, s9;
	[dreg:$0x5] =	wrdreg s25  }
0x10: {  	s18 =	sadd.s32 $0x1E5C00, s9;
	s11 =	ssub.s32 s11, s17;
	[dreg:$0x7] =	wrdreg s14  }
0x11: {  	s20 =	sadd.s32 $0x25B200, s9;
	s21 =	sadd.s32 $0x234000, s9;
	[dreg:$0x9] =	wrdreg s16  }
0x12: {  	s22 =	sadd.s32 $0x2A9600, s9;
	s9 =	sadd.s32 $0x282400, s9;
	[dreg:$0xb] =	wrdreg s18  }
0x13: {  	s24 =	sadd.s32 s23, s2;
	p0 =	por !p1, !p3;
	[dreg:$0xd] =	wrdreg s20  }
0x14: {  	p1 =	por p1, !p3;
	p2 =	por !p4, p3;
	[dreg:$0xe] =	wrdreg s21  }
0x15: {  	p3 =	por p4, p3;
	s14 =	sadd.s32 $0x232600, s1;
	[dreg:$0xf] =	wrdreg s22  }
0x16: {  	[dreg:$0x10] =	wrdreg s9;
	s25 =	sadd.s32 $0x259800, s1;
	s29 =	smax.u32 s11, $0x1  }
0x17: {  	s9 =	simm.s32 $0x6800;
	s11 =	simm.s32 $0x3;
	s16 =	simm.s32 $0x0  }
0x18: {  	s10 =	sadd.s32 s8, s1;
	s8 =	sadd.s32 $0x5BC00, s1;
	[dreg:$0xa] =	wrdreg s14  }
0x19: {  	[dreg:$0x12] =	wrdreg s25;
	s1 =	simm.s32 $0x2800;
	s12 =	sadd.s32 $0x56C00, s10  }
0x1a: {  	s14 =	simm.s32 $0x2700;
	s10 =	sadd.s32 $0x51C00, s10;
	[dreg:$0x3] =	wrdreg s12  }
0x1b: {  	[dreg:$0x4] =	wrdreg s10;
	s10 =	simm.s32 $0x1;
	s12 =	simm.s32 $0x2  }
.LBB2_1:
0x1c: {  	s17 =	rddreg [dreg:$0x3]  }
0x1d: {  	[tilespmem:s3], [sflag:$0x5] =	stream.linear.gather [hbm4b:s17+s3], $0x1400, $0x38;
	[tilespmem:$0x1E800] =	vst v63  }
0x1e: {  	_ =	swait.ge [sflag:s31], $0x1400  }
0x1f: {  	[sflag:s31] =	ssyncset.done $0x0  }
0x20: {  	s18 =	simm.s32 $0x1400;
	s22 =	rddreg [dreg:$0x4];
	[sflag:s31] =	ssyncadd.s32 $0xFFFFEC00  }
0x21: {  	[tilespmem:s18], [sflag:$0x5] =	stream.linear.gather [hbm4b:s22+s3], $0x1400, $0x38;
	[tilespmem:$0x1E800] =	vst v63  }
0x22: {  	s23 =	stileid.u32;
	_ =	swait.ge [sflag:s31], $0x1400  }
0x23: {  	s17 =	sshll.u32 s23, $0x6;
	[sflag:s31] =	ssyncset.done $0x0  }
0x24: {  	s17 =	sor.u32 $0x1C05, s17;
	s18 =	sshrl.u32 s24, $0x3;
	[sflag:s31] =	ssyncadd.s32 $0xFFFFEC00  }
0x25: {  	[spmem:s18], [sflag:s17] =	dma.local [hbm:s8], $0x2800  }
0x26: {  	_ =	swait.ge [sflag:s31], $0x2800  }
0x27: {  	[sflag:s31] =	ssyncset.done $0x0  }
0x28: {  	[sflag:s31] =	ssyncadd.s32 $0xFFFFD800  }
0x29: {  	[bflag:$0x0] =	sbarrier.arrive $0xFFFF  }
0x2a: {  	[tilespmem:s1], [sflag:$0x1] =	stream.indirect.gather [hbm4b:s4+s0], $0x80, s3, s0, $0xb8;
	[tilespmem:$0x1E800] =	vst v63  }
0x2b: {  	_ = 	snop  }
0x2c: {  	[tilespmem:s9], [sflag:$0x2] =	stream.indirect.gather [hbm4b:s4+s0], $0x80, s0, s0, $0xb8;
	[tilespmem:$0x1E800] =	vst v63  }
0x2d: {  	_ =	swait.ge [sflag:s10], $0x4000  }
0x2e: {  	[sflag:s10] =	ssyncset.done $0x0  }
0x2f: {  	s19 =	simm.s32 $0x1400;
	[sflag:s10] =	ssyncadd.s32 $0xFFFFC000  }
0x30: {  	[spmem:s2] =	stream.indirect.scatter.add.f32 [tilespmem:s1], [sflag:$0x3], $0x80, s19, s0, $0xb8;
	[tilespmem:$0x1E800] =	vst v63  }
0x31: {  	_ =	swait.ge [sflag:s11], $0x4000  }
0x32: {  	[sflag:s11] =	ssyncset.done $0x0  }
0x33: {  	s25 =	simm.s32 $0x100;
	[sflag:s11] =	ssyncadd.s32 $0xFFFFC000  }
0x34: {  	[tilespmem:s1], [sflag:$0x1] =	stream.indirect.gather [hbm4b:s4+s0], $0x80, s25, s0, $0xb8;
	[tilespmem:$0x1E800] =	vst v63  }
0x35: {  	_ =	swait.ge [sflag:s12], $0x4000  }
0x36: {  	[sflag:s12] =	ssyncset.done $0x0  }
0x37: {  	s26 =	simm.s32 $0x1480;
	[sflag:s12] =	ssyncadd.s32 $0xFFFFC000  }
0x38: {  	[spmem:s2] =	stream.indirect.scatter.add.f32 [tilespmem:s9], [sflag:$0x4], $0x80, s26, s0, $0xb8;
	[tilespmem:$0x1E800] =	vst v63  }
0x39: {  	_ =	swait.ge [sflag:s13], $0x4000  }
0x3a: {  	[sflag:s13] =	ssyncset.done $0x0  }
0x3b: {  	s20 =	simm.s32 $0x180;
	s19 =	simm.s32 $0x400;
	[sflag:s13] =	ssyncadd.s32 $0xFFFFC000  }
.LBB2_2:
0x3c: {  	[tilespmem:s9], [sflag:$0x2] =	stream.indirect.gather [hbm4b:s4+s0], $0x80, s20, s0, $0xb8;
	[tilespmem:$0x1E800] =	vst v63  }
0x3d: {  	s20 =	smov.u32 s19  }
0x3e: {  	p4 =	sne.s32 s19, $0x4800;
	s19 =	sadd.s32 $0x400, s19;
	_ =	swait.ge [sflag:s10], $0x4000  }
0x3f: {  	s20 =	sshra.s32 s20, $0x2;
	[sflag:s10] =	ssyncset.done $0x0  }
0x40: {  	s21 =	sadd.s32 $0x1400, s20;
	[sflag:s10] =	ssyncadd.s32 $0xFFFFC000  }
0x41: {  	[spmem:s2] =	stream.indirect.scatter.add.f32 [tilespmem:s1], [sflag:$0x3], $0x80, s21, s0, $0xb8;
	[tilespmem:$0x1E800] =	vst v63  }
0x42: {  	_ =	swait.ge [sflag:s11], $0x4000  }
0x43: {  	[sflag:s11] =	ssyncset.done $0x0  }
0x44: {  	s21 =	sadd.s32 $0x100, s20;
	[sflag:s11] =	ssyncadd.s32 $0xFFFFC000  }
0x45: {  	[tilespmem:s1], [sflag:$0x1] =	stream.indirect.gather [hbm4b:s4+s0], $0x80, s21, s0, $0xb8;
	[tilespmem:$0x1E800] =	vst v63  }
0x46: {  	_ =	swait.ge [sflag:s12], $0x4000  }
0x47: {  	[sflag:s12] =	ssyncset.done $0x0  }
.Ltmp0:
0x48: {  	s21 =	sadd.s32 $0x1480, s20;
	[sflag:s12] =	ssyncadd.s32 $0xFFFFC000;
	(pc) =	sbr.rel @p4 .LBB2_2-.Ltmp0, $4  }
0x49: {  	[spmem:s2] =	stream.indirect.scatter.add.f32 [tilespmem:s9], [sflag:$0x4], $0x80, s21, s0, $0xb8;
	[tilespmem:$0x1E800] =	vst v63  }
0x4a: {  	_ =	swait.ge [sflag:s13], $0x4000  }
0x4b: {  	[sflag:s13] =	ssyncset.done $0x0  }
0x4c: {  	s20 =	sadd.s32 $0x180, s20;
	[sflag:s13] =	ssyncadd.s32 $0xFFFFC000  }
0x4d: {  	[tilespmem:s9], [sflag:$0x2] =	stream.indirect.gather [hbm4b:s4+s0], $0x80, s20, s0, $0xb8;
	[tilespmem:$0x1E800] =	vst v63  }
0x4e: {  	_ =	swait.ge [sflag:s10], $0x4000  }
0x4f: {  	[sflag:s10] =	ssyncset.done $0x0  }
0x50: {  	[sflag:s10] =	ssyncadd.s32 $0xFFFFC000  }
0x51: {  	[spmem:s2] =	stream.indirect.scatter.add.f32 [tilespmem:s1], [sflag:$0x3], $0x80, s14, s0, $0xb8;
	[tilespmem:$0x1E800] =	vst v63  }
0x52: {  	_ =	swait.ge [sflag:s11], $0x4000  }
0x53: {  	[sflag:s11] =	ssyncset.done $0x0  }
0x54: {  	[sflag:s11] =	ssyncadd.s32 $0xFFFFC000  }
0x55: {  	_ =	swait.ge [sflag:s12], $0x4000  }
0x56: {  	[sflag:s12] =	ssyncset.done $0x0  }
0x57: {  	[sflag:s12] =	ssyncadd.s32 $0xFFFFC000  }
0x58: {  	[spmem:s2] =	stream.indirect.scatter.add.f32 [tilespmem:s9], [sflag:$0x4], $0x80, s15, s0, $0xb8;
	[tilespmem:$0x1E800] =	vst v63  }
0x59: {  	_ =	swait.ge [sflag:s13], $0x4000  }
0x5a: {  	[sflag:s13] =	ssyncset.done $0x0  }
0x5b: {  	[sflag:s13] =	ssyncadd.s32 $0xFFFFC000  }
0x5c: {  	[bflag:$0x0] =	sbarrier.arrive $0xFFFF  }
0x5d: {  	s19 =	sshrl.u32 @!p0 s30, $0x3;
	s20 =	rddreg [dreg:$0x6]  }
0x5e: {  	[hbm:s20], [sflag:s17] =	dma.local @!p0 [spmem:s19], $0x1900  }
0x5f: {  	s20 =	simm.s32 @!p0 $0x5  }
0x60: {  	_ =	swait.ge @!p0 [sflag:s20], $0x1900  }
0x61: {  	[sflag:s20] =	ssyncset.done @!p0 $0x0  }
0x62: {  	s21 =	rddreg [dreg:$0x5];
	[sflag:s20] =	ssyncadd.s32 @!p0 $0xFFFFE700;
	s20 =	sshrl.u32 @!p1 s24, $0x3  }
0x63: {  	[hbm:s21], [sflag:s17] =	dma.local @!p1 [spmem:s20], $0x2800  }
0x64: {  	s21 =	simm.s32 @!p1 $0x5  }
0x65: {  	_ =	swait.ge @!p1 [sflag:s21], $0x2800  }
0x66: {  	[sflag:s21] =	ssyncset.done @!p1 $0x0  }
0x67: {  	s22 =	rddreg [dreg:$0x8];
	[sflag:s21] =	ssyncadd.s32 @!p1 $0xFFFFD800;
	s21 =	sshrl.u32 @!p2 s30, $0x3  }
0x68: {  	[hbm:s22], [sflag:s17] =	dma.local @!p2 [spmem:s21], $0x1900  }
0x69: {  	s22 =	simm.s32 @!p2 $0x5  }
0x6a: {  	_ =	swait.ge @!p2 [sflag:s22], $0x1900  }
0x6b: {  	[sflag:s22] =	ssyncset.done @!p2 $0x0  }
0x6c: {  	s23 =	rddreg [dreg:$0x7];
	[sflag:s22] =	ssyncadd.s32 @!p2 $0xFFFFE700;
	s22 =	sshrl.u32 @!p3 s24, $0x3  }
0x6d: {  	[hbm:s23], [sflag:s17] =	dma.local @!p3 [spmem:s22], $0x2800  }
0x6e: {  	s23 =	simm.s32 @!p3 $0x5  }
0x6f: {  	_ =	swait.ge @!p3 [sflag:s23], $0x2800  }
0x70: {  	[sflag:s23] =	ssyncset.done @!p3 $0x0  }
0x71: {  	[sflag:s23] =	ssyncadd.s32 @!p3 $0xFFFFD800  }
0x72: {  	[bflag:$0x0] =	sbarrier.arrive $0xFFFF  }
0x73: {  	[spmem:s18], [sflag:s17] =	dma.local [hbm:s8], $0x2800  }
0x74: {  	_ =	swait.ge [sflag:s31], $0x2800  }
0x75: {  	[sflag:s31] =	ssyncset.done $0x0  }
0x76: {  	[sflag:s31] =	ssyncadd.s32 $0xFFFFD800  }
0x77: {  	s25 =	simm.s32 $0x0;
	[bflag:$0x0] =	sbarrier.arrive $0xFFFF  }
0x78: {  	[tilespmem:s1], [sflag:$0x1] =	stream.indirect.gather [hbm4b:s5+s0], $0x80, s25, s0, $0xb8;
	[tilespmem:$0x1E800] =	vst v63  }
0x79: {  	_ = 	snop  }
0x7a: {  	[tilespmem:s9], [sflag:$0x2] =	stream.indirect.gather [hbm4b:s5+s0], $0x80, s0, s0, $0xb8;
	[tilespmem:$0x1E800] =	vst v63  }
0x7b: {  	_ =	swait.ge [sflag:s10], $0x4000  }
0x7c: {  	[sflag:s10] =	ssyncset.done $0x0  }
0x7d: {  	s26 =	simm.s32 $0x1400;
	[sflag:s10] =	ssyncadd.s32 $0xFFFFC000  }
0x7e: {  	[spmem:s2] =	stream.indirect.scatter.add.f32 [tilespmem:s1], [sflag:$0x3], $0x80, s26, s0, $0xb8;
	[tilespmem:$0x1E800] =	vst v63  }
0x7f: {  	_ =	swait.ge [sflag:s11], $0x4000  }
0x80: {  	[sflag:s11] =	ssyncset.done $0x0  }
0x81: {  	s25 =	simm.s32 $0x100;
	[sflag:s11] =	ssyncadd.s32 $0xFFFFC000  }
0x82: {  	[tilespmem:s1], [sflag:$0x1] =	stream.indirect.gather [hbm4b:s5+s0], $0x80, s25, s0, $0xb8;
	[tilespmem:$0x1E800] =	vst v63  }
0x83: {  	_ =	swait.ge [sflag:s12], $0x4000  }
0x84: {  	[sflag:s12] =	ssyncset.done $0x0  }
0x85: {  	s26 =	simm.s32 $0x1480;
	[sflag:s12] =	ssyncadd.s32 $0xFFFFC000  }
0x86: {  	[spmem:s2] =	stream.indirect.scatter.add.f32 [tilespmem:s9], [sflag:$0x4], $0x80, s26, s0, $0xb8;
	[tilespmem:$0x1E800] =	vst v63  }
0x87: {  	_ =	swait.ge [sflag:s13], $0x4000  }
0x88: {  	[sflag:s13] =	ssyncset.done $0x0  }
0x89: {  	s23 =	simm.s32 $0x400;
	s25 =	simm.s32 $0x180;
	[sflag:s13] =	ssyncadd.s32 $0xFFFFC000  }
.LBB2_4:
0x8a: {  	[tilespmem:s9], [sflag:$0x2] =	stream.indirect.gather [hbm4b:s5+s0], $0x80, s25, s0, $0xb8;
	[tilespmem:$0x1E800] =	vst v63  }
0x8b: {  	s25 =	smov.u32 s23  }
0x8c: {  	p4 =	sne.s32 s23, $0x4800;
	s23 =	sadd.s32 $0x400, s23;
	_ =	swait.ge [sflag:s10], $0x4000  }
0x8d: {  	s25 =	sshra.s32 s25, $0x2;
	[sflag:s10] =	ssyncset.done $0x0  }
0x8e: {  	s26 =	sadd.s32 $0x1400, s25;
	[sflag:s10] =	ssyncadd.s32 $0xFFFFC000  }
0x8f: {  	[spmem:s2] =	stream.indirect.scatter.add.f32 [tilespmem:s1], [sflag:$0x3], $0x80, s26, s0, $0xb8;
	[tilespmem:$0x1E800] =	vst v63  }
0x90: {  	_ =	swait.ge [sflag:s11], $0x4000  }
0x91: {  	[sflag:s11] =	ssyncset.done $0x0  }
0x92: {  	s26 =	sadd.s32 $0x100, s25;
	[sflag:s11] =	ssyncadd.s32 $0xFFFFC000  }
0x93: {  	[tilespmem:s1], [sflag:$0x1] =	stream.indirect.gather [hbm4b:s5+s0], $0x80, s26, s0, $0xb8;
	[tilespmem:$0x1E800] =	vst v63  }
0x94: {  	_ =	swait.ge [sflag:s12], $0x4000  }
0x95: {  	[sflag:s12] =	ssyncset.done $0x0  }
.Ltmp1:
0x96: {  	s26 =	sadd.s32 $0x1480, s25;
	[sflag:s12] =	ssyncadd.s32 $0xFFFFC000;
	(pc) =	sbr.rel @p4 .LBB2_4-.Ltmp1, $4  }
0x97: {  	[spmem:s2] =	stream.indirect.scatter.add.f32 [tilespmem:s9], [sflag:$0x4], $0x80, s26, s0, $0xb8;
	[tilespmem:$0x1E800] =	vst v63  }
0x98: {  	_ =	swait.ge [sflag:s13], $0x4000  }
0x99: {  	[sflag:s13] =	ssyncset.done $0x0  }
0x9a: {  	s25 =	sadd.s32 $0x180, s25;
	[sflag:s13] =	ssyncadd.s32 $0xFFFFC000  }
0x9b: {  	[tilespmem:s9], [sflag:$0x2] =	stream.indirect.gather [hbm4b:s5+s0], $0x80, s25, s0, $0xb8;
	[tilespmem:$0x1E800] =	vst v63  }
0x9c: {  	_ =	swait.ge [sflag:s10], $0x4000  }
0x9d: {  	[sflag:s10] =	ssyncset.done $0x0  }
0x9e: {  	[sflag:s10] =	ssyncadd.s32 $0xFFFFC000  }
0x9f: {  	[spmem:s2] =	stream.indirect.scatter.add.f32 [tilespmem:s1], [sflag:$0x3], $0x80, s14, s0, $0xb8;
	[tilespmem:$0x1E800] =	vst v63  }
0xa0: {  	_ =	swait.ge [sflag:s11], $0x4000  }
0xa1: {  	[sflag:s11] =	ssyncset.done $0x0  }
0xa2: {  	[sflag:s11] =	ssyncadd.s32 $0xFFFFC000  }
0xa3: {  	_ =	swait.ge [sflag:s12], $0x4000  }
0xa4: {  	[sflag:s12] =	ssyncset.done $0x0  }
0xa5: {  	[sflag:s12] =	ssyncadd.s32 $0xFFFFC000  }
0xa6: {  	[spmem:s2] =	stream.indirect.scatter.add.f32 [tilespmem:s9], [sflag:$0x4], $0x80, s15, s0, $0xb8;
	[tilespmem:$0x1E800] =	vst v63  }
0xa7: {  	_ =	swait.ge [sflag:s13], $0x4000  }
0xa8: {  	[sflag:s13] =	ssyncset.done $0x0  }
0xa9: {  	[sflag:s13] =	ssyncadd.s32 $0xFFFFC000  }
0xaa: {  	[bflag:$0x0] =	sbarrier.arrive $0xFFFF  }
0xab: {  	s23 =	rddreg [dreg:$0xa]  }
0xac: {  	[hbm:s23], [sflag:s17] =	dma.local @!p0 [spmem:s19], $0x1900  }
0xad: {  	s23 =	simm.s32 @!p0 $0x5  }
0xae: {  	_ =	swait.ge @!p0 [sflag:s23], $0x1900  }
0xaf: {  	[sflag:s23] =	ssyncset.done @!p0 $0x0  }
0xb0: {  	[sflag:s23] =	ssyncadd.s32 @!p0 $0xFFFFE700;
	s23 =	rddreg [dreg:$0x9]  }
0xb1: {  	[hbm:s23], [sflag:s17] =	dma.local @!p1 [spmem:s20], $0x2800  }
0xb2: {  	s23 =	simm.s32 @!p1 $0x5  }
0xb3: {  	_ =	swait.ge @!p1 [sflag:s23], $0x2800  }
0xb4: {  	[sflag:s23] =	ssyncset.done @!p1 $0x0  }
0xb5: {  	[sflag:s23] =	ssyncadd.s32 @!p1 $0xFFFFD800;
	s23 =	rddreg [dreg:$0xc]  }
0xb6: {  	[hbm:s23], [sflag:s17] =	dma.local @!p2 [spmem:s21], $0x1900  }
0xb7: {  	s23 =	simm.s32 @!p2 $0x5  }
0xb8: {  	_ =	swait.ge @!p2 [sflag:s23], $0x1900  }
0xb9: {  	[sflag:s23] =	ssyncset.done @!p2 $0x0  }
0xba: {  	[sflag:s23] =	ssyncadd.s32 @!p2 $0xFFFFE700;
	s23 =	rddreg [dreg:$0xb]  }
0xbb: {  	[hbm:s23], [sflag:s17] =	dma.local @!p3 [spmem:s22], $0x2800  }
0xbc: {  	s23 =	simm.s32 @!p3 $0x5  }
0xbd: {  	_ =	swait.ge @!p3 [sflag:s23], $0x2800  }
0xbe: {  	[sflag:s23] =	ssyncset.done @!p3 $0x0  }
0xbf: {  	[sflag:s23] =	ssyncadd.s32 @!p3 $0xFFFFD800  }
0xc0: {  	[bflag:$0x0] =	sbarrier.arrive $0xFFFF  }
0xc1: {  	[spmem:s18], [sflag:s17] =	dma.local [hbm:s8], $0x2800  }
0xc2: {  	_ =	swait.ge [sflag:s31], $0x2800  }
0xc3: {  	[sflag:s31] =	ssyncset.done $0x0  }
0xc4: {  	[sflag:s31] =	ssyncadd.s32 $0xFFFFD800  }
0xc5: {  	s25 =	simm.s32 $0x0;
	[bflag:$0x0] =	sbarrier.arrive $0xFFFF  }
0xc6: {  	[tilespmem:s1], [sflag:$0x1] =	stream.indirect.gather [hbm4b:s6+s0], $0x80, s25, s0, $0xb8;
	[tilespmem:$0x1E800] =	vst v63  }
0xc7: {  	_ = 	snop  }
0xc8: {  	[tilespmem:s9], [sflag:$0x2] =	stream.indirect.gather [hbm4b:s6+s0], $0x80, s0, s0, $0xb8;
	[tilespmem:$0x1E800] =	vst v63  }
0xc9: {  	_ =	swait.ge [sflag:s10], $0x4000  }
0xca: {  	[sflag:s10] =	ssyncset.done $0x0  }
0xcb: {  	s26 =	simm.s32 $0x1400;
	[sflag:s10] =	ssyncadd.s32 $0xFFFFC000  }
0xcc: {  	[spmem:s2] =	stream.indirect.scatter.add.f32 [tilespmem:s1], [sflag:$0x3], $0x80, s26, s0, $0xb8;
	[tilespmem:$0x1E800] =	vst v63  }
0xcd: {  	_ =	swait.ge [sflag:s11], $0x4000  }
0xce: {  	[sflag:s11] =	ssyncset.done $0x0  }
0xcf: {  	s25 =	simm.s32 $0x100;
	[sflag:s11] =	ssyncadd.s32 $0xFFFFC000  }
0xd0: {  	[tilespmem:s1], [sflag:$0x1] =	stream.indirect.gather [hbm4b:s6+s0], $0x80, s25, s0, $0xb8;
	[tilespmem:$0x1E800] =	vst v63  }
0xd1: {  	_ =	swait.ge [sflag:s12], $0x4000  }
0xd2: {  	[sflag:s12] =	ssyncset.done $0x0  }
0xd3: {  	s26 =	simm.s32 $0x1480;
	[sflag:s12] =	ssyncadd.s32 $0xFFFFC000  }
0xd4: {  	[spmem:s2] =	stream.indirect.scatter.add.f32 [tilespmem:s9], [sflag:$0x4], $0x80, s26, s0, $0xb8;
	[tilespmem:$0x1E800] =	vst v63  }
0xd5: {  	_ =	swait.ge [sflag:s13], $0x4000  }
0xd6: {  	[sflag:s13] =	ssyncset.done $0x0  }
0xd7: {  	s23 =	simm.s32 $0x400;
	s25 =	simm.s32 $0x180;
	[sflag:s13] =	ssyncadd.s32 $0xFFFFC000  }
.LBB2_6:
0xd8: {  	[tilespmem:s9], [sflag:$0x2] =	stream.indirect.gather [hbm4b:s6+s0], $0x80, s25, s0, $0xb8;
	[tilespmem:$0x1E800] =	vst v63  }
0xd9: {  	s25 =	smov.u32 s23  }
0xda: {  	p4 =	sne.s32 s23, $0x4800;
	s23 =	sadd.s32 $0x400, s23;
	_ =	swait.ge [sflag:s10], $0x4000  }
0xdb: {  	s25 =	sshra.s32 s25, $0x2;
	[sflag:s10] =	ssyncset.done $0x0  }
0xdc: {  	s26 =	sadd.s32 $0x1400, s25;
	[sflag:s10] =	ssyncadd.s32 $0xFFFFC000  }
0xdd: {  	[spmem:s2] =	stream.indirect.scatter.add.f32 [tilespmem:s1], [sflag:$0x3], $0x80, s26, s0, $0xb8;
	[tilespmem:$0x1E800] =	vst v63  }
0xde: {  	_ =	swait.ge [sflag:s11], $0x4000  }
0xdf: {  	[sflag:s11] =	ssyncset.done $0x0  }
0xe0: {  	s26 =	sadd.s32 $0x100, s25;
	[sflag:s11] =	ssyncadd.s32 $0xFFFFC000  }
0xe1: {  	[tilespmem:s1], [sflag:$0x1] =	stream.indirect.gather [hbm4b:s6+s0], $0x80, s26, s0, $0xb8;
	[tilespmem:$0x1E800] =	vst v63  }
0xe2: {  	_ =	swait.ge [sflag:s12], $0x4000  }
0xe3: {  	[sflag:s12] =	ssyncset.done $0x0  }
.Ltmp2:
0xe4: {  	s26 =	sadd.s32 $0x1480, s25;
	[sflag:s12] =	ssyncadd.s32 $0xFFFFC000;
	(pc) =	sbr.rel @p4 .LBB2_6-.Ltmp2, $4  }
0xe5: {  	[spmem:s2] =	stream.indirect.scatter.add.f32 [tilespmem:s9], [sflag:$0x4], $0x80, s26, s0, $0xb8;
	[tilespmem:$0x1E800] =	vst v63  }
0xe6: {  	_ =	swait.ge [sflag:s13], $0x4000  }
0xe7: {  	[sflag:s13] =	ssyncset.done $0x0  }
0xe8: {  	s25 =	sadd.s32 $0x180, s25;
	[sflag:s13] =	ssyncadd.s32 $0xFFFFC000  }
0xe9: {  	[tilespmem:s9], [sflag:$0x2] =	stream.indirect.gather [hbm4b:s6+s0], $0x80, s25, s0, $0xb8;
	[tilespmem:$0x1E800] =	vst v63  }
0xea: {  	_ =	swait.ge [sflag:s10], $0x4000  }
0xeb: {  	[sflag:s10] =	ssyncset.done $0x0  }
0xec: {  	[sflag:s10] =	ssyncadd.s32 $0xFFFFC000  }
0xed: {  	[spmem:s2] =	stream.indirect.scatter.add.f32 [tilespmem:s1], [sflag:$0x3], $0x80, s14, s0, $0xb8;
	[tilespmem:$0x1E800] =	vst v63  }
0xee: {  	_ =	swait.ge [sflag:s11], $0x4000  }
0xef: {  	[sflag:s11] =	ssyncset.done $0x0  }
0xf0: {  	[sflag:s11] =	ssyncadd.s32 $0xFFFFC000  }
0xf1: {  	_ =	swait.ge [sflag:s12], $0x4000  }
0xf2: {  	[sflag:s12] =	ssyncset.done $0x0  }
0xf3: {  	[sflag:s12] =	ssyncadd.s32 $0xFFFFC000  }
0xf4: {  	[spmem:s2] =	stream.indirect.scatter.add.f32 [tilespmem:s9], [sflag:$0x4], $0x80, s15, s0, $0xb8;
	[tilespmem:$0x1E800] =	vst v63  }
0xf5: {  	_ =	swait.ge [sflag:s13], $0x4000  }
0xf6: {  	[sflag:s13] =	ssyncset.done $0x0  }
0xf7: {  	[sflag:s13] =	ssyncadd.s32 $0xFFFFC000  }
0xf8: {  	[bflag:$0x0] =	sbarrier.arrive $0xFFFF  }
0xf9: {  	s23 =	rddreg [dreg:$0x11]  }
0xfa: {  	[hbm:s23], [sflag:s17] =	dma.local @!p0 [spmem:s19], $0x1900  }
0xfb: {  	s23 =	simm.s32 @!p0 $0x5  }
0xfc: {  	_ =	swait.ge @!p0 [sflag:s23], $0x1900  }
0xfd: {  	[sflag:s23] =	ssyncset.done @!p0 $0x0  }
0xfe: {  	[sflag:s23] =	ssyncadd.s32 @!p0 $0xFFFFE700;
	s23 =	rddreg [dreg:$0xd]  }
0xff: {  	[hbm:s23], [sflag:s17] =	dma.local @!p1 [spmem:s20], $0x2800  }
0x100: {  	s23 =	simm.s32 @!p1 $0x5  }
0x101: {  	_ =	swait.ge @!p1 [sflag:s23], $0x2800  }
0x102: {  	[sflag:s23] =	ssyncset.done @!p1 $0x0  }
0x103: {  	[sflag:s23] =	ssyncadd.s32 @!p1 $0xFFFFD800;
	s23 =	rddreg [dreg:$0x12]  }
0x104: {  	[hbm:s23], [sflag:s17] =	dma.local @!p2 [spmem:s21], $0x1900  }
0x105: {  	s23 =	simm.s32 @!p2 $0x5  }
0x106: {  	_ =	swait.ge @!p2 [sflag:s23], $0x1900  }
0x107: {  	[sflag:s23] =	ssyncset.done @!p2 $0x0  }
0x108: {  	[sflag:s23] =	ssyncadd.s32 @!p2 $0xFFFFE700;
	s23 =	rddreg [dreg:$0xe]  }
0x109: {  	[hbm:s23], [sflag:s17] =	dma.local @!p3 [spmem:s22], $0x2800  }
0x10a: {  	s23 =	simm.s32 @!p3 $0x5  }
0x10b: {  	_ =	swait.ge @!p3 [sflag:s23], $0x2800  }
0x10c: {  	[sflag:s23] =	ssyncset.done @!p3 $0x0  }
0x10d: {  	[sflag:s23] =	ssyncadd.s32 @!p3 $0xFFFFD800  }
0x10e: {  	[bflag:$0x0] =	sbarrier.arrive $0xFFFF  }
0x10f: {  	[spmem:s18], [sflag:s17] =	dma.local [hbm:s8], $0x2800  }
0x110: {  	_ =	swait.ge [sflag:s31], $0x2800  }
0x111: {  	[sflag:s31] =	ssyncset.done $0x0  }
0x112: {  	[sflag:s31] =	ssyncadd.s32 $0xFFFFD800  }
0x113: {  	s26 =	simm.s32 $0x0;
	[bflag:$0x0] =	sbarrier.arrive $0xFFFF  }
0x114: {  	[tilespmem:s1], [sflag:$0x1] =	stream.indirect.gather [hbm4b:s7+s0], $0x80, s26, s0, $0xb8;
	[tilespmem:$0x1E800] =	vst v63  }
0x115: {  	_ = 	snop  }
0x116: {  	[tilespmem:s9], [sflag:$0x2] =	stream.indirect.gather [hbm4b:s7+s0], $0x80, s0, s0, $0xb8;
	[tilespmem:$0x1E800] =	vst v63  }
0x117: {  	_ =	swait.ge [sflag:s10], $0x4000  }
0x118: {  	[sflag:s10] =	ssyncset.done $0x0  }
0x119: {  	s23 =	simm.s32 $0x1400;
	[sflag:s10] =	ssyncadd.s32 $0xFFFFC000  }
0x11a: {  	[spmem:s2] =	stream.indirect.scatter.add.f32 [tilespmem:s1], [sflag:$0x3], $0x80, s23, s0, $0xb8;
	[tilespmem:$0x1E800] =	vst v63  }
0x11b: {  	_ =	swait.ge [sflag:s11], $0x4000  }
0x11c: {  	[sflag:s11] =	ssyncset.done $0x0  }
0x11d: {  	s25 =	simm.s32 $0x100;
	[sflag:s11] =	ssyncadd.s32 $0xFFFFC000  }
0x11e: {  	[tilespmem:s1], [sflag:$0x1] =	stream.indirect.gather [hbm4b:s7+s0], $0x80, s25, s0, $0xb8;
	[tilespmem:$0x1E800] =	vst v63  }
0x11f: {  	_ =	swait.ge [sflag:s12], $0x4000  }
0x120: {  	[sflag:s12] =	ssyncset.done $0x0  }
0x121: {  	s26 =	simm.s32 $0x1480;
	[sflag:s12] =	ssyncadd.s32 $0xFFFFC000  }
0x122: {  	[spmem:s2] =	stream.indirect.scatter.add.f32 [tilespmem:s9], [sflag:$0x4], $0x80, s26, s0, $0xb8;
	[tilespmem:$0x1E800] =	vst v63  }
0x123: {  	_ =	swait.ge [sflag:s13], $0x4000  }
0x124: {  	[sflag:s13] =	ssyncset.done $0x0  }
0x125: {  	s18 =	simm.s32 $0x400;
	s23 =	simm.s32 $0x180;
	[sflag:s13] =	ssyncadd.s32 $0xFFFFC000  }
.LBB2_8:
0x126: {  	[tilespmem:s9], [sflag:$0x2] =	stream.indirect.gather [hbm4b:s7+s0], $0x80, s23, s0, $0xb8;
	[tilespmem:$0x1E800] =	vst v63  }
0x127: {  	s23 =	smov.u32 s18  }
0x128: {  	p4 =	sne.s32 s18, $0x4800;
	s18 =	sadd.s32 $0x400, s18;
	_ =	swait.ge [sflag:s10], $0x4000  }
0x129: {  	s23 =	sshra.s32 s23, $0x2;
	[sflag:s10] =	ssyncset.done $0x0  }
0x12a: {  	s25 =	sadd.s32 $0x1400, s23;
	[sflag:s10] =	ssyncadd.s32 $0xFFFFC000  }
0x12b: {  	[spmem:s2] =	stream.indirect.scatter.add.f32 [tilespmem:s1], [sflag:$0x3], $0x80, s25, s0, $0xb8;
	[tilespmem:$0x1E800] =	vst v63  }
0x12c: {  	_ =	swait.ge [sflag:s11], $0x4000  }
0x12d: {  	[sflag:s11] =	ssyncset.done $0x0  }
0x12e: {  	s25 =	sadd.s32 $0x100, s23;
	[sflag:s11] =	ssyncadd.s32 $0xFFFFC000  }
0x12f: {  	[tilespmem:s1], [sflag:$0x1] =	stream.indirect.gather [hbm4b:s7+s0], $0x80, s25, s0, $0xb8;
	[tilespmem:$0x1E800] =	vst v63  }
0x130: {  	_ =	swait.ge [sflag:s12], $0x4000  }
0x131: {  	[sflag:s12] =	ssyncset.done $0x0  }
.Ltmp3:
0x132: {  	s25 =	sadd.s32 $0x1480, s23;
	[sflag:s12] =	ssyncadd.s32 $0xFFFFC000;
	(pc) =	sbr.rel @p4 .LBB2_8-.Ltmp3, $4  }
0x133: {  	[spmem:s2] =	stream.indirect.scatter.add.f32 [tilespmem:s9], [sflag:$0x4], $0x80, s25, s0, $0xb8;
	[tilespmem:$0x1E800] =	vst v63  }
0x134: {  	_ =	swait.ge [sflag:s13], $0x4000  }
0x135: {  	[sflag:s13] =	ssyncset.done $0x0  }
0x136: {  	s23 =	sadd.s32 $0x180, s23;
	[sflag:s13] =	ssyncadd.s32 $0xFFFFC000  }
0x137: {  	[tilespmem:s9], [sflag:$0x2] =	stream.indirect.gather [hbm4b:s7+s0], $0x80, s23, s0, $0xb8;
	[tilespmem:$0x1E800] =	vst v63  }
0x138: {  	_ =	swait.ge [sflag:s10], $0x4000  }
0x139: {  	[sflag:s10] =	ssyncset.done $0x0  }
0x13a: {  	[sflag:s10] =	ssyncadd.s32 $0xFFFFC000  }
0x13b: {  	[spmem:s2] =	stream.indirect.scatter.add.f32 [tilespmem:s1], [sflag:$0x3], $0x80, s14, s0, $0xb8;
	[tilespmem:$0x1E800] =	vst v63  }
0x13c: {  	_ =	swait.ge [sflag:s11], $0x4000  }
0x13d: {  	[sflag:s11] =	ssyncset.done $0x0  }
0x13e: {  	[sflag:s11] =	ssyncadd.s32 $0xFFFFC000  }
0x13f: {  	_ =	swait.ge [sflag:s12], $0x4000  }
0x140: {  	[sflag:s12] =	ssyncset.done $0x0  }
0x141: {  	[sflag:s12] =	ssyncadd.s32 $0xFFFFC000  }
0x142: {  	[spmem:s2] =	stream.indirect.scatter.add.f32 [tilespmem:s9], [sflag:$0x4], $0x80, s15, s0, $0xb8;
	[tilespmem:$0x1E800] =	vst v63  }
0x143: {  	_ =	swait.ge [sflag:s13], $0x4000  }
0x144: {  	[sflag:s13] =	ssyncset.done $0x0  }
0x145: {  	[sflag:s13] =	ssyncadd.s32 $0xFFFFC000  }
0x146: {  	[bflag:$0x0] =	sbarrier.arrive $0xFFFF  }
0x147: {  	s18 =	rddreg [dreg:$0x13]  }
0x148: {  	[hbm:s18], [sflag:s17] =	dma.local @!p0 [spmem:s19], $0x1900  }
0x149: {  	s18 =	simm.s32 @!p0 $0x5  }
0x14a: {  	_ =	swait.ge @!p0 [sflag:s18], $0x1900  }
0x14b: {  	[sflag:s18] =	ssyncset.done @!p0 $0x0  }
0x14c: {  	[sflag:s18] =	ssyncadd.s32 @!p0 $0xFFFFE700;
	s18 =	rddreg [dreg:$0xf]  }
0x14d: {  	[hbm:s18], [sflag:s17] =	dma.local @!p1 [spmem:s20], $0x2800  }
0x14e: {  	s18 =	simm.s32 @!p1 $0x5  }
0x14f: {  	_ =	swait.ge @!p1 [sflag:s18], $0x2800  }
0x150: {  	[sflag:s18] =	ssyncset.done @!p1 $0x0  }
0x151: {  	[sflag:s18] =	ssyncadd.s32 @!p1 $0xFFFFD800;
	s18 =	simm.s32 @!p2 $0x5  }
0x152: {  	[hbm:s28], [sflag:s17] =	dma.local @!p2 [spmem:s21], $0x1900  }
0x153: {  	_ =	swait.ge @!p2 [sflag:s18], $0x1900  }
0x154: {  	[sflag:s18] =	ssyncset.done @!p2 $0x0  }
0x155: {  	s16 =	sadd.s32 $0x1, s16;
	[sflag:s18] =	ssyncadd.s32 @!p2 $0xFFFFE700;
	s18 =	rddreg [dreg:$0x10]  }
0x156: {  	[hbm:s18], [sflag:s17] =	dma.local @!p3 [spmem:s22], $0x2800  }
0x157: {  	p4 =	sne.s32 s16, s29;
	s17 =	simm.s32 @!p3 $0x5  }
.Ltmp4:
0x158: {  	_ =	swait.ge @!p3 [sflag:s17], $0x2800;
	(pc) =	sbr.rel @p4 .LBB2_1-.Ltmp4, $3  }
0x159: {  	[sflag:s17] =	ssyncset.done @!p3 $0x0  }
0x15a: {  	[sflag:s17] =	ssyncadd.s32 @!p3 $0xFFFFD800  }
0x15b: {  	[bflag:$0x0] =	sbarrier.arrive $0xFFFF;
	_ =	sdelay $0x1  }
0x15c: {  	_ =	sfence.sel $0x180000  }
0x15d: {  	[bflag:$0x0] =	sbarrier.arrive $0xFFFF  }
0x15e: {  	_ =	strace $0x9000004A  }
0x15f: {  	s0 =	stileid.u32;
	[bflag:$0x2] =	sbarrier.arrive $0xFFFF  }
0x160: {  	p0 =	sne.s32 s0, $0x0;
	s0 =	rddreg [dreg:$0x2]  }
0x161: {  	s0 =	sadd.s32 @!p0 $0x100000, s0  }
0x162: {  	[sflag:s0] =	ssyncadd.tile.s32 @!p0 $0x1;
	_ =	shalt  }
.Lfunc_end2:
_tile_overlayer_lowered:
.L_overlay_start_2:
0x163: {  	(tag) =	ssettag $0x2  }
0x164: {  	s0 =	rddreg [dreg:$0x0];
	s2 =	stileid.u32  }
0x165: {  	s1 =	rddreg [dreg:$0x1];
	p0 =	sne.s32 s2, $0x0  }
0x166: {  	s3 =	rddreg [dreg:$0x2];
	[bflag:$0x3] =	sbarrier.arrive $0xFFFF;
	s2 =	simm.s32 @!p0 $0x1C05  }
0x167: {  	[timem:s3], [sflag:s2] =	dma.local @!p0 [hbm:s0], s1  }
0x168: {  	s0 =	simm.s32 @!p0 $0x5  }
0x169: {  	_ =	swait.ge @!p0 [sflag:s0], s1  }
0x16a: {  	s1 =	ssub.s32 @!p0 $0x0, s1;
	[sflag:s0] =	ssyncset.done @!p0 $0x0  }
0x16b: {  	[sflag:s0] =	ssyncadd.s32 @!p0 s1  }
0x16c: {  	[bflag:$0x3] =	sbarrier.arrive $0xFFFF  }
0x16d: {  	_ =	shalt  }

</sc_bundles>
